<compile_context>
chip_gen: v7x
topology: tpu7x:2x2x1
jax: 0.10.2.dev20260603
libtpu: 0.0.44.dev20260713+nightly
codegen_flags: <defaults>
</compile_context>

<pallas_src>
import functools

import jax
import jax.numpy as jnp
from jax import lax
from jax.experimental import pallas as pl
from jax.experimental.pallas import tpu as pltpu
from jax.experimental.pallas import tpu_sc as plsc

B, N, D, E, K, H, FF, OUT = 2, 2048, 1024, 8, 2, 128, 1024, 4
T = B * N
TB = 1024
NTB = T // TB
TILE = 512
PADTOT = 2 * T + E * TILE
NT = PADTOT // TILE
NW = 32
CHUNK = T // NW


D2 = D // 2


def _router_body(x_ref, nr_ref, w1_ref, b1_ref, w2_ref, b2_ref, rb_ref,
                 e0_ref, e1_ref, r0_ref, r1_ref, g0_ref, g1_ref,
                 off_ref, meta_ref, aux_ref, xp_ref, carry_cnt, carry_gm):
    i = pl.program_id(0)

    @pl.when(i == 0)
    def _():
        carry_cnt[...] = jnp.zeros((1, E), jnp.float32)
        carry_gm[...] = jnp.zeros((1, E), jnp.float32)

    x = x_ref[...]
    u = lax.bitcast_convert_type(x, jnp.uint32)
    rne = lambda v: (v + jnp.uint32(0x7FFF)
                     + ((v >> jnp.uint32(16)) & jnp.uint32(1))) >> jnp.uint32(16)
    ra = rne(u[:, :D2])
    rb = rne(u[:, D2:])
    xp_ref[...] = lax.bitcast_convert_type(ra | (rb << jnp.uint32(16)),
                                           jnp.int32)

    h = jnp.maximum(jnp.dot(x, w1_ref[...], preferred_element_type=jnp.float32)
                    + b1_ref[...], 0.0)
    logits = (jnp.dot(h, w2_ref[...], preferred_element_type=jnp.float32)
              + b2_ref[...] + rb_ref[...] * nr_ref[...])

    iota_e = lax.broadcasted_iota(jnp.int32, (TB, E), 1)
    m0 = jnp.max(logits, axis=1, keepdims=True)
    i0 = jnp.min(jnp.where(logits == m0, iota_e, E), axis=1, keepdims=True)
    masked = jnp.where(iota_e == i0, -1e30, logits)
    m1 = jnp.max(masked, axis=1, keepdims=True)
    i1 = jnp.min(jnp.where(masked == m1, iota_e, E), axis=1, keepdims=True)

    e1x = jnp.exp(m1 - m0)
    g0 = 1.0 / (1.0 + e1x)
    g1 = e1x * g0

    oh0 = (iota_e == i0).astype(jnp.float32)
    oh1 = (iota_e == i1).astype(jnp.float32)
    s = oh0 + oh1

    ir = lax.broadcasted_iota(jnp.int32, (TB, TB), 0)
    ic = lax.broadcasted_iota(jnp.int32, (TB, TB), 1)
    ltri = (ic < ir).astype(jnp.float32)
    excl = jnp.dot(ltri, s, preferred_element_type=jnp.float32)
    base = excl + carry_cnt[...]

    r0 = jnp.sum(oh0 * base, axis=1, keepdims=True)
    r1 = jnp.sum(oh1 * base, axis=1, keepdims=True)

    carry_cnt[...] = carry_cnt[...] + jnp.sum(s, axis=0, keepdims=True)
    carry_gm[...] = carry_gm[...] + jnp.sum(g0 * oh0 + g1 * oh1, axis=0,
                                            keepdims=True)

    e0_ref[...] = i0
    e1_ref[...] = i1
    r0_ref[...] = r0.astype(jnp.int32)
    r1_ref[...] = r1.astype(jnp.int32)
    g0_ref[...] = g0
    g1_ref[...] = g1

    @pl.when(i == NTB - 1)
    def _():
        cnt = carry_cnt[...]
        width = jnp.ceil(cnt / TILE) * TILE
        iu = lax.broadcasted_iota(jnp.int32, (E, E), 0)
        ju = lax.broadcasted_iota(jnp.int32, (E, E), 1)
        sut = (iu < ju).astype(jnp.float32)
        off = jnp.dot(width, sut, preferred_element_type=jnp.float32)
        off_ref[...] = off.astype(jnp.int32)
        lane = lax.broadcasted_iota(jnp.int32, (8, 128), 1)
        tstart = (lane * TILE).astype(jnp.float32)
        te = jnp.zeros((8, 128), jnp.int32)
        for e in range(1, E):
            te = te + (tstart >= off[:, e:e + 1]).astype(jnp.int32)
        nreal = ((off[:, E - 1:E] + width[:, E - 1:E]) / TILE).astype(jnp.int32)
        row = lax.broadcasted_iota(jnp.int32, (8, 128), 0)
        meta_ref[...] = jnp.where(row == 0, te, nreal)
        scale = 0.01 * E / (float(T) * float(T))
        aux_ref[...] = jnp.sum(cnt * carry_gm[...],
                               keepdims=True).reshape(1, 1) * scale


def _router_call(x2, nr2, Wr1, br1, Wr2, br2, rbias):
    out_shapes = (
        jax.ShapeDtypeStruct((T, 1), jnp.int32),
        jax.ShapeDtypeStruct((T, 1), jnp.int32),
        jax.ShapeDtypeStruct((T, 1), jnp.int32),
        jax.ShapeDtypeStruct((T, 1), jnp.int32),
        jax.ShapeDtypeStruct((T, 1), jnp.float32),
        jax.ShapeDtypeStruct((T, 1), jnp.float32),
        jax.ShapeDtypeStruct((1, E), jnp.int32),
        jax.ShapeDtypeStruct((8, 128), jnp.int32),
        jax.ShapeDtypeStruct((1, 1), jnp.float32),
        jax.ShapeDtypeStruct((T, D2), jnp.int32),
    )
    tok_vec = pl.BlockSpec((TB, 1), lambda i: (i, 0))
    return pl.pallas_call(
        _router_body,
        grid=(NTB,),
        in_specs=[
            pl.BlockSpec((TB, D), lambda i: (i, 0)),
            pl.BlockSpec((TB, E), lambda i: (i, 0)),
            pl.BlockSpec((D, H), lambda i: (0, 0)),
            pl.BlockSpec((1, H), lambda i: (0, 0)),
            pl.BlockSpec((H, E), lambda i: (0, 0)),
            pl.BlockSpec((1, E), lambda i: (0, 0)),
            pl.BlockSpec((1, E), lambda i: (0, 0)),
        ],
        out_specs=(tok_vec, tok_vec, tok_vec, tok_vec, tok_vec, tok_vec,
                   pl.BlockSpec((1, E), lambda i: (0, 0)),
                   pl.BlockSpec((8, 128), lambda i: (0, 0)),
                   pl.BlockSpec((1, 1), lambda i: (0, 0)),
                   pl.BlockSpec((TB, D2), lambda i: (i, 0))),
        out_shape=out_shapes,
        scratch_shapes=[pltpu.VMEM((1, E), jnp.float32),
                        pltpu.VMEM((1, E), jnp.float32)],
    )(x2, nr2, Wr1, br1.reshape(1, H), Wr2, br2.reshape(1, E),
      rbias.reshape(1, E))


def _make_dispatch():
    mesh = plsc.VectorSubcoreMesh(core_axis_name="c", subcore_axis_name="s")

    @functools.partial(
        pl.kernel, mesh=mesh,
        out_type=jax.ShapeDtypeStruct((PADTOT, D // 2), jnp.int32),
        compiler_params=pltpu.CompilerParams(needs_layout_passes=False),
        scratch_types=[
            pltpu.VMEM((CHUNK, D // 2), jnp.int32),
            pltpu.VMEM((E,), jnp.int32),
            pltpu.VMEM((CHUNK,), jnp.int32),
            pltpu.VMEM((CHUNK,), jnp.int32),
            pltpu.VMEM((CHUNK,), jnp.int32),
            pltpu.VMEM((CHUNK,), jnp.int32),
            pltpu.VMEM((CHUNK,), jnp.int32),
            pltpu.VMEM((CHUNK,), jnp.int32),
            pltpu.SemaphoreType.DMA,
            pltpu.SemaphoreType.DMA,
        ],
    )
    def dispatch(x_hbm, e0_hbm, e1_hbm, r0_hbm, r1_hbm, off_hbm, xg_hbm,
                 buf, offv, e0v, e1v, r0v, r1v, i0v, i1v, s0, s1):
        wid = lax.axis_index("s") * 2 + lax.axis_index("c")
        base = wid * CHUNK
        cx = pltpu.async_copy(x_hbm.at[pl.ds(base, CHUNK)], buf, s0)
        pltpu.sync_copy(off_hbm, offv)
        pltpu.sync_copy(e0_hbm.at[pl.ds(base, CHUNK)], e0v)
        pltpu.sync_copy(e1_hbm.at[pl.ds(base, CHUNK)], e1v)
        pltpu.sync_copy(r0_hbm.at[pl.ds(base, CHUNK)], r0v)
        pltpu.sync_copy(r1_hbm.at[pl.ds(base, CHUNK)], r1v)
        for v in range(CHUNK // 16):
            sl = pl.ds(v * 16, 16)
            i0v[sl] = plsc.load_gather(offv, [e0v[sl]]) + r0v[sl]
            i1v[sl] = plsc.load_gather(offv, [e1v[sl]]) + r1v[sl]
        cx.wait()
        c0 = pltpu.async_copy(buf, xg_hbm.at[i0v], s0)
        c1 = pltpu.async_copy(buf, xg_hbm.at[i1v], s1)
        c0.wait()
        c1.wait()

    return dispatch


def _ffn_body(te_ref, nr_ref, xg_ref, w1_ref, b1_ref, w2_ref, b2_ref,
              w3_ref, b3_ref, y_ref, w1b, w2b, w3b):
    i = pl.program_id(0)

    @pl.when(i < nr_ref[0])
    def _():
        prev = te_ref[jnp.maximum(i - 1, 0)]
        @pl.when((i == 0) | (te_ref[i] != prev))
        def _():
            w1b[...] = w1_ref[0].astype(jnp.bfloat16)
            w2b[...] = w2_ref[0].astype(jnp.bfloat16)
            w3b[...] = w3_ref[0].astype(jnp.bfloat16)
        w = xg_ref[...]
        xa = lax.bitcast_convert_type(w << 16, jnp.float32).astype(jnp.bfloat16)
        xb = lax.bitcast_convert_type(w & jnp.int32(-65536),
                                      jnp.float32).astype(jnp.bfloat16)
        h1 = jnp.maximum(
            jnp.dot(xa, w1b[:D2], preferred_element_type=jnp.float32)
            + jnp.dot(xb, w1b[D2:], preferred_element_type=jnp.float32)
            + b1_ref[0], 0.0).astype(jnp.bfloat16)
        h2 = jnp.maximum(
            jnp.dot(h1, w2b[...], preferred_element_type=jnp.float32)
            + b2_ref[0], 0.0).astype(jnp.bfloat16)
        y_ref[...] = (jnp.dot(h2, w3b[...], preferred_element_type=jnp.float32)
                      + b3_ref[0])


def _ffn_call(te, nreal, xg, w1, b1, w2, b2, w3, b3):
    spec = pltpu.PrefetchScalarGridSpec(
        num_scalar_prefetch=2,
        grid=(NT,),
        in_specs=[
            pl.BlockSpec((TILE, D2), lambda i, te, nr: (i, 0)),
            pl.BlockSpec((1, D, FF), lambda i, te, nr: (te[i], 0, 0)),
            pl.BlockSpec((1, 1, FF), lambda i, te, nr: (te[i], 0, 0)),
            pl.BlockSpec((1, FF, FF), lambda i, te, nr: (te[i], 0, 0)),
            pl.BlockSpec((1, 1, FF), lambda i, te, nr: (te[i], 0, 0)),
            pl.BlockSpec((1, FF, OUT), lambda i, te, nr: (te[i], 0, 0)),
            pl.BlockSpec((1, 1, OUT), lambda i, te, nr: (te[i], 0, 0)),
        ],
        out_specs=pl.BlockSpec((TILE, OUT), lambda i, te, nr: (i, 0)),
        scratch_shapes=[pltpu.VMEM((D, FF), jnp.bfloat16),
                        pltpu.VMEM((FF, FF), jnp.bfloat16),
                        pltpu.VMEM((FF, OUT), jnp.bfloat16)],
    )
    return pl.pallas_call(
        _ffn_body, grid_spec=spec,
        out_shape=jax.ShapeDtypeStruct((PADTOT, OUT), jnp.float32),
    )(te, nreal, xg, w1, b1.reshape(E, 1, FF), w2, b2.reshape(E, 1, FF),
      w3, b3.reshape(E, 1, OUT))


def _make_combine():
    mesh = plsc.VectorSubcoreMesh(core_axis_name="c", subcore_axis_name="s")

    @functools.partial(
        pl.kernel, mesh=mesh,
        out_type=jax.ShapeDtypeStruct((T * OUT,), jnp.float32),
        compiler_params=pltpu.CompilerParams(needs_layout_passes=False),
        scratch_types=[
            pltpu.VMEM((PADTOT * OUT,), jnp.float32),
            pltpu.VMEM((E,), jnp.int32),
            pltpu.VMEM((CHUNK,), jnp.int32),
            pltpu.VMEM((CHUNK,), jnp.int32),
            pltpu.VMEM((CHUNK,), jnp.int32),
            pltpu.VMEM((CHUNK,), jnp.int32),
            pltpu.VMEM((CHUNK,), jnp.float32),
            pltpu.VMEM((CHUNK,), jnp.float32),
            pltpu.VMEM((CHUNK * OUT,), jnp.float32),
        ],
    )
    def combine(y_hbm, e0_hbm, e1_hbm, r0_hbm, r1_hbm, off_hbm,
                g0_hbm, g1_hbm, out_hbm,
                ytile, offv, e0v, e1v, r0v, r1v, g0v, g1v, ob):
        wid = lax.axis_index("s") * 2 + lax.axis_index("c")
        base = wid * CHUNK
        pltpu.sync_copy(y_hbm, ytile)
        pltpu.sync_copy(off_hbm, offv)
        pltpu.sync_copy(e0_hbm.at[pl.ds(base, CHUNK)], e0v)
        pltpu.sync_copy(e1_hbm.at[pl.ds(base, CHUNK)], e1v)
        pltpu.sync_copy(r0_hbm.at[pl.ds(base, CHUNK)], r0v)
        pltpu.sync_copy(r1_hbm.at[pl.ds(base, CHUNK)], r1v)
        pltpu.sync_copy(g0_hbm.at[pl.ds(base, CHUNK)], g0v)
        pltpu.sync_copy(g1_hbm.at[pl.ds(base, CHUNK)], g1v)
        lanes = lax.broadcasted_iota(jnp.int32, (16,), 0)
        for v in range(CHUNK // 16):
            sl = pl.ds(v * 16, 16)
            rows0 = (plsc.load_gather(offv, [e0v[sl]]) + r0v[sl]) * OUT
            rows1 = (plsc.load_gather(offv, [e1v[sl]]) + r1v[sl]) * OUT
            ga = g0v[sl]
            gb = g1v[sl]
            orow = (lanes + v * 16) * OUT
            for c in range(OUT):
                ya = plsc.load_gather(ytile, [rows0 + c])
                yb = plsc.load_gather(ytile, [rows1 + c])
                plsc.store_scatter(ob, [orow + c], ga * ya + gb * yb)
        pltpu.sync_copy(ob, out_hbm.at[pl.ds(base * OUT, CHUNK * OUT)])

    return combine


def kernel(x, node_regions, Wr1, br1, Wr2, br2, rbias,
           We1, be1, We2, be2, We3, be3):
    x2 = x.reshape(T, D)
    nr2 = node_regions.reshape(T, E)

    e0, e1, r0, r1, g0, g1, off, meta, aux, xp = _router_call(
        x2, nr2, Wr1, br1, Wr2, br2, rbias)

    e0f, e1f = e0.reshape(T), e1.reshape(T)
    r0f, r1f = r0.reshape(T), r1.reshape(T)
    offf = off.reshape(E)
    xg = _make_dispatch()(xp, e0f, e1f, r0f, r1f, offf)
    y = _ffn_call(meta[0], meta[1, :1], xg, We1, be1, We2, be2, We3, be3)
    out = _make_combine()(y.reshape(PADTOT * OUT), e0f, e1f, r0f, r1f, offf,
                          g0.reshape(T), g1.reshape(T))
    return (out.reshape(B, N, OUT), aux[0, 0])

# --- scband reference (transcript-rebuilt; emitter-appended) ---
"""Pipeline reference for scband-regional-mo-elayer-59064390255201 (READ-ONLY COPY).

The authoritative reference and input builder live on the scoring server;
editing this copy changes nothing except your own understanding.
"""

import jax, jax.numpy as jnp
import numpy as np

B, N, D, E, K, H, FF, OUT = 2, 2048, 1024, 8, 2, 128, 1024, 4


def setup_inputs(seed: int = 0) -> dict:
    key = jax.random.key(seed)
    ks = jax.random.split(key, 8)
    def s(k, shape, fan):
        return (jax.random.normal(k, shape, dtype=jnp.float32) * (1.0 / np.sqrt(fan))).astype(jnp.float32)
    return {
        "x": jax.random.normal(ks[0], (B, N, D), dtype=jnp.float32),
        "node_regions": jax.random.uniform(ks[1], (B, N, E), dtype=jnp.float32),
        "Wr1": s(ks[2], (D, H), D), "br1": jnp.zeros((H,), dtype=jnp.float32),
        "Wr2": s(ks[3], (H, E), H), "br2": jnp.zeros((E,), dtype=jnp.float32),
        "rbias": jnp.zeros((E,), dtype=jnp.float32),
        "We1": s(ks[4], (E, D, FF), D), "be1": jnp.zeros((E, FF), dtype=jnp.float32),
        "We2": s(ks[5], (E, FF, FF), FF), "be2": jnp.zeros((E, FF), dtype=jnp.float32),
        "We3": s(ks[6], (E, FF, OUT), FF), "be3": jnp.zeros((E, OUT), dtype=jnp.float32),
    }


def reference(x, node_regions, Wr1, br1, Wr2, br2, rbias, We1, be1, We2, be2, We3, be3):
    # RegionalRouter (eval mode: no dropout, no noise)
    h = jax.nn.relu(x @ Wr1 + br1)
    routing_logits = h @ Wr2 + br2
    routing_logits = routing_logits + rbias * node_regions
    top_vals, top_idx = jax.lax.top_k(routing_logits, K)
    gates = jax.nn.softmax(top_vals, axis=-1)  # [B, N, K]
    # Experts (dense evaluation of all experts, then gather selected)
    outs = []
    for e in range(E):
        h1 = jax.nn.relu(x @ We1[e] + be1[e])
        h2 = jax.nn.relu(h1 @ We2[e] + be2[e])
        outs.append(h2 @ We3[e] + be3[e])
    expert_out = jnp.stack(outs, axis=2)  # [B, N, E, OUT]
    sel = jnp.take_along_axis(expert_out, top_idx[..., None], axis=2)  # [B, N, K, OUT]
    output = jnp.sum(gates[..., None] * sel, axis=2)  # [B, N, OUT]
    # Load-balance auxiliary loss (Switch-style: fraction routed * gate mass per expert)
    one_hot = jax.nn.one_hot(top_idx, E, dtype=x.dtype)  # [B, N, K, E]
    frac_tokens = jnp.mean(jnp.sum(one_hot, axis=2), axis=(0, 1))  # [E]
    gate_mass = jnp.mean(jnp.sum(gates[..., None] * one_hot, axis=2), axis=(0, 1))  # [E]
    aux_loss = 0.01 * E * jnp.sum(frac_tokens * gate_mass)
    return (output, aux_loss)

if __name__ == "__main__":
    import jax
    _d = setup_inputs()
    print(jax.jit(kernel)(*tuple(_d.values())))

</pallas_src>

<mosaic_0001>
#map = affine_map<(d0, d1) -> (0)>
module attributes {stable_mosaic.version = 14 : i64} {
  func.func @combine(%arg0: i32, %arg1: i32, %arg2: memref<49152xf32, #tpu.memory_space<hbm>>, %arg3: memref<4096xi32, #tpu.memory_space<hbm>>, %arg4: memref<4096xi32, #tpu.memory_space<hbm>>, %arg5: memref<4096xi32, #tpu.memory_space<hbm>>, %arg6: memref<4096xi32, #tpu.memory_space<hbm>>, %arg7: memref<8xi32, #tpu.memory_space<hbm>>, %arg8: memref<4096xf32, #tpu.memory_space<hbm>>, %arg9: memref<4096xf32, #tpu.memory_space<hbm>>, %arg10: memref<16384xf32, #tpu.memory_space<hbm>>, %arg11: memref<49152xf32, #tpu.memory_space<vmem>>, %arg12: memref<8xi32, #tpu.memory_space<vmem>>, %arg13: memref<128xi32, #tpu.memory_space<vmem>>, %arg14: memref<128xi32, #tpu.memory_space<vmem>>, %arg15: memref<128xi32, #tpu.memory_space<vmem>>, %arg16: memref<128xi32, #tpu.memory_space<vmem>>, %arg17: memref<128xf32, #tpu.memory_space<vmem>>, %arg18: memref<128xf32, #tpu.memory_space<vmem>>, %arg19: memref<512xf32, #tpu.memory_space<vmem>>) attributes {dimension_semantics = [#tpu.dimension_semantics<core_parallel>, #tpu.dimension_semantics<subcore_parallel>], iteration_bounds = array<i64: 2, 16>, scalar_prefetch = 0 : i64, scratch_operands = 9 : i64, tpu.core_type = #tpu.core_type<sc_vector_subcore>, window_params = [{transform_indices = #map}, {transform_indices = #map}, {transform_indices = #map}, {transform_indices = #map}, {transform_indices = #map}, {transform_indices = #map}, {transform_indices = #map}, {transform_indices = #map}, {transform_indices = #map}]} {
    %mul3A = arith.constant 2 : i32
    %mul3A_0 = arith.muli %arg1, %mul3A : i32
    %add3A = arith.addi %mul3A_0, %arg0 : i32
    %mul3A_1 = arith.constant 128 : i32
    %mul3A_2 = arith.muli %add3A, %mul3A_1 : i32
    "tpu.region"() ({
      %run_scoped3A = tpu.sem_alloc : memref<!tpu.dma_semaphore, #tpu.memory_space<semaphore_mem>>
      tpu.enqueue_dma source(%arg2 : memref<49152xf32, #tpu.memory_space<hbm>>) target(%arg11 : memref<49152xf32, #tpu.memory_space<vmem>>) target_semaphore(%run_scoped3A : memref<!tpu.dma_semaphore, #tpu.memory_space<semaphore_mem>>)
      tpu.wait_dma2 semaphore(%run_scoped3A : memref<!tpu.dma_semaphore, #tpu.memory_space<semaphore_mem>>) src(%arg2 : memref<49152xf32, #tpu.memory_space<hbm>>) dst(%arg11 : memref<49152xf32, #tpu.memory_space<vmem>>)
      tpu.yield
    }) : () -> ()
    "tpu.region"() ({
      %run_scoped3A = tpu.sem_alloc : memref<!tpu.dma_semaphore, #tpu.memory_space<semaphore_mem>>
      tpu.enqueue_dma source(%arg7 : memref<8xi32, #tpu.memory_space<hbm>>) target(%arg12 : memref<8xi32, #tpu.memory_space<vmem>>) target_semaphore(%run_scoped3A : memref<!tpu.dma_semaphore, #tpu.memory_space<semaphore_mem>>)
      tpu.wait_dma2 semaphore(%run_scoped3A : memref<!tpu.dma_semaphore, #tpu.memory_space<semaphore_mem>>) src(%arg7 : memref<8xi32, #tpu.memory_space<hbm>>) dst(%arg12 : memref<8xi32, #tpu.memory_space<vmem>>)
      tpu.yield
    }) : () -> ()
    "tpu.region"() ({
      %run_scoped3A = tpu.sem_alloc : memref<!tpu.dma_semaphore, #tpu.memory_space<semaphore_mem>>
      %dma_start3A = tpu.memref_slice %arg3[%mul3A_2] : memref<4096xi32, #tpu.memory_space<hbm>> -> memref<128xi32, #tpu.memory_space<hbm>>
      %dma_start3A_675 = tpu.memref_slice %arg3[%mul3A_2] : memref<4096xi32, #tpu.memory_space<hbm>> -> memref<128xi32, #tpu.memory_space<hbm>>
      tpu.enqueue_dma source(%dma_start3A_675 : memref<128xi32, #tpu.memory_space<hbm>>) target(%arg13 : memref<128xi32, #tpu.memory_space<vmem>>) target_semaphore(%run_scoped3A : memref<!tpu.dma_semaphore, #tpu.memory_space<semaphore_mem>>)
      %dma_wait3A = tpu.memref_slice %arg3[%mul3A_2] : memref<4096xi32, #tpu.memory_space<hbm>> -> memref<128xi32, #tpu.memory_space<hbm>>
      %dma_wait3A_676 = tpu.memref_slice %arg3[%mul3A_2] : memref<4096xi32, #tpu.memory_space<hbm>> -> memref<128xi32, #tpu.memory_space<hbm>>
      tpu.wait_dma2 semaphore(%run_scoped3A : memref<!tpu.dma_semaphore, #tpu.memory_space<semaphore_mem>>) src(%dma_wait3A_676 : memref<128xi32, #tpu.memory_space<hbm>>) dst(%arg13 : memref<128xi32, #tpu.memory_space<vmem>>)
      tpu.yield
    }) : () -> ()
    "tpu.region"() ({
      %run_scoped3A = tpu.sem_alloc : memref<!tpu.dma_semaphore, #tpu.memory_space<semaphore_mem>>
      %dma_start3A = tpu.memref_slice %arg4[%mul3A_2] : memref<4096xi32, #tpu.memory_space<hbm>> -> memref<128xi32, #tpu.memory_space<hbm>>
      %dma_start3A_675 = tpu.memref_slice %arg4[%mul3A_2] : memref<4096xi32, #tpu.memory_space<hbm>> -> memref<128xi32, #tpu.memory_space<hbm>>
      tpu.enqueue_dma source(%dma_start3A_675 : memref<128xi32, #tpu.memory_space<hbm>>) target(%arg14 : memref<128xi32, #tpu.memory_space<vmem>>) target_semaphore(%run_scoped3A : memref<!tpu.dma_semaphore, #tpu.memory_space<semaphore_mem>>)
      %dma_wait3A = tpu.memref_slice %arg4[%mul3A_2] : memref<4096xi32, #tpu.memory_space<hbm>> -> memref<128xi32, #tpu.memory_space<hbm>>
      %dma_wait3A_676 = tpu.memref_slice %arg4[%mul3A_2] : memref<4096xi32, #tpu.memory_space<hbm>> -> memref<128xi32, #tpu.memory_space<hbm>>
      tpu.wait_dma2 semaphore(%run_scoped3A : memref<!tpu.dma_semaphore, #tpu.memory_space<semaphore_mem>>) src(%dma_wait3A_676 : memref<128xi32, #tpu.memory_space<hbm>>) dst(%arg14 : memref<128xi32, #tpu.memory_space<vmem>>)
      tpu.yield
    }) : () -> ()
    "tpu.region"() ({
      %run_scoped3A = tpu.sem_alloc : memref<!tpu.dma_semaphore, #tpu.memory_space<semaphore_mem>>
      %dma_start3A = tpu.memref_slice %arg5[%mul3A_2] : memref<4096xi32, #tpu.memory_space<hbm>> -> memref<128xi32, #tpu.memory_space<hbm>>
      %dma_start3A_675 = tpu.memref_slice %arg5[%mul3A_2] : memref<4096xi32, #tpu.memory_space<hbm>> -> memref<128xi32, #tpu.memory_space<hbm>>
      tpu.enqueue_dma source(%dma_start3A_675 : memref<128xi32, #tpu.memory_space<hbm>>) target(%arg15 : memref<128xi32, #tpu.memory_space<vmem>>) target_semaphore(%run_scoped3A : memref<!tpu.dma_semaphore, #tpu.memory_space<semaphore_mem>>)
      %dma_wait3A = tpu.memref_slice %arg5[%mul3A_2] : memref<4096xi32, #tpu.memory_space<hbm>> -> memref<128xi32, #tpu.memory_space<hbm>>
      %dma_wait3A_676 = tpu.memref_slice %arg5[%mul3A_2] : memref<4096xi32, #tpu.memory_space<hbm>> -> memref<128xi32, #tpu.memory_space<hbm>>
      tpu.wait_dma2 semaphore(%run_scoped3A : memref<!tpu.dma_semaphore, #tpu.memory_space<semaphore_mem>>) src(%dma_wait3A_676 : memref<128xi32, #tpu.memory_space<hbm>>) dst(%arg15 : memref<128xi32, #tpu.memory_space<vmem>>)
      tpu.yield
    }) : () -> ()
    "tpu.region"() ({
      %run_scoped3A = tpu.sem_alloc : memref<!tpu.dma_semaphore, #tpu.memory_space<semaphore_mem>>
      %dma_start3A = tpu.memref_slice %arg6[%mul3A_2] : memref<4096xi32, #tpu.memory_space<hbm>> -> memref<128xi32, #tpu.memory_space<hbm>>
      %dma_start3A_675 = tpu.memref_slice %arg6[%mul3A_2] : memref<4096xi32, #tpu.memory_space<hbm>> -> memref<128xi32, #tpu.memory_space<hbm>>
      tpu.enqueue_dma source(%dma_start3A_675 : memref<128xi32, #tpu.memory_space<hbm>>) target(%arg16 : memref<128xi32, #tpu.memory_space<vmem>>) target_semaphore(%run_scoped3A : memref<!tpu.dma_semaphore, #tpu.memory_space<semaphore_mem>>)
      %dma_wait3A = tpu.memref_slice %arg6[%mul3A_2] : memref<4096xi32, #tpu.memory_space<hbm>> -> memref<128xi32, #tpu.memory_space<hbm>>
      %dma_wait3A_676 = tpu.memref_slice %arg6[%mul3A_2] : memref<4096xi32, #tpu.memory_space<hbm>> -> memref<128xi32, #tpu.memory_space<hbm>>
      tpu.wait_dma2 semaphore(%run_scoped3A : memref<!tpu.dma_semaphore, #tpu.memory_space<semaphore_mem>>) src(%dma_wait3A_676 : memref<128xi32, #tpu.memory_space<hbm>>) dst(%arg16 : memref<128xi32, #tpu.memory_space<vmem>>)
      tpu.yield
    }) : () -> ()
    "tpu.region"() ({
      %run_scoped3A = tpu.sem_alloc : memref<!tpu.dma_semaphore, #tpu.memory_space<semaphore_mem>>
      %dma_start3A = tpu.memref_slice %arg8[%mul3A_2] : memref<4096xf32, #tpu.memory_space<hbm>> -> memref<128xf32, #tpu.memory_space<hbm>>
      %dma_start3A_675 = tpu.memref_slice %arg8[%mul3A_2] : memref<4096xf32, #tpu.memory_space<hbm>> -> memref<128xf32, #tpu.memory_space<hbm>>
      tpu.enqueue_dma source(%dma_start3A_675 : memref<128xf32, #tpu.memory_space<hbm>>) target(%arg17 : memref<128xf32, #tpu.memory_space<vmem>>) target_semaphore(%run_scoped3A : memref<!tpu.dma_semaphore, #tpu.memory_space<semaphore_mem>>)
      %dma_wait3A = tpu.memref_slice %arg8[%mul3A_2] : memref<4096xf32, #tpu.memory_space<hbm>> -> memref<128xf32, #tpu.memory_space<hbm>>
      %dma_wait3A_676 = tpu.memref_slice %arg8[%mul3A_2] : memref<4096xf32, #tpu.memory_space<hbm>> -> memref<128xf32, #tpu.memory_space<hbm>>
      tpu.wait_dma2 semaphore(%run_scoped3A : memref<!tpu.dma_semaphore, #tpu.memory_space<semaphore_mem>>) src(%dma_wait3A_676 : memref<128xf32, #tpu.memory_space<hbm>>) dst(%arg17 : memref<128xf32, #tpu.memory_space<vmem>>)
      tpu.yield
    }) : () -> ()
    "tpu.region"() ({
      %run_scoped3A = tpu.sem_alloc : memref<!tpu.dma_semaphore, #tpu.memory_space<semaphore_mem>>
      %dma_start3A = tpu.memref_slice %arg9[%mul3A_2] : memref<4096xf32, #tpu.memory_space<hbm>> -> memref<128xf32, #tpu.memory_space<hbm>>
      %dma_start3A_675 = tpu.memref_slice %arg9[%mul3A_2] : memref<4096xf32, #tpu.memory_space<hbm>> -> memref<128xf32, #tpu.memory_space<hbm>>
      tpu.enqueue_dma source(%dma_start3A_675 : memref<128xf32, #tpu.memory_space<hbm>>) target(%arg18 : memref<128xf32, #tpu.memory_space<vmem>>) target_semaphore(%run_scoped3A : memref<!tpu.dma_semaphore, #tpu.memory_space<semaphore_mem>>)
      %dma_wait3A = tpu.memref_slice %arg9[%mul3A_2] : memref<4096xf32, #tpu.memory_space<hbm>> -> memref<128xf32, #tpu.memory_space<hbm>>
      %dma_wait3A_676 = tpu.memref_slice %arg9[%mul3A_2] : memref<4096xf32, #tpu.memory_space<hbm>> -> memref<128xf32, #tpu.memory_space<hbm>>
      tpu.wait_dma2 semaphore(%run_scoped3A : memref<!tpu.dma_semaphore, #tpu.memory_space<semaphore_mem>>) src(%dma_wait3A_676 : memref<128xf32, #tpu.memory_space<hbm>>) dst(%arg18 : memref<128xf32, #tpu.memory_space<vmem>>)
      tpu.yield
    }) : () -> ()
    %iota3A = tpu.iota {dimensions = array<i32: 0>} : vector<16xi32>
    %get3A = arith.constant 0 : index
    %get3A_3 = tpu.vector_load %arg13[%get3A] {strides = array<i32>} : memref<128xi32, #tpu.memory_space<vmem>>, vector<16xi32>,
    %gather3A = tpu.vector_load_idx %arg12[%get3A_3] : memref<8xi32, #tpu.memory_space<vmem>>[vector<16xi32>], vector<16xi32>,
    %get3A_4 = arith.constant 0 : index
    %get3A_5 = tpu.vector_load %arg15[%get3A_4] {strides = array<i32>} : memref<128xi32, #tpu.memory_space<vmem>>, vector<16xi32>,
    %add3A_6 = arith.addi %gather3A, %get3A_5 : vector<16xi32>
    %mul3A_7 = arith.constant 4 : i32
    %mul3A_8 = vector.broadcast %mul3A_7 : i32 to vector<16xi32>
    %mul3A_9 = arith.muli %add3A_6, %mul3A_8 : vector<16xi32>
    %get3A_10 = arith.constant 0 : index
    %get3A_11 = tpu.vector_load %arg14[%get3A_10] {strides = array<i32>} : memref<128xi32, #tpu.memory_space<vmem>>, vector<16xi32>,
    %gather3A_12 = tpu.vector_load_idx %arg12[%get3A_11] : memref<8xi32, #tpu.memory_space<vmem>>[vector<16xi32>], vector<16xi32>,
    %get3A_13 = arith.constant 0 : index
    %get3A_14 = tpu.vector_load %arg16[%get3A_13] {strides = array<i32>} : memref<128xi32, #tpu.memory_space<vmem>>, vector<16xi32>,
    %add3A_15 = arith.addi %gather3A_12, %get3A_14 : vector<16xi32>
    %mul3A_16 = arith.constant 4 : i32
    %mul3A_17 = vector.broadcast %mul3A_16 : i32 to vector<16xi32>
    %mul3A_18 = arith.muli %add3A_15, %mul3A_17 : vector<16xi32>
    %get3A_19 = arith.constant 0 : index
    %get3A_20 = tpu.vector_load %arg17[%get3A_19] {strides = array<i32>} : memref<128xf32, #tpu.memory_space<vmem>>, vector<16xf32>,
    %get3A_21 = arith.constant 0 : index
    %get3A_22 = tpu.vector_load %arg18[%get3A_21] {strides = array<i32>} : memref<128xf32, #tpu.memory_space<vmem>>, vector<16xf32>,
    %add3A_23 = arith.constant 0 : i32
    %add3A_24 = vector.broadcast %add3A_23 : i32 to vector<16xi32>
    %add3A_25 = arith.addi %iota3A, %add3A_24 : vector<16xi32>
    %mul3A_26 = arith.constant 4 : i32
    %mul3A_27 = vector.broadcast %mul3A_26 : i32 to vector<16xi32>
    %mul3A_28 = arith.muli %add3A_25, %mul3A_27 : vector<16xi32>
    %add3A_29 = arith.constant 0 : i32
    %add3A_30 = vector.broadcast %add3A_29 : i32 to vector<16xi32>
    %add3A_31 = arith.addi %mul3A_9, %add3A_30 : vector<16xi32>
    %gather3A_32 = tpu.vector_load_idx %arg11[%add3A_31] : memref<49152xf32, #tpu.memory_space<vmem>>[vector<16xi32>], vector<16xf32>,
    %add3A_33 = arith.constant 0 : i32
    %add3A_34 = vector.broadcast %add3A_33 : i32 to vector<16xi32>
    %add3A_35 = arith.addi %mul3A_18, %add3A_34 : vector<16xi32>
    %gather3A_36 = tpu.vector_load_idx %arg11[%add3A_35] : memref<49152xf32, #tpu.memory_space<vmem>>[vector<16xi32>], vector<16xf32>,
    %add3A_37 = arith.constant 0 : i32
    %add3A_38 = vector.broadcast %add3A_37 : i32 to vector<16xi32>
    %add3A_39 = arith.addi %mul3A_28, %add3A_38 : vector<16xi32>
    %mul3A_40 = arith.mulf %get3A_20, %gather3A_32 : vector<16xf32>
    %mul3A_41 = arith.mulf %get3A_22, %gather3A_36 : vector<16xf32>
    %add3A_42 = arith.addf %mul3A_40, %mul3A_41 : vector<16xf32>
    tpu.vector_store_idx %arg19[%add3A_39], %add3A_42 : memref<512xf32, #tpu.memory_space<vmem>>[vector<16xi32>], vector<16xf32>,
    %add3A_43 = arith.constant 1 : i32
    %add3A_44 = vector.broadcast %add3A_43 : i32 to vector<16xi32>
    %add3A_45 = arith.addi %mul3A_9, %add3A_44 : vector<16xi32>
    %gather3A_46 = tpu.vector_load_idx %arg11[%add3A_45] : memref<49152xf32, #tpu.memory_space<vmem>>[vector<16xi32>], vector<16xf32>,
    %add3A_47 = arith.constant 1 : i32
    %add3A_48 = vector.broadcast %add3A_47 : i32 to vector<16xi32>
    %add3A_49 = arith.addi %mul3A_18, %add3A_48 : vector<16xi32>
    %gather3A_50 = tpu.vector_load_idx %arg11[%add3A_49] : memref<49152xf32, #tpu.memory_space<vmem>>[vector<16xi32>], vector<16xf32>,
    %add3A_51 = arith.constant 1 : i32
    %add3A_52 = vector.broadcast %add3A_51 : i32 to vector<16xi32>
    %add3A_53 = arith.addi %mul3A_28, %add3A_52 : vector<16xi32>
    %mul3A_54 = arith.mulf %get3A_20, %gather3A_46 : vector<16xf32>
    %mul3A_55 = arith.mulf %get3A_22, %gather3A_50 : vector<16xf32>
    %add3A_56 = arith.addf %mul3A_54, %mul3A_55 : vector<16xf32>
    tpu.vector_store_idx %arg19[%add3A_53], %add3A_56 : memref<512xf32, #tpu.memory_space<vmem>>[vector<16xi32>], vector<16xf32>,
    %add3A_57 = arith.constant 2 : i32
    %add3A_58 = vector.broadcast %add3A_57 : i32 to vector<16xi32>
    %add3A_59 = arith.addi %mul3A_9, %add3A_58 : vector<16xi32>
    %gather3A_60 = tpu.vector_load_idx %arg11[%add3A_59] : memref<49152xf32, #tpu.memory_space<vmem>>[vector<16xi32>], vector<16xf32>,
    %add3A_61 = arith.constant 2 : i32
    %add3A_62 = vector.broadcast %add3A_61 : i32 to vector<16xi32>
    %add3A_63 = arith.addi %mul3A_18, %add3A_62 : vector<16xi32>
    %gather3A_64 = tpu.vector_load_idx %arg11[%add3A_63] : memref<49152xf32, #tpu.memory_space<vmem>>[vector<16xi32>], vector<16xf32>,
    %add3A_65 = arith.constant 2 : i32
    %add3A_66 = vector.broadcast %add3A_65 : i32 to vector<16xi32>
    %add3A_67 = arith.addi %mul3A_28, %add3A_66 : vector<16xi32>
    %mul3A_68 = arith.mulf %get3A_20, %gather3A_60 : vector<16xf32>
    %mul3A_69 = arith.mulf %get3A_22, %gather3A_64 : vector<16xf32>
    %add3A_70 = arith.addf %mul3A_68, %mul3A_69 : vector<16xf32>
    tpu.vector_store_idx %arg19[%add3A_67], %add3A_70 : memref<512xf32, #tpu.memory_space<vmem>>[vector<16xi32>], vector<16xf32>,
    %add3A_71 = arith.constant 3 : i32
    %add3A_72 = vector.broadcast %add3A_71 : i32 to vector<16xi32>
    %add3A_73 = arith.addi %mul3A_9, %add3A_72 : vector<16xi32>
    %gather3A_74 = tpu.vector_load_idx %arg11[%add3A_73] : memref<49152xf32, #tpu.memory_space<vmem>>[vector<16xi32>], vector<16xf32>,
    %add3A_75 = arith.constant 3 : i32
    %add3A_76 = vector.broadcast %add3A_75 : i32 to vector<16xi32>
    %add3A_77 = arith.addi %mul3A_18, %add3A_76 : vector<16xi32>
    %gather3A_78 = tpu.vector_load_idx %arg11[%add3A_77] : memref<49152xf32, #tpu.memory_space<vmem>>[vector<16xi32>], vector<16xf32>,
    %add3A_79 = arith.constant 3 : i32
    %add3A_80 = vector.broadcast %add3A_79 : i32 to vector<16xi32>
    %add3A_81 = arith.addi %mul3A_28, %add3A_80 : vector<16xi32>
    %mul3A_82 = arith.mulf %get3A_20, %gather3A_74 : vector<16xf32>
    %mul3A_83 = arith.mulf %get3A_22, %gather3A_78 : vector<16xf32>
    %add3A_84 = arith.addf %mul3A_82, %mul3A_83 : vector<16xf32>
    tpu.vector_store_idx %arg19[%add3A_81], %add3A_84 : memref<512xf32, #tpu.memory_space<vmem>>[vector<16xi32>], vector<16xf32>,
    %get3A_85 = arith.constant 16 : index
    %get3A_86 = tpu.vector_load %arg13[%get3A_85] {strides = array<i32>} : memref<128xi32, #tpu.memory_space<vmem>>, vector<16xi32>,
    %gather3A_87 = tpu.vector_load_idx %arg12[%get3A_86] : memref<8xi32, #tpu.memory_space<vmem>>[vector<16xi32>], vector<16xi32>,
    %get3A_88 = arith.constant 16 : index
    %get3A_89 = tpu.vector_load %arg15[%get3A_88] {strides = array<i32>} : memref<128xi32, #tpu.memory_space<vmem>>, vector<16xi32>,
    %add3A_90 = arith.addi %gather3A_87, %get3A_89 : vector<16xi32>
    %mul3A_91 = arith.constant 4 : i32
    %mul3A_92 = vector.broadcast %mul3A_91 : i32 to vector<16xi32>
    %mul3A_93 = arith.muli %add3A_90, %mul3A_92 : vector<16xi32>
    %get3A_94 = arith.constant 16 : index
    %get3A_95 = tpu.vector_load %arg14[%get3A_94] {strides = array<i32>} : memref<128xi32, #tpu.memory_space<vmem>>, vector<16xi32>,
    %gather3A_96 = tpu.vector_load_idx %arg12[%get3A_95] : memref<8xi32, #tpu.memory_space<vmem>>[vector<16xi32>], vector<16xi32>,
    %get3A_97 = arith.constant 16 : index
    %get3A_98 = tpu.vector_load %arg16[%get3A_97] {strides = array<i32>} : memref<128xi32, #tpu.memory_space<vmem>>, vector<16xi32>,
    %add3A_99 = arith.addi %gather3A_96, %get3A_98 : vector<16xi32>
    %mul3A_100 = arith.constant 4 : i32
    %mul3A_101 = vector.broadcast %mul3A_100 : i32 to vector<16xi32>
    %mul3A_102 = arith.muli %add3A_99, %mul3A_101 : vector<16xi32>
    %get3A_103 = arith.constant 16 : index
    %get3A_104 = tpu.vector_load %arg17[%get3A_103] {strides = array<i32>} : memref<128xf32, #tpu.memory_space<vmem>>, vector<16xf32>,
    %get3A_105 = arith.constant 16 : index
    %get3A_106 = tpu.vector_load %arg18[%get3A_105] {strides = array<i32>} : memref<128xf32, #tpu.memory_space<vmem>>, vector<16xf32>,
    %add3A_107 = arith.constant 16 : i32
    %add3A_108 = vector.broadcast %add3A_107 : i32 to vector<16xi32>
    %add3A_109 = arith.addi %iota3A, %add3A_108 : vector<16xi32>
    %mul3A_110 = arith.constant 4 : i32
    %mul3A_111 = vector.broadcast %mul3A_110 : i32 to vector<16xi32>
    %mul3A_112 = arith.muli %add3A_109, %mul3A_111 : vector<16xi32>
    %add3A_113 = arith.constant 0 : i32
    %add3A_114 = vector.broadcast %add3A_113 : i32 to vector<16xi32>
    %add3A_115 = arith.addi %mul3A_93, %add3A_114 : vector<16xi32>
    %gather3A_116 = tpu.vector_load_idx %arg11[%add3A_115] : memref<49152xf32, #tpu.memory_space<vmem>>[vector<16xi32>], vector<16xf32>,
    %add3A_117 = arith.constant 0 : i32
    %add3A_118 = vector.broadcast %add3A_117 : i32 to vector<16xi32>
    %add3A_119 = arith.addi %mul3A_102, %add3A_118 : vector<16xi32>
    %gather3A_120 = tpu.vector_load_idx %arg11[%add3A_119] : memref<49152xf32, #tpu.memory_space<vmem>>[vector<16xi32>], vector<16xf32>,
    %add3A_121 = arith.constant 0 : i32
    %add3A_122 = vector.broadcast %add3A_121 : i32 to vector<16xi32>
    %add3A_123 = arith.addi %mul3A_112, %add3A_122 : vector<16xi32>
    %mul3A_124 = arith.mulf %get3A_104, %gather3A_116 : vector<16xf32>
    %mul3A_125 = arith.mulf %get3A_106, %gather3A_120 : vector<16xf32>
    %add3A_126 = arith.addf %mul3A_124, %mul3A_125 : vector<16xf32>
    tpu.vector_store_idx %arg19[%add3A_123], %add3A_126 : memref<512xf32, #tpu.memory_space<vmem>>[vector<16xi32>], vector<16xf32>,
    %add3A_127 = arith.constant 1 : i32
    %add3A_128 = vector.broadcast %add3A_127 : i32 to vector<16xi32>
    %add3A_129 = arith.addi %mul3A_93, %add3A_128 : vector<16xi32>
    %gather3A_130 = tpu.vector_load_idx %arg11[%add3A_129] : memref<49152xf32, #tpu.memory_space<vmem>>[vector<16xi32>], vector<16xf32>,
    %add3A_131 = arith.constant 1 : i32
    %add3A_132 = vector.broadcast %add3A_131 : i32 to vector<16xi32>
    %add3A_133 = arith.addi %mul3A_102, %add3A_132 : vector<16xi32>
    %gather3A_134 = tpu.vector_load_idx %arg11[%add3A_133] : memref<49152xf32, #tpu.memory_space<vmem>>[vector<16xi32>], vector<16xf32>,
    %add3A_135 = arith.constant 1 : i32
    %add3A_136 = vector.broadcast %add3A_135 : i32 to vector<16xi32>
    %add3A_137 = arith.addi %mul3A_112, %add3A_136 : vector<16xi32>
    %mul3A_138 = arith.mulf %get3A_104, %gather3A_130 : vector<16xf32>
    %mul3A_139 = arith.mulf %get3A_106, %gather3A_134 : vector<16xf32>
    %add3A_140 = arith.addf %mul3A_138, %mul3A_139 : vector<16xf32>
    tpu.vector_store_idx %arg19[%add3A_137], %add3A_140 : memref<512xf32, #tpu.memory_space<vmem>>[vector<16xi32>], vector<16xf32>,
    %add3A_141 = arith.constant 2 : i32
    %add3A_142 = vector.broadcast %add3A_141 : i32 to vector<16xi32>
    %add3A_143 = arith.addi %mul3A_93, %add3A_142 : vector<16xi32>
    %gather3A_144 = tpu.vector_load_idx %arg11[%add3A_143] : memref<49152xf32, #tpu.memory_space<vmem>>[vector<16xi32>], vector<16xf32>,
    %add3A_145 = arith.constant 2 : i32
    %add3A_146 = vector.broadcast %add3A_145 : i32 to vector<16xi32>
    %add3A_147 = arith.addi %mul3A_102, %add3A_146 : vector<16xi32>
    %gather3A_148 = tpu.vector_load_idx %arg11[%add3A_147] : memref<49152xf32, #tpu.memory_space<vmem>>[vector<16xi32>], vector<16xf32>,
    %add3A_149 = arith.constant 2 : i32
    %add3A_150 = vector.broadcast %add3A_149 : i32 to vector<16xi32>
    %add3A_151 = arith.addi %mul3A_112, %add3A_150 : vector<16xi32>
    %mul3A_152 = arith.mulf %get3A_104, %gather3A_144 : vector<16xf32>
    %mul3A_153 = arith.mulf %get3A_106, %gather3A_148 : vector<16xf32>
    %add3A_154 = arith.addf %mul3A_152, %mul3A_153 : vector<16xf32>
    tpu.vector_store_idx %arg19[%add3A_151], %add3A_154 : memref<512xf32, #tpu.memory_space<vmem>>[vector<16xi32>], vector<16xf32>,
    %add3A_155 = arith.constant 3 : i32
    %add3A_156 = vector.broadcast %add3A_155 : i32 to vector<16xi32>
    %add3A_157 = arith.addi %mul3A_93, %add3A_156 : vector<16xi32>
    %gather3A_158 = tpu.vector_load_idx %arg11[%add3A_157] : memref<49152xf32, #tpu.memory_space<vmem>>[vector<16xi32>], vector<16xf32>,
    %add3A_159 = arith.constant 3 : i32
    %add3A_160 = vector.broadcast %add3A_159 : i32 to vector<16xi32>
    %add3A_161 = arith.addi %mul3A_102, %add3A_160 : vector<16xi32>
    %gather3A_162 = tpu.vector_load_idx %arg11[%add3A_161] : memref<49152xf32, #tpu.memory_space<vmem>>[vector<16xi32>], vector<16xf32>,
    %add3A_163 = arith.constant 3 : i32
    %add3A_164 = vector.broadcast %add3A_163 : i32 to vector<16xi32>
    %add3A_165 = arith.addi %mul3A_112, %add3A_164 : vector<16xi32>
    %mul3A_166 = arith.mulf %get3A_104, %gather3A_158 : vector<16xf32>
    %mul3A_167 = arith.mulf %get3A_106, %gather3A_162 : vector<16xf32>
    %add3A_168 = arith.addf %mul3A_166, %mul3A_167 : vector<16xf32>
    tpu.vector_store_idx %arg19[%add3A_165], %add3A_168 : memref<512xf32, #tpu.memory_space<vmem>>[vector<16xi32>], vector<16xf32>,
    %get3A_169 = arith.constant 32 : index
    %get3A_170 = tpu.vector_load %arg13[%get3A_169] {strides = array<i32>} : memref<128xi32, #tpu.memory_space<vmem>>, vector<16xi32>,
    %gather3A_171 = tpu.vector_load_idx %arg12[%get3A_170] : memref<8xi32, #tpu.memory_space<vmem>>[vector<16xi32>], vector<16xi32>,
    %get3A_172 = arith.constant 32 : index
    %get3A_173 = tpu.vector_load %arg15[%get3A_172] {strides = array<i32>} : memref<128xi32, #tpu.memory_space<vmem>>, vector<16xi32>,
    %add3A_174 = arith.addi %gather3A_171, %get3A_173 : vector<16xi32>
    %mul3A_175 = arith.constant 4 : i32
    %mul3A_176 = vector.broadcast %mul3A_175 : i32 to vector<16xi32>
    %mul3A_177 = arith.muli %add3A_174, %mul3A_176 : vector<16xi32>
    %get3A_178 = arith.constant 32 : index
    %get3A_179 = tpu.vector_load %arg14[%get3A_178] {strides = array<i32>} : memref<128xi32, #tpu.memory_space<vmem>>, vector<16xi32>,
    %gather3A_180 = tpu.vector_load_idx %arg12[%get3A_179] : memref<8xi32, #tpu.memory_space<vmem>>[vector<16xi32>], vector<16xi32>,
    %get3A_181 = arith.constant 32 : index
    %get3A_182 = tpu.vector_load %arg16[%get3A_181] {strides = array<i32>} : memref<128xi32, #tpu.memory_space<vmem>>, vector<16xi32>,
    %add3A_183 = arith.addi %gather3A_180, %get3A_182 : vector<16xi32>
    %mul3A_184 = arith.constant 4 : i32
    %mul3A_185 = vector.broadcast %mul3A_184 : i32 to vector<16xi32>
    %mul3A_186 = arith.muli %add3A_183, %mul3A_185 : vector<16xi32>
    %get3A_187 = arith.constant 32 : index
    %get3A_188 = tpu.vector_load %arg17[%get3A_187] {strides = array<i32>} : memref<128xf32, #tpu.memory_space<vmem>>, vector<16xf32>,
    %get3A_189 = arith.constant 32 : index
    %get3A_190 = tpu.vector_load %arg18[%get3A_189] {strides = array<i32>} : memref<128xf32, #tpu.memory_space<vmem>>, vector<16xf32>,
    %add3A_191 = arith.constant 32 : i32
    %add3A_192 = vector.broadcast %add3A_191 : i32 to vector<16xi32>
    %add3A_193 = arith.addi %iota3A, %add3A_192 : vector<16xi32>
    %mul3A_194 = arith.constant 4 : i32
    %mul3A_195 = vector.broadcast %mul3A_194 : i32 to vector<16xi32>
    %mul3A_196 = arith.muli %add3A_193, %mul3A_195 : vector<16xi32>
    %add3A_197 = arith.constant 0 : i32
    %add3A_198 = vector.broadcast %add3A_197 : i32 to vector<16xi32>
    %add3A_199 = arith.addi %mul3A_177, %add3A_198 : vector<16xi32>
    %gather3A_200 = tpu.vector_load_idx %arg11[%add3A_199] : memref<49152xf32, #tpu.memory_space<vmem>>[vector<16xi32>], vector<16xf32>,
    %add3A_201 = arith.constant 0 : i32
    %add3A_202 = vector.broadcast %add3A_201 : i32 to vector<16xi32>
    %add3A_203 = arith.addi %mul3A_186, %add3A_202 : vector<16xi32>
    %gather3A_204 = tpu.vector_load_idx %arg11[%add3A_203] : memref<49152xf32, #tpu.memory_space<vmem>>[vector<16xi32>], vector<16xf32>,
    %add3A_205 = arith.constant 0 : i32
    %add3A_206 = vector.broadcast %add3A_205 : i32 to vector<16xi32>
    %add3A_207 = arith.addi %mul3A_196, %add3A_206 : vector<16xi32>
    %mul3A_208 = arith.mulf %get3A_188, %gather3A_200 : vector<16xf32>
    %mul3A_209 = arith.mulf %get3A_190, %gather3A_204 : vector<16xf32>
    %add3A_210 = arith.addf %mul3A_208, %mul3A_209 : vector<16xf32>
    tpu.vector_store_idx %arg19[%add3A_207], %add3A_210 : memref<512xf32, #tpu.memory_space<vmem>>[vector<16xi32>], vector<16xf32>,
    %add3A_211 = arith.constant 1 : i32
    %add3A_212 = vector.broadcast %add3A_211 : i32 to vector<16xi32>
    %add3A_213 = arith.addi %mul3A_177, %add3A_212 : vector<16xi32>
    %gather3A_214 = tpu.vector_load_idx %arg11[%add3A_213] : memref<49152xf32, #tpu.memory_space<vmem>>[vector<16xi32>], vector<16xf32>,
    %add3A_215 = arith.constant 1 : i32
    %add3A_216 = vector.broadcast %add3A_215 : i32 to vector<16xi32>
    %add3A_217 = arith.addi %mul3A_186, %add3A_216 : vector<16xi32>
    %gather3A_218 = tpu.vector_load_idx %arg11[%add3A_217] : memref<49152xf32, #tpu.memory_space<vmem>>[vector<16xi32>], vector<16xf32>,
    %add3A_219 = arith.constant 1 : i32
    %add3A_220 = vector.broadcast %add3A_219 : i32 to vector<16xi32>
    %add3A_221 = arith.addi %mul3A_196, %add3A_220 : vector<16xi32>
    %mul3A_222 = arith.mulf %get3A_188, %gather3A_214 : vector<16xf32>
    %mul3A_223 = arith.mulf %get3A_190, %gather3A_218 : vector<16xf32>
    %add3A_224 = arith.addf %mul3A_222, %mul3A_223 : vector<16xf32>
    tpu.vector_store_idx %arg19[%add3A_221], %add3A_224 : memref<512xf32, #tpu.memory_space<vmem>>[vector<16xi32>], vector<16xf32>,
    %add3A_225 = arith.constant 2 : i32
    %add3A_226 = vector.broadcast %add3A_225 : i32 to vector<16xi32>
    %add3A_227 = arith.addi %mul3A_177, %add3A_226 : vector<16xi32>
    %gather3A_228 = tpu.vector_load_idx %arg11[%add3A_227] : memref<49152xf32, #tpu.memory_space<vmem>>[vector<16xi32>], vector<16xf32>,
    %add3A_229 = arith.constant 2 : i32
    %add3A_230 = vector.broadcast %add3A_229 : i32 to vector<16xi32>
    %add3A_231 = arith.addi %mul3A_186, %add3A_230 : vector<16xi32>
    %gather3A_232 = tpu.vector_load_idx %arg11[%add3A_231] : memref<49152xf32, #tpu.memory_space<vmem>>[vector<16xi32>], vector<16xf32>,
    %add3A_233 = arith.constant 2 : i32
    %add3A_234 = vector.broadcast %add3A_233 : i32 to vector<16xi32>
    %add3A_235 = arith.addi %mul3A_196, %add3A_234 : vector<16xi32>
    %mul3A_236 = arith.mulf %get3A_188, %gather3A_228 : vector<16xf32>
    %mul3A_237 = arith.mulf %get3A_190, %gather3A_232 : vector<16xf32>
    %add3A_238 = arith.addf %mul3A_236, %mul3A_237 : vector<16xf32>
    tpu.vector_store_idx %arg19[%add3A_235], %add3A_238 : memref<512xf32, #tpu.memory_space<vmem>>[vector<16xi32>], vector<16xf32>,
    %add3A_239 = arith.constant 3 : i32
    %add3A_240 = vector.broadcast %add3A_239 : i32 to vector<16xi32>
    %add3A_241 = arith.addi %mul3A_177, %add3A_240 : vector<16xi32>
    %gather3A_242 = tpu.vector_load_idx %arg11[%add3A_241] : memref<49152xf32, #tpu.memory_space<vmem>>[vector<16xi32>], vector<16xf32>,
    %add3A_243 = arith.constant 3 : i32
    %add3A_244 = vector.broadcast %add3A_243 : i32 to vector<16xi32>
    %add3A_245 = arith.addi %mul3A_186, %add3A_244 : vector<16xi32>
    %gather3A_246 = tpu.vector_load_idx %arg11[%add3A_245] : memref<49152xf32, #tpu.memory_space<vmem>>[vector<16xi32>], vector<16xf32>,
    %add3A_247 = arith.constant 3 : i32
    %add3A_248 = vector.broadcast %add3A_247 : i32 to vector<16xi32>
    %add3A_249 = arith.addi %mul3A_196, %add3A_248 : vector<16xi32>
    %mul3A_250 = arith.mulf %get3A_188, %gather3A_242 : vector<16xf32>
    %mul3A_251 = arith.mulf %get3A_190, %gather3A_246 : vector<16xf32>
    %add3A_252 = arith.addf %mul3A_250, %mul3A_251 : vector<16xf32>
    tpu.vector_store_idx %arg19[%add3A_249], %add3A_252 : memref<512xf32, #tpu.memory_space<vmem>>[vector<16xi32>], vector<16xf32>,
    %get3A_253 = arith.constant 48 : index
    %get3A_254 = tpu.vector_load %arg13[%get3A_253] {strides = array<i32>} : memref<128xi32, #tpu.memory_space<vmem>>, vector<16xi32>,
    %gather3A_255 = tpu.vector_load_idx %arg12[%get3A_254] : memref<8xi32, #tpu.memory_space<vmem>>[vector<16xi32>], vector<16xi32>,
    %get3A_256 = arith.constant 48 : index
    %get3A_257 = tpu.vector_load %arg15[%get3A_256] {strides = array<i32>} : memref<128xi32, #tpu.memory_space<vmem>>, vector<16xi32>,
    %add3A_258 = arith.addi %gather3A_255, %get3A_257 : vector<16xi32>
    %mul3A_259 = arith.constant 4 : i32
    %mul3A_260 = vector.broadcast %mul3A_259 : i32 to vector<16xi32>
    %mul3A_261 = arith.muli %add3A_258, %mul3A_260 : vector<16xi32>
    %get3A_262 = arith.constant 48 : index
    %get3A_263 = tpu.vector_load %arg14[%get3A_262] {strides = array<i32>} : memref<128xi32, #tpu.memory_space<vmem>>, vector<16xi32>,
    %gather3A_264 = tpu.vector_load_idx %arg12[%get3A_263] : memref<8xi32, #tpu.memory_space<vmem>>[vector<16xi32>], vector<16xi32>,
    %get3A_265 = arith.constant 48 : index
    %get3A_266 = tpu.vector_load %arg16[%get3A_265] {strides = array<i32>} : memref<128xi32, #tpu.memory_space<vmem>>, vector<16xi32>,
    %add3A_267 = arith.addi %gather3A_264, %get3A_266 : vector<16xi32>
    %mul3A_268 = arith.constant 4 : i32
    %mul3A_269 = vector.broadcast %mul3A_268 : i32 to vector<16xi32>
    %mul3A_270 = arith.muli %add3A_267, %mul3A_269 : vector<16xi32>
    %get3A_271 = arith.constant 48 : index
    %get3A_272 = tpu.vector_load %arg17[%get3A_271] {strides = array<i32>} : memref<128xf32, #tpu.memory_space<vmem>>, vector<16xf32>,
    %get3A_273 = arith.constant 48 : index
    %get3A_274 = tpu.vector_load %arg18[%get3A_273] {strides = array<i32>} : memref<128xf32, #tpu.memory_space<vmem>>, vector<16xf32>,
    %add3A_275 = arith.constant 48 : i32
    %add3A_276 = vector.broadcast %add3A_275 : i32 to vector<16xi32>
    %add3A_277 = arith.addi %iota3A, %add3A_276 : vector<16xi32>
    %mul3A_278 = arith.constant 4 : i32
    %mul3A_279 = vector.broadcast %mul3A_278 : i32 to vector<16xi32>
    %mul3A_280 = arith.muli %add3A_277, %mul3A_279 : vector<16xi32>
    %add3A_281 = arith.constant 0 : i32
    %add3A_282 = vector.broadcast %add3A_281 : i32 to vector<16xi32>
    %add3A_283 = arith.addi %mul3A_261, %add3A_282 : vector<16xi32>
    %gather3A_284 = tpu.vector_load_idx %arg11[%add3A_283] : memref<49152xf32, #tpu.memory_space<vmem>>[vector<16xi32>], vector<16xf32>,
    %add3A_285 = arith.constant 0 : i32
    %add3A_286 = vector.broadcast %add3A_285 : i32 to vector<16xi32>
    %add3A_287 = arith.addi %mul3A_270, %add3A_286 : vector<16xi32>
    %gather3A_288 = tpu.vector_load_idx %arg11[%add3A_287] : memref<49152xf32, #tpu.memory_space<vmem>>[vector<16xi32>], vector<16xf32>,
    %add3A_289 = arith.constant 0 : i32
    %add3A_290 = vector.broadcast %add3A_289 : i32 to vector<16xi32>
    %add3A_291 = arith.addi %mul3A_280, %add3A_290 : vector<16xi32>
    %mul3A_292 = arith.mulf %get3A_272, %gather3A_284 : vector<16xf32>
    %mul3A_293 = arith.mulf %get3A_274, %gather3A_288 : vector<16xf32>
    %add3A_294 = arith.addf %mul3A_292, %mul3A_293 : vector<16xf32>
    tpu.vector_store_idx %arg19[%add3A_291], %add3A_294 : memref<512xf32, #tpu.memory_space<vmem>>[vector<16xi32>], vector<16xf32>,
    %add3A_295 = arith.constant 1 : i32
    %add3A_296 = vector.broadcast %add3A_295 : i32 to vector<16xi32>
    %add3A_297 = arith.addi %mul3A_261, %add3A_296 : vector<16xi32>
    %gather3A_298 = tpu.vector_load_idx %arg11[%add3A_297] : memref<49152xf32, #tpu.memory_space<vmem>>[vector<16xi32>], vector<16xf32>,
    %add3A_299 = arith.constant 1 : i32
    %add3A_300 = vector.broadcast %add3A_299 : i32 to vector<16xi32>
    %add3A_301 = arith.addi %mul3A_270, %add3A_300 : vector<16xi32>
    %gather3A_302 = tpu.vector_load_idx %arg11[%add3A_301] : memref<49152xf32, #tpu.memory_space<vmem>>[vector<16xi32>], vector<16xf32>,
    %add3A_303 = arith.constant 1 : i32
    %add3A_304 = vector.broadcast %add3A_303 : i32 to vector<16xi32>
    %add3A_305 = arith.addi %mul3A_280, %add3A_304 : vector<16xi32>
    %mul3A_306 = arith.mulf %get3A_272, %gather3A_298 : vector<16xf32>
    %mul3A_307 = arith.mulf %get3A_274, %gather3A_302 : vector<16xf32>
    %add3A_308 = arith.addf %mul3A_306, %mul3A_307 : vector<16xf32>
    tpu.vector_store_idx %arg19[%add3A_305], %add3A_308 : memref<512xf32, #tpu.memory_space<vmem>>[vector<16xi32>], vector<16xf32>,
    %add3A_309 = arith.constant 2 : i32
    %add3A_310 = vector.broadcast %add3A_309 : i32 to vector<16xi32>
    %add3A_311 = arith.addi %mul3A_261, %add3A_310 : vector<16xi32>
    %gather3A_312 = tpu.vector_load_idx %arg11[%add3A_311] : memref<49152xf32, #tpu.memory_space<vmem>>[vector<16xi32>], vector<16xf32>,
    %add3A_313 = arith.constant 2 : i32
    %add3A_314 = vector.broadcast %add3A_313 : i32 to vector<16xi32>
    %add3A_315 = arith.addi %mul3A_270, %add3A_314 : vector<16xi32>
    %gather3A_316 = tpu.vector_load_idx %arg11[%add3A_315] : memref<49152xf32, #tpu.memory_space<vmem>>[vector<16xi32>], vector<16xf32>,
    %add3A_317 = arith.constant 2 : i32
    %add3A_318 = vector.broadcast %add3A_317 : i32 to vector<16xi32>
    %add3A_319 = arith.addi %mul3A_280, %add3A_318 : vector<16xi32>
    %mul3A_320 = arith.mulf %get3A_272, %gather3A_312 : vector<16xf32>
    %mul3A_321 = arith.mulf %get3A_274, %gather3A_316 : vector<16xf32>
    %add3A_322 = arith.addf %mul3A_320, %mul3A_321 : vector<16xf32>
    tpu.vector_store_idx %arg19[%add3A_319], %add3A_322 : memref<512xf32, #tpu.memory_space<vmem>>[vector<16xi32>], vector<16xf32>,
    %add3A_323 = arith.constant 3 : i32
    %add3A_324 = vector.broadcast %add3A_323 : i32 to vector<16xi32>
    %add3A_325 = arith.addi %mul3A_261, %add3A_324 : vector<16xi32>
    %gather3A_326 = tpu.vector_load_idx %arg11[%add3A_325] : memref<49152xf32, #tpu.memory_space<vmem>>[vector<16xi32>], vector<16xf32>,
    %add3A_327 = arith.constant 3 : i32
    %add3A_328 = vector.broadcast %add3A_327 : i32 to vector<16xi32>
    %add3A_329 = arith.addi %mul3A_270, %add3A_328 : vector<16xi32>
    %gather3A_330 = tpu.vector_load_idx %arg11[%add3A_329] : memref<49152xf32, #tpu.memory_space<vmem>>[vector<16xi32>], vector<16xf32>,
    %add3A_331 = arith.constant 3 : i32
    %add3A_332 = vector.broadcast %add3A_331 : i32 to vector<16xi32>
    %add3A_333 = arith.addi %mul3A_280, %add3A_332 : vector<16xi32>
    %mul3A_334 = arith.mulf %get3A_272, %gather3A_326 : vector<16xf32>
    %mul3A_335 = arith.mulf %get3A_274, %gather3A_330 : vector<16xf32>
    %add3A_336 = arith.addf %mul3A_334, %mul3A_335 : vector<16xf32>
    tpu.vector_store_idx %arg19[%add3A_333], %add3A_336 : memref<512xf32, #tpu.memory_space<vmem>>[vector<16xi32>], vector<16xf32>,
    %get3A_337 = arith.constant 64 : index
    %get3A_338 = tpu.vector_load %arg13[%get3A_337] {strides = array<i32>} : memref<128xi32, #tpu.memory_space<vmem>>, vector<16xi32>,
    %gather3A_339 = tpu.vector_load_idx %arg12[%get3A_338] : memref<8xi32, #tpu.memory_space<vmem>>[vector<16xi32>], vector<16xi32>,
    %get3A_340 = arith.constant 64 : index
    %get3A_341 = tpu.vector_load %arg15[%get3A_340] {strides = array<i32>} : memref<128xi32, #tpu.memory_space<vmem>>, vector<16xi32>,
    %add3A_342 = arith.addi %gather3A_339, %get3A_341 : vector<16xi32>
    %mul3A_343 = arith.constant 4 : i32
    %mul3A_344 = vector.broadcast %mul3A_343 : i32 to vector<16xi32>
    %mul3A_345 = arith.muli %add3A_342, %mul3A_344 : vector<16xi32>
    %get3A_346 = arith.constant 64 : index
    %get3A_347 = tpu.vector_load %arg14[%get3A_346] {strides = array<i32>} : memref<128xi32, #tpu.memory_space<vmem>>, vector<16xi32>,
    %gather3A_348 = tpu.vector_load_idx %arg12[%get3A_347] : memref<8xi32, #tpu.memory_space<vmem>>[vector<16xi32>], vector<16xi32>,
    %get3A_349 = arith.constant 64 : index
    %get3A_350 = tpu.vector_load %arg16[%get3A_349] {strides = array<i32>} : memref<128xi32, #tpu.memory_space<vmem>>, vector<16xi32>,
    %add3A_351 = arith.addi %gather3A_348, %get3A_350 : vector<16xi32>
    %mul3A_352 = arith.constant 4 : i32
    %mul3A_353 = vector.broadcast %mul3A_352 : i32 to vector<16xi32>
    %mul3A_354 = arith.muli %add3A_351, %mul3A_353 : vector<16xi32>
    %get3A_355 = arith.constant 64 : index
    %get3A_356 = tpu.vector_load %arg17[%get3A_355] {strides = array<i32>} : memref<128xf32, #tpu.memory_space<vmem>>, vector<16xf32>,
    %get3A_357 = arith.constant 64 : index
    %get3A_358 = tpu.vector_load %arg18[%get3A_357] {strides = array<i32>} : memref<128xf32, #tpu.memory_space<vmem>>, vector<16xf32>,
    %add3A_359 = arith.constant 64 : i32
    %add3A_360 = vector.broadcast %add3A_359 : i32 to vector<16xi32>
    %add3A_361 = arith.addi %iota3A, %add3A_360 : vector<16xi32>
    %mul3A_362 = arith.constant 4 : i32
    %mul3A_363 = vector.broadcast %mul3A_362 : i32 to vector<16xi32>
    %mul3A_364 = arith.muli %add3A_361, %mul3A_363 : vector<16xi32>
    %add3A_365 = arith.constant 0 : i32
    %add3A_366 = vector.broadcast %add3A_365 : i32 to vector<16xi32>
    %add3A_367 = arith.addi %mul3A_345, %add3A_366 : vector<16xi32>
    %gather3A_368 = tpu.vector_load_idx %arg11[%add3A_367] : memref<49152xf32, #tpu.memory_space<vmem>>[vector<16xi32>], vector<16xf32>,
    %add3A_369 = arith.constant 0 : i32
    %add3A_370 = vector.broadcast %add3A_369 : i32 to vector<16xi32>
    %add3A_371 = arith.addi %mul3A_354, %add3A_370 : vector<16xi32>
    %gather3A_372 = tpu.vector_load_idx %arg11[%add3A_371] : memref<49152xf32, #tpu.memory_space<vmem>>[vector<16xi32>], vector<16xf32>,
    %add3A_373 = arith.constant 0 : i32
    %add3A_374 = vector.broadcast %add3A_373 : i32 to vector<16xi32>
    %add3A_375 = arith.addi %mul3A_364, %add3A_374 : vector<16xi32>
    %mul3A_376 = arith.mulf %get3A_356, %gather3A_368 : vector<16xf32>
    %mul3A_377 = arith.mulf %get3A_358, %gather3A_372 : vector<16xf32>
    %add3A_378 = arith.addf %mul3A_376, %mul3A_377 : vector<16xf32>
    tpu.vector_store_idx %arg19[%add3A_375], %add3A_378 : memref<512xf32, #tpu.memory_space<vmem>>[vector<16xi32>], vector<16xf32>,
    %add3A_379 = arith.constant 1 : i32
    %add3A_380 = vector.broadcast %add3A_379 : i32 to vector<16xi32>
    %add3A_381 = arith.addi %mul3A_345, %add3A_380 : vector<16xi32>
    %gather3A_382 = tpu.vector_load_idx %arg11[%add3A_381] : memref<49152xf32, #tpu.memory_space<vmem>>[vector<16xi32>], vector<16xf32>,
    %add3A_383 = arith.constant 1 : i32
    %add3A_384 = vector.broadcast %add3A_383 : i32 to vector<16xi32>
    %add3A_385 = arith.addi %mul3A_354, %add3A_384 : vector<16xi32>
    %gather3A_386 = tpu.vector_load_idx %arg11[%add3A_385] : memref<49152xf32, #tpu.memory_space<vmem>>[vector<16xi32>], vector<16xf32>,
    %add3A_387 = arith.constant 1 : i32
    %add3A_388 = vector.broadcast %add3A_387 : i32 to vector<16xi32>
    %add3A_389 = arith.addi %mul3A_364, %add3A_388 : vector<16xi32>
    %mul3A_390 = arith.mulf %get3A_356, %gather3A_382 : vector<16xf32>
    %mul3A_391 = arith.mulf %get3A_358, %gather3A_386 : vector<16xf32>
    %add3A_392 = arith.addf %mul3A_390, %mul3A_391 : vector<16xf32>
    tpu.vector_store_idx %arg19[%add3A_389], %add3A_392 : memref<512xf32, #tpu.memory_space<vmem>>[vector<16xi32>], vector<16xf32>,
    %add3A_393 = arith.constant 2 : i32
    %add3A_394 = vector.broadcast %add3A_393 : i32 to vector<16xi32>
    %add3A_395 = arith.addi %mul3A_345, %add3A_394 : vector<16xi32>
    %gather3A_396 = tpu.vector_load_idx %arg11[%add3A_395] : memref<49152xf32, #tpu.memory_space<vmem>>[vector<16xi32>], vector<16xf32>,
    %add3A_397 = arith.constant 2 : i32
    %add3A_398 = vector.broadcast %add3A_397 : i32 to vector<16xi32>
    %add3A_399 = arith.addi %mul3A_354, %add3A_398 : vector<16xi32>
    %gather3A_400 = tpu.vector_load_idx %arg11[%add3A_399] : memref<49152xf32, #tpu.memory_space<vmem>>[vector<16xi32>], vector<16xf32>,
    %add3A_401 = arith.constant 2 : i32
    %add3A_402 = vector.broadcast %add3A_401 : i32 to vector<16xi32>
    %add3A_403 = arith.addi %mul3A_364, %add3A_402 : vector<16xi32>
    %mul3A_404 = arith.mulf %get3A_356, %gather3A_396 : vector<16xf32>
    %mul3A_405 = arith.mulf %get3A_358, %gather3A_400 : vector<16xf32>
    %add3A_406 = arith.addf %mul3A_404, %mul3A_405 : vector<16xf32>
    tpu.vector_store_idx %arg19[%add3A_403], %add3A_406 : memref<512xf32, #tpu.memory_space<vmem>>[vector<16xi32>], vector<16xf32>,
    %add3A_407 = arith.constant 3 : i32
    %add3A_408 = vector.broadcast %add3A_407 : i32 to vector<16xi32>
    %add3A_409 = arith.addi %mul3A_345, %add3A_408 : vector<16xi32>
    %gather3A_410 = tpu.vector_load_idx %arg11[%add3A_409] : memref<49152xf32, #tpu.memory_space<vmem>>[vector<16xi32>], vector<16xf32>,
    %add3A_411 = arith.constant 3 : i32
    %add3A_412 = vector.broadcast %add3A_411 : i32 to vector<16xi32>
    %add3A_413 = arith.addi %mul3A_354, %add3A_412 : vector<16xi32>
    %gather3A_414 = tpu.vector_load_idx %arg11[%add3A_413] : memref<49152xf32, #tpu.memory_space<vmem>>[vector<16xi32>], vector<16xf32>,
    %add3A_415 = arith.constant 3 : i32
    %add3A_416 = vector.broadcast %add3A_415 : i32 to vector<16xi32>
    %add3A_417 = arith.addi %mul3A_364, %add3A_416 : vector<16xi32>
    %mul3A_418 = arith.mulf %get3A_356, %gather3A_410 : vector<16xf32>
    %mul3A_419 = arith.mulf %get3A_358, %gather3A_414 : vector<16xf32>
    %add3A_420 = arith.addf %mul3A_418, %mul3A_419 : vector<16xf32>
    tpu.vector_store_idx %arg19[%add3A_417], %add3A_420 : memref<512xf32, #tpu.memory_space<vmem>>[vector<16xi32>], vector<16xf32>,
    %get3A_421 = arith.constant 80 : index
    %get3A_422 = tpu.vector_load %arg13[%get3A_421] {strides = array<i32>} : memref<128xi32, #tpu.memory_space<vmem>>, vector<16xi32>,
    %gather3A_423 = tpu.vector_load_idx %arg12[%get3A_422] : memref<8xi32, #tpu.memory_space<vmem>>[vector<16xi32>], vector<16xi32>,
    %get3A_424 = arith.constant 80 : index
    %get3A_425 = tpu.vector_load %arg15[%get3A_424] {strides = array<i32>} : memref<128xi32, #tpu.memory_space<vmem>>, vector<16xi32>,
    %add3A_426 = arith.addi %gather3A_423, %get3A_425 : vector<16xi32>
    %mul3A_427 = arith.constant 4 : i32
    %mul3A_428 = vector.broadcast %mul3A_427 : i32 to vector<16xi32>
    %mul3A_429 = arith.muli %add3A_426, %mul3A_428 : vector<16xi32>
    %get3A_430 = arith.constant 80 : index
    %get3A_431 = tpu.vector_load %arg14[%get3A_430] {strides = array<i32>} : memref<128xi32, #tpu.memory_space<vmem>>, vector<16xi32>,
    %gather3A_432 = tpu.vector_load_idx %arg12[%get3A_431] : memref<8xi32, #tpu.memory_space<vmem>>[vector<16xi32>], vector<16xi32>,
    %get3A_433 = arith.constant 80 : index
    %get3A_434 = tpu.vector_load %arg16[%get3A_433] {strides = array<i32>} : memref<128xi32, #tpu.memory_space<vmem>>, vector<16xi32>,
    %add3A_435 = arith.addi %gather3A_432, %get3A_434 : vector<16xi32>
    %mul3A_436 = arith.constant 4 : i32
    %mul3A_437 = vector.broadcast %mul3A_436 : i32 to vector<16xi32>
    %mul3A_438 = arith.muli %add3A_435, %mul3A_437 : vector<16xi32>
    %get3A_439 = arith.constant 80 : index
    %get3A_440 = tpu.vector_load %arg17[%get3A_439] {strides = array<i32>} : memref<128xf32, #tpu.memory_space<vmem>>, vector<16xf32>,
    %get3A_441 = arith.constant 80 : index
    %get3A_442 = tpu.vector_load %arg18[%get3A_441] {strides = array<i32>} : memref<128xf32, #tpu.memory_space<vmem>>, vector<16xf32>,
    %add3A_443 = arith.constant 80 : i32
    %add3A_444 = vector.broadcast %add3A_443 : i32 to vector<16xi32>
    %add3A_445 = arith.addi %iota3A, %add3A_444 : vector<16xi32>
    %mul3A_446 = arith.constant 4 : i32
    %mul3A_447 = vector.broadcast %mul3A_446 : i32 to vector<16xi32>
    %mul3A_448 = arith.muli %add3A_445, %mul3A_447 : vector<16xi32>
    %add3A_449 = arith.constant 0 : i32
    %add3A_450 = vector.broadcast %add3A_449 : i32 to vector<16xi32>
    %add3A_451 = arith.addi %mul3A_429, %add3A_450 : vector<16xi32>
    %gather3A_452 = tpu.vector_load_idx %arg11[%add3A_451] : memref<49152xf32, #tpu.memory_space<vmem>>[vector<16xi32>], vector<16xf32>,
    %add3A_453 = arith.constant 0 : i32
    %add3A_454 = vector.broadcast %add3A_453 : i32 to vector<16xi32>
    %add3A_455 = arith.addi %mul3A_438, %add3A_454 : vector<16xi32>
    %gather3A_456 = tpu.vector_load_idx %arg11[%add3A_455] : memref<49152xf32, #tpu.memory_space<vmem>>[vector<16xi32>], vector<16xf32>,
    %add3A_457 = arith.constant 0 : i32
    %add3A_458 = vector.broadcast %add3A_457 : i32 to vector<16xi32>
    %add3A_459 = arith.addi %mul3A_448, %add3A_458 : vector<16xi32>
    %mul3A_460 = arith.mulf %get3A_440, %gather3A_452 : vector<16xf32>
    %mul3A_461 = arith.mulf %get3A_442, %gather3A_456 : vector<16xf32>
    %add3A_462 = arith.addf %mul3A_460, %mul3A_461 : vector<16xf32>
    tpu.vector_store_idx %arg19[%add3A_459], %add3A_462 : memref<512xf32, #tpu.memory_space<vmem>>[vector<16xi32>], vector<16xf32>,
    %add3A_463 = arith.constant 1 : i32
    %add3A_464 = vector.broadcast %add3A_463 : i32 to vector<16xi32>
    %add3A_465 = arith.addi %mul3A_429, %add3A_464 : vector<16xi32>
    %gather3A_466 = tpu.vector_load_idx %arg11[%add3A_465] : memref<49152xf32, #tpu.memory_space<vmem>>[vector<16xi32>], vector<16xf32>,
    %add3A_467 = arith.constant 1 : i32
    %add3A_468 = vector.broadcast %add3A_467 : i32 to vector<16xi32>
    %add3A_469 = arith.addi %mul3A_438, %add3A_468 : vector<16xi32>
    %gather3A_470 = tpu.vector_load_idx %arg11[%add3A_469] : memref<49152xf32, #tpu.memory_space<vmem>>[vector<16xi32>], vector<16xf32>,
    %add3A_471 = arith.constant 1 : i32
    %add3A_472 = vector.broadcast %add3A_471 : i32 to vector<16xi32>
    %add3A_473 = arith.addi %mul3A_448, %add3A_472 : vector<16xi32>
    %mul3A_474 = arith.mulf %get3A_440, %gather3A_466 : vector<16xf32>
    %mul3A_475 = arith.mulf %get3A_442, %gather3A_470 : vector<16xf32>
    %add3A_476 = arith.addf %mul3A_474, %mul3A_475 : vector<16xf32>
    tpu.vector_store_idx %arg19[%add3A_473], %add3A_476 : memref<512xf32, #tpu.memory_space<vmem>>[vector<16xi32>], vector<16xf32>,
    %add3A_477 = arith.constant 2 : i32
    %add3A_478 = vector.broadcast %add3A_477 : i32 to vector<16xi32>
    %add3A_479 = arith.addi %mul3A_429, %add3A_478 : vector<16xi32>
    %gather3A_480 = tpu.vector_load_idx %arg11[%add3A_479] : memref<49152xf32, #tpu.memory_space<vmem>>[vector<16xi32>], vector<16xf32>,
    %add3A_481 = arith.constant 2 : i32
    %add3A_482 = vector.broadcast %add3A_481 : i32 to vector<16xi32>
    %add3A_483 = arith.addi %mul3A_438, %add3A_482 : vector<16xi32>
    %gather3A_484 = tpu.vector_load_idx %arg11[%add3A_483] : memref<49152xf32, #tpu.memory_space<vmem>>[vector<16xi32>], vector<16xf32>,
    %add3A_485 = arith.constant 2 : i32
    %add3A_486 = vector.broadcast %add3A_485 : i32 to vector<16xi32>
    %add3A_487 = arith.addi %mul3A_448, %add3A_486 : vector<16xi32>
    %mul3A_488 = arith.mulf %get3A_440, %gather3A_480 : vector<16xf32>
    %mul3A_489 = arith.mulf %get3A_442, %gather3A_484 : vector<16xf32>
    %add3A_490 = arith.addf %mul3A_488, %mul3A_489 : vector<16xf32>
    tpu.vector_store_idx %arg19[%add3A_487], %add3A_490 : memref<512xf32, #tpu.memory_space<vmem>>[vector<16xi32>], vector<16xf32>,
    %add3A_491 = arith.constant 3 : i32
    %add3A_492 = vector.broadcast %add3A_491 : i32 to vector<16xi32>
    %add3A_493 = arith.addi %mul3A_429, %add3A_492 : vector<16xi32>
    %gather3A_494 = tpu.vector_load_idx %arg11[%add3A_493] : memref<49152xf32, #tpu.memory_space<vmem>>[vector<16xi32>], vector<16xf32>,
    %add3A_495 = arith.constant 3 : i32
    %add3A_496 = vector.broadcast %add3A_495 : i32 to vector<16xi32>
    %add3A_497 = arith.addi %mul3A_438, %add3A_496 : vector<16xi32>
    %gather3A_498 = tpu.vector_load_idx %arg11[%add3A_497] : memref<49152xf32, #tpu.memory_space<vmem>>[vector<16xi32>], vector<16xf32>,
    %add3A_499 = arith.constant 3 : i32
    %add3A_500 = vector.broadcast %add3A_499 : i32 to vector<16xi32>
    %add3A_501 = arith.addi %mul3A_448, %add3A_500 : vector<16xi32>
    %mul3A_502 = arith.mulf %get3A_440, %gather3A_494 : vector<16xf32>
    %mul3A_503 = arith.mulf %get3A_442, %gather3A_498 : vector<16xf32>
    %add3A_504 = arith.addf %mul3A_502, %mul3A_503 : vector<16xf32>
    tpu.vector_store_idx %arg19[%add3A_501], %add3A_504 : memref<512xf32, #tpu.memory_space<vmem>>[vector<16xi32>], vector<16xf32>,
    %get3A_505 = arith.constant 96 : index
    %get3A_506 = tpu.vector_load %arg13[%get3A_505] {strides = array<i32>} : memref<128xi32, #tpu.memory_space<vmem>>, vector<16xi32>,
    %gather3A_507 = tpu.vector_load_idx %arg12[%get3A_506] : memref<8xi32, #tpu.memory_space<vmem>>[vector<16xi32>], vector<16xi32>,
    %get3A_508 = arith.constant 96 : index
    %get3A_509 = tpu.vector_load %arg15[%get3A_508] {strides = array<i32>} : memref<128xi32, #tpu.memory_space<vmem>>, vector<16xi32>,
    %add3A_510 = arith.addi %gather3A_507, %get3A_509 : vector<16xi32>
    %mul3A_511 = arith.constant 4 : i32
    %mul3A_512 = vector.broadcast %mul3A_511 : i32 to vector<16xi32>
    %mul3A_513 = arith.muli %add3A_510, %mul3A_512 : vector<16xi32>
    %get3A_514 = arith.constant 96 : index
    %get3A_515 = tpu.vector_load %arg14[%get3A_514] {strides = array<i32>} : memref<128xi32, #tpu.memory_space<vmem>>, vector<16xi32>,
    %gather3A_516 = tpu.vector_load_idx %arg12[%get3A_515] : memref<8xi32, #tpu.memory_space<vmem>>[vector<16xi32>], vector<16xi32>,
    %get3A_517 = arith.constant 96 : index
    %get3A_518 = tpu.vector_load %arg16[%get3A_517] {strides = array<i32>} : memref<128xi32, #tpu.memory_space<vmem>>, vector<16xi32>,
    %add3A_519 = arith.addi %gather3A_516, %get3A_518 : vector<16xi32>
    %mul3A_520 = arith.constant 4 : i32
    %mul3A_521 = vector.broadcast %mul3A_520 : i32 to vector<16xi32>
    %mul3A_522 = arith.muli %add3A_519, %mul3A_521 : vector<16xi32>
    %get3A_523 = arith.constant 96 : index
    %get3A_524 = tpu.vector_load %arg17[%get3A_523] {strides = array<i32>} : memref<128xf32, #tpu.memory_space<vmem>>, vector<16xf32>,
    %get3A_525 = arith.constant 96 : index
    %get3A_526 = tpu.vector_load %arg18[%get3A_525] {strides = array<i32>} : memref<128xf32, #tpu.memory_space<vmem>>, vector<16xf32>,
    %add3A_527 = arith.constant 96 : i32
    %add3A_528 = vector.broadcast %add3A_527 : i32 to vector<16xi32>
    %add3A_529 = arith.addi %iota3A, %add3A_528 : vector<16xi32>
    %mul3A_530 = arith.constant 4 : i32
    %mul3A_531 = vector.broadcast %mul3A_530 : i32 to vector<16xi32>
    %mul3A_532 = arith.muli %add3A_529, %mul3A_531 : vector<16xi32>
    %add3A_533 = arith.constant 0 : i32
    %add3A_534 = vector.broadcast %add3A_533 : i32 to vector<16xi32>
    %add3A_535 = arith.addi %mul3A_513, %add3A_534 : vector<16xi32>
    %gather3A_536 = tpu.vector_load_idx %arg11[%add3A_535] : memref<49152xf32, #tpu.memory_space<vmem>>[vector<16xi32>], vector<16xf32>,
    %add3A_537 = arith.constant 0 : i32
    %add3A_538 = vector.broadcast %add3A_537 : i32 to vector<16xi32>
    %add3A_539 = arith.addi %mul3A_522, %add3A_538 : vector<16xi32>
    %gather3A_540 = tpu.vector_load_idx %arg11[%add3A_539] : memref<49152xf32, #tpu.memory_space<vmem>>[vector<16xi32>], vector<16xf32>,
    %add3A_541 = arith.constant 0 : i32
    %add3A_542 = vector.broadcast %add3A_541 : i32 to vector<16xi32>
    %add3A_543 = arith.addi %mul3A_532, %add3A_542 : vector<16xi32>
    %mul3A_544 = arith.mulf %get3A_524, %gather3A_536 : vector<16xf32>
    %mul3A_545 = arith.mulf %get3A_526, %gather3A_540 : vector<16xf32>
    %add3A_546 = arith.addf %mul3A_544, %mul3A_545 : vector<16xf32>
    tpu.vector_store_idx %arg19[%add3A_543], %add3A_546 : memref<512xf32, #tpu.memory_space<vmem>>[vector<16xi32>], vector<16xf32>,
    %add3A_547 = arith.constant 1 : i32
    %add3A_548 = vector.broadcast %add3A_547 : i32 to vector<16xi32>
    %add3A_549 = arith.addi %mul3A_513, %add3A_548 : vector<16xi32>
    %gather3A_550 = tpu.vector_load_idx %arg11[%add3A_549] : memref<49152xf32, #tpu.memory_space<vmem>>[vector<16xi32>], vector<16xf32>,
    %add3A_551 = arith.constant 1 : i32
    %add3A_552 = vector.broadcast %add3A_551 : i32 to vector<16xi32>
    %add3A_553 = arith.addi %mul3A_522, %add3A_552 : vector<16xi32>
    %gather3A_554 = tpu.vector_load_idx %arg11[%add3A_553] : memref<49152xf32, #tpu.memory_space<vmem>>[vector<16xi32>], vector<16xf32>,
    %add3A_555 = arith.constant 1 : i32
    %add3A_556 = vector.broadcast %add3A_555 : i32 to vector<16xi32>
    %add3A_557 = arith.addi %mul3A_532, %add3A_556 : vector<16xi32>
    %mul3A_558 = arith.mulf %get3A_524, %gather3A_550 : vector<16xf32>
    %mul3A_559 = arith.mulf %get3A_526, %gather3A_554 : vector<16xf32>
    %add3A_560 = arith.addf %mul3A_558, %mul3A_559 : vector<16xf32>
    tpu.vector_store_idx %arg19[%add3A_557], %add3A_560 : memref<512xf32, #tpu.memory_space<vmem>>[vector<16xi32>], vector<16xf32>,
    %add3A_561 = arith.constant 2 : i32
    %add3A_562 = vector.broadcast %add3A_561 : i32 to vector<16xi32>
    %add3A_563 = arith.addi %mul3A_513, %add3A_562 : vector<16xi32>
    %gather3A_564 = tpu.vector_load_idx %arg11[%add3A_563] : memref<49152xf32, #tpu.memory_space<vmem>>[vector<16xi32>], vector<16xf32>,
    %add3A_565 = arith.constant 2 : i32
    %add3A_566 = vector.broadcast %add3A_565 : i32 to vector<16xi32>
    %add3A_567 = arith.addi %mul3A_522, %add3A_566 : vector<16xi32>
    %gather3A_568 = tpu.vector_load_idx %arg11[%add3A_567] : memref<49152xf32, #tpu.memory_space<vmem>>[vector<16xi32>], vector<16xf32>,
    %add3A_569 = arith.constant 2 : i32
    %add3A_570 = vector.broadcast %add3A_569 : i32 to vector<16xi32>
    %add3A_571 = arith.addi %mul3A_532, %add3A_570 : vector<16xi32>
    %mul3A_572 = arith.mulf %get3A_524, %gather3A_564 : vector<16xf32>
    %mul3A_573 = arith.mulf %get3A_526, %gather3A_568 : vector<16xf32>
    %add3A_574 = arith.addf %mul3A_572, %mul3A_573 : vector<16xf32>
    tpu.vector_store_idx %arg19[%add3A_571], %add3A_574 : memref<512xf32, #tpu.memory_space<vmem>>[vector<16xi32>], vector<16xf32>,
    %add3A_575 = arith.constant 3 : i32
    %add3A_576 = vector.broadcast %add3A_575 : i32 to vector<16xi32>
    %add3A_577 = arith.addi %mul3A_513, %add3A_576 : vector<16xi32>
    %gather3A_578 = tpu.vector_load_idx %arg11[%add3A_577] : memref<49152xf32, #tpu.memory_space<vmem>>[vector<16xi32>], vector<16xf32>,
    %add3A_579 = arith.constant 3 : i32
    %add3A_580 = vector.broadcast %add3A_579 : i32 to vector<16xi32>
    %add3A_581 = arith.addi %mul3A_522, %add3A_580 : vector<16xi32>
    %gather3A_582 = tpu.vector_load_idx %arg11[%add3A_581] : memref<49152xf32, #tpu.memory_space<vmem>>[vector<16xi32>], vector<16xf32>,
    %add3A_583 = arith.constant 3 : i32
    %add3A_584 = vector.broadcast %add3A_583 : i32 to vector<16xi32>
    %add3A_585 = arith.addi %mul3A_532, %add3A_584 : vector<16xi32>
    %mul3A_586 = arith.mulf %get3A_524, %gather3A_578 : vector<16xf32>
    %mul3A_587 = arith.mulf %get3A_526, %gather3A_582 : vector<16xf32>
    %add3A_588 = arith.addf %mul3A_586, %mul3A_587 : vector<16xf32>
    tpu.vector_store_idx %arg19[%add3A_585], %add3A_588 : memref<512xf32, #tpu.memory_space<vmem>>[vector<16xi32>], vector<16xf32>,
    %get3A_589 = arith.constant 112 : index
    %get3A_590 = tpu.vector_load %arg13[%get3A_589] {strides = array<i32>} : memref<128xi32, #tpu.memory_space<vmem>>, vector<16xi32>,
    %gather3A_591 = tpu.vector_load_idx %arg12[%get3A_590] : memref<8xi32, #tpu.memory_space<vmem>>[vector<16xi32>], vector<16xi32>,
    %get3A_592 = arith.constant 112 : index
    %get3A_593 = tpu.vector_load %arg15[%get3A_592] {strides = array<i32>} : memref<128xi32, #tpu.memory_space<vmem>>, vector<16xi32>,
    %add3A_594 = arith.addi %gather3A_591, %get3A_593 : vector<16xi32>
    %mul3A_595 = arith.constant 4 : i32
    %mul3A_596 = vector.broadcast %mul3A_595 : i32 to vector<16xi32>
    %mul3A_597 = arith.muli %add3A_594, %mul3A_596 : vector<16xi32>
    %get3A_598 = arith.constant 112 : index
    %get3A_599 = tpu.vector_load %arg14[%get3A_598] {strides = array<i32>} : memref<128xi32, #tpu.memory_space<vmem>>, vector<16xi32>,
    %gather3A_600 = tpu.vector_load_idx %arg12[%get3A_599] : memref<8xi32, #tpu.memory_space<vmem>>[vector<16xi32>], vector<16xi32>,
    %get3A_601 = arith.constant 112 : index
    %get3A_602 = tpu.vector_load %arg16[%get3A_601] {strides = array<i32>} : memref<128xi32, #tpu.memory_space<vmem>>, vector<16xi32>,
    %add3A_603 = arith.addi %gather3A_600, %get3A_602 : vector<16xi32>
    %mul3A_604 = arith.constant 4 : i32
    %mul3A_605 = vector.broadcast %mul3A_604 : i32 to vector<16xi32>
    %mul3A_606 = arith.muli %add3A_603, %mul3A_605 : vector<16xi32>
    %get3A_607 = arith.constant 112 : index
    %get3A_608 = tpu.vector_load %arg17[%get3A_607] {strides = array<i32>} : memref<128xf32, #tpu.memory_space<vmem>>, vector<16xf32>,
    %get3A_609 = arith.constant 112 : index
    %get3A_610 = tpu.vector_load %arg18[%get3A_609] {strides = array<i32>} : memref<128xf32, #tpu.memory_space<vmem>>, vector<16xf32>,
    %add3A_611 = arith.constant 112 : i32
    %add3A_612 = vector.broadcast %add3A_611 : i32 to vector<16xi32>
    %add3A_613 = arith.addi %iota3A, %add3A_612 : vector<16xi32>
    %mul3A_614 = arith.constant 4 : i32
    %mul3A_615 = vector.broadcast %mul3A_614 : i32 to vector<16xi32>
    %mul3A_616 = arith.muli %add3A_613, %mul3A_615 : vector<16xi32>
    %add3A_617 = arith.constant 0 : i32
    %add3A_618 = vector.broadcast %add3A_617 : i32 to vector<16xi32>
    %add3A_619 = arith.addi %mul3A_597, %add3A_618 : vector<16xi32>
    %gather3A_620 = tpu.vector_load_idx %arg11[%add3A_619] : memref<49152xf32, #tpu.memory_space<vmem>>[vector<16xi32>], vector<16xf32>,
    %add3A_621 = arith.constant 0 : i32
    %add3A_622 = vector.broadcast %add3A_621 : i32 to vector<16xi32>
    %add3A_623 = arith.addi %mul3A_606, %add3A_622 : vector<16xi32>
    %gather3A_624 = tpu.vector_load_idx %arg11[%add3A_623] : memref<49152xf32, #tpu.memory_space<vmem>>[vector<16xi32>], vector<16xf32>,
    %add3A_625 = arith.constant 0 : i32
    %add3A_626 = vector.broadcast %add3A_625 : i32 to vector<16xi32>
    %add3A_627 = arith.addi %mul3A_616, %add3A_626 : vector<16xi32>
    %mul3A_628 = arith.mulf %get3A_608, %gather3A_620 : vector<16xf32>
    %mul3A_629 = arith.mulf %get3A_610, %gather3A_624 : vector<16xf32>
    %add3A_630 = arith.addf %mul3A_628, %mul3A_629 : vector<16xf32>
    tpu.vector_store_idx %arg19[%add3A_627], %add3A_630 : memref<512xf32, #tpu.memory_space<vmem>>[vector<16xi32>], vector<16xf32>,
    %add3A_631 = arith.constant 1 : i32
    %add3A_632 = vector.broadcast %add3A_631 : i32 to vector<16xi32>
    %add3A_633 = arith.addi %mul3A_597, %add3A_632 : vector<16xi32>
    %gather3A_634 = tpu.vector_load_idx %arg11[%add3A_633] : memref<49152xf32, #tpu.memory_space<vmem>>[vector<16xi32>], vector<16xf32>,
    %add3A_635 = arith.constant 1 : i32
    %add3A_636 = vector.broadcast %add3A_635 : i32 to vector<16xi32>
    %add3A_637 = arith.addi %mul3A_606, %add3A_636 : vector<16xi32>
    %gather3A_638 = tpu.vector_load_idx %arg11[%add3A_637] : memref<49152xf32, #tpu.memory_space<vmem>>[vector<16xi32>], vector<16xf32>,
    %add3A_639 = arith.constant 1 : i32
    %add3A_640 = vector.broadcast %add3A_639 : i32 to vector<16xi32>
    %add3A_641 = arith.addi %mul3A_616, %add3A_640 : vector<16xi32>
    %mul3A_642 = arith.mulf %get3A_608, %gather3A_634 : vector<16xf32>
    %mul3A_643 = arith.mulf %get3A_610, %gather3A_638 : vector<16xf32>
    %add3A_644 = arith.addf %mul3A_642, %mul3A_643 : vector<16xf32>
    tpu.vector_store_idx %arg19[%add3A_641], %add3A_644 : memref<512xf32, #tpu.memory_space<vmem>>[vector<16xi32>], vector<16xf32>,
    %add3A_645 = arith.constant 2 : i32
    %add3A_646 = vector.broadcast %add3A_645 : i32 to vector<16xi32>
    %add3A_647 = arith.addi %mul3A_597, %add3A_646 : vector<16xi32>
    %gather3A_648 = tpu.vector_load_idx %arg11[%add3A_647] : memref<49152xf32, #tpu.memory_space<vmem>>[vector<16xi32>], vector<16xf32>,
    %add3A_649 = arith.constant 2 : i32
    %add3A_650 = vector.broadcast %add3A_649 : i32 to vector<16xi32>
    %add3A_651 = arith.addi %mul3A_606, %add3A_650 : vector<16xi32>
    %gather3A_652 = tpu.vector_load_idx %arg11[%add3A_651] : memref<49152xf32, #tpu.memory_space<vmem>>[vector<16xi32>], vector<16xf32>,
    %add3A_653 = arith.constant 2 : i32
    %add3A_654 = vector.broadcast %add3A_653 : i32 to vector<16xi32>
    %add3A_655 = arith.addi %mul3A_616, %add3A_654 : vector<16xi32>
    %mul3A_656 = arith.mulf %get3A_608, %gather3A_648 : vector<16xf32>
    %mul3A_657 = arith.mulf %get3A_610, %gather3A_652 : vector<16xf32>
    %add3A_658 = arith.addf %mul3A_656, %mul3A_657 : vector<16xf32>
    tpu.vector_store_idx %arg19[%add3A_655], %add3A_658 : memref<512xf32, #tpu.memory_space<vmem>>[vector<16xi32>], vector<16xf32>,
    %add3A_659 = arith.constant 3 : i32
    %add3A_660 = vector.broadcast %add3A_659 : i32 to vector<16xi32>
    %add3A_661 = arith.addi %mul3A_597, %add3A_660 : vector<16xi32>
    %gather3A_662 = tpu.vector_load_idx %arg11[%add3A_661] : memref<49152xf32, #tpu.memory_space<vmem>>[vector<16xi32>], vector<16xf32>,
    %add3A_663 = arith.constant 3 : i32
    %add3A_664 = vector.broadcast %add3A_663 : i32 to vector<16xi32>
    %add3A_665 = arith.addi %mul3A_606, %add3A_664 : vector<16xi32>
    %gather3A_666 = tpu.vector_load_idx %arg11[%add3A_665] : memref<49152xf32, #tpu.memory_space<vmem>>[vector<16xi32>], vector<16xf32>,
    %add3A_667 = arith.constant 3 : i32
    %add3A_668 = vector.broadcast %add3A_667 : i32 to vector<16xi32>
    %add3A_669 = arith.addi %mul3A_616, %add3A_668 : vector<16xi32>
    %mul3A_670 = arith.mulf %get3A_608, %gather3A_662 : vector<16xf32>
    %mul3A_671 = arith.mulf %get3A_610, %gather3A_666 : vector<16xf32>
    %add3A_672 = arith.addf %mul3A_670, %mul3A_671 : vector<16xf32>
    tpu.vector_store_idx %arg19[%add3A_669], %add3A_672 : memref<512xf32, #tpu.memory_space<vmem>>[vector<16xi32>], vector<16xf32>,
    %mul3A_673 = arith.constant 4 : i32
    %mul3A_674 = arith.muli %mul3A_2, %mul3A_673 : i32
    "tpu.region"() ({
      %run_scoped3A = tpu.sem_alloc : memref<!tpu.dma_semaphore, #tpu.memory_space<semaphore_mem>>
      %dma_start3A = tpu.memref_slice %arg10[%mul3A_674] : memref<16384xf32, #tpu.memory_space<hbm>> -> memref<512xf32, #tpu.memory_space<hbm>>
      %dma_start3A_675 = tpu.memref_slice %arg10[%mul3A_674] : memref<16384xf32, #tpu.memory_space<hbm>> -> memref<512xf32, #tpu.memory_space<hbm>>
      tpu.enqueue_dma source(%arg19 : memref<512xf32, #tpu.memory_space<vmem>>) target(%dma_start3A_675 : memref<512xf32, #tpu.memory_space<hbm>>) target_semaphore(%run_scoped3A : memref<!tpu.dma_semaphore, #tpu.memory_space<semaphore_mem>>)
      %dma_wait3A = tpu.memref_slice %arg10[%mul3A_674] : memref<16384xf32, #tpu.memory_space<hbm>> -> memref<512xf32, #tpu.memory_space<hbm>>
      %dma_wait3A_676 = tpu.memref_slice %arg10[%mul3A_674] : memref<16384xf32, #tpu.memory_space<hbm>> -> memref<512xf32, #tpu.memory_space<hbm>>
      tpu.wait_dma2 semaphore(%run_scoped3A : memref<!tpu.dma_semaphore, #tpu.memory_space<semaphore_mem>>) src(%arg19 : memref<512xf32, #tpu.memory_space<vmem>>) dst(%dma_wait3A_676 : memref<512xf32, #tpu.memory_space<hbm>>)
      tpu.yield
    }) : () -> ()
    return
  }
}

#map = affine_map<(d0, d1) -> (0, 0)>
#map1 = affine_map<(d0, d1) -> (0)>
module attributes {stable_mosaic.version = 14 : i64} {
  func.func @dispatch(%arg0: i32, %arg1: i32, %arg2: memref<4096x512xi32, #tpu.memory_space<hbm>>, %arg3: memref<4096xi32, #tpu.memory_space<hbm>>, %arg4: memref<4096xi32, #tpu.memory_space<hbm>>, %arg5: memref<4096xi32, #tpu.memory_space<hbm>>, %arg6: memref<4096xi32, #tpu.memory_space<hbm>>, %arg7: memref<8xi32, #tpu.memory_space<hbm>>, %arg8: memref<12288x512xi32, #tpu.memory_space<hbm>>, %arg9: memref<128x512xi32, #tpu.memory_space<vmem>>, %arg10: memref<8xi32, #tpu.memory_space<vmem>>, %arg11: memref<128xi32, #tpu.memory_space<vmem>>, %arg12: memref<128xi32, #tpu.memory_space<vmem>>, %arg13: memref<128xi32, #tpu.memory_space<vmem>>, %arg14: memref<128xi32, #tpu.memory_space<vmem>>, %arg15: memref<128xi32, #tpu.memory_space<vmem>>, %arg16: memref<128xi32, #tpu.memory_space<vmem>>, %arg17: memref<!tpu.dma_semaphore, #tpu.memory_space<semaphore_mem>>, %arg18: memref<!tpu.dma_semaphore, #tpu.memory_space<semaphore_mem>>) attributes {dimension_semantics = [#tpu.dimension_semantics<core_parallel>, #tpu.dimension_semantics<subcore_parallel>], iteration_bounds = array<i64: 2, 16>, scalar_prefetch = 0 : i64, scratch_operands = 10 : i64, tpu.core_type = #tpu.core_type<sc_vector_subcore>, window_params = [{transform_indices = #map}, {transform_indices = #map1}, {transform_indices = #map1}, {transform_indices = #map1}, {transform_indices = #map1}, {transform_indices = #map1}, {transform_indices = #map}]} {
    %mul3A = arith.constant 2 : i32
    %mul3A_0 = arith.muli %arg1, %mul3A : i32
    %add3A = arith.addi %mul3A_0, %arg0 : i32
    %mul3A_1 = arith.constant 128 : i32
    %mul3A_2 = arith.muli %add3A, %mul3A_1 : i32
    %dma_start3A = arith.constant 0 : i32
    %dma_start3A_3 = tpu.memref_slice %arg2[%mul3A_2, %dma_start3A] : memref<4096x512xi32, #tpu.memory_space<hbm>> -> memref<128x512xi32, #tpu.memory_space<hbm>>
    %dma_start3A_4 = arith.constant 0 : i32
    %dma_start3A_5 = tpu.memref_slice %arg2[%mul3A_2, %dma_start3A_4] : memref<4096x512xi32, #tpu.memory_space<hbm>> -> memref<128x512xi32, #tpu.memory_space<hbm>>
    tpu.enqueue_dma source(%dma_start3A_5 : memref<128x512xi32, #tpu.memory_space<hbm>>) target(%arg9 : memref<128x512xi32, #tpu.memory_space<vmem>>) target_semaphore(%arg17 : memref<!tpu.dma_semaphore, #tpu.memory_space<semaphore_mem>>)
    "tpu.region"() ({
      %run_scoped3A = tpu.sem_alloc : memref<!tpu.dma_semaphore, #tpu.memory_space<semaphore_mem>>
      tpu.enqueue_dma source(%arg7 : memref<8xi32, #tpu.memory_space<hbm>>) target(%arg10 : memref<8xi32, #tpu.memory_space<vmem>>) target_semaphore(%run_scoped3A : memref<!tpu.dma_semaphore, #tpu.memory_space<semaphore_mem>>)
      tpu.wait_dma2 semaphore(%run_scoped3A : memref<!tpu.dma_semaphore, #tpu.memory_space<semaphore_mem>>) src(%arg7 : memref<8xi32, #tpu.memory_space<hbm>>) dst(%arg10 : memref<8xi32, #tpu.memory_space<vmem>>)
      tpu.yield
    }) : () -> ()
    "tpu.region"() ({
      %run_scoped3A = tpu.sem_alloc : memref<!tpu.dma_semaphore, #tpu.memory_space<semaphore_mem>>
      %dma_start3A_146 = tpu.memref_slice %arg3[%mul3A_2] : memref<4096xi32, #tpu.memory_space<hbm>> -> memref<128xi32, #tpu.memory_space<hbm>>
      %dma_start3A_147 = tpu.memref_slice %arg3[%mul3A_2] : memref<4096xi32, #tpu.memory_space<hbm>> -> memref<128xi32, #tpu.memory_space<hbm>>
      tpu.enqueue_dma source(%dma_start3A_147 : memref<128xi32, #tpu.memory_space<hbm>>) target(%arg11 : memref<128xi32, #tpu.memory_space<vmem>>) target_semaphore(%run_scoped3A : memref<!tpu.dma_semaphore, #tpu.memory_space<semaphore_mem>>)
      %dma_wait3A_148 = tpu.memref_slice %arg3[%mul3A_2] : memref<4096xi32, #tpu.memory_space<hbm>> -> memref<128xi32, #tpu.memory_space<hbm>>
      %dma_wait3A_149 = tpu.memref_slice %arg3[%mul3A_2] : memref<4096xi32, #tpu.memory_space<hbm>> -> memref<128xi32, #tpu.memory_space<hbm>>
      tpu.wait_dma2 semaphore(%run_scoped3A : memref<!tpu.dma_semaphore, #tpu.memory_space<semaphore_mem>>) src(%dma_wait3A_149 : memref<128xi32, #tpu.memory_space<hbm>>) dst(%arg11 : memref<128xi32, #tpu.memory_space<vmem>>)
      tpu.yield
    }) : () -> ()
    "tpu.region"() ({
      %run_scoped3A = tpu.sem_alloc : memref<!tpu.dma_semaphore, #tpu.memory_space<semaphore_mem>>
      %dma_start3A_146 = tpu.memref_slice %arg4[%mul3A_2] : memref<4096xi32, #tpu.memory_space<hbm>> -> memref<128xi32, #tpu.memory_space<hbm>>
      %dma_start3A_147 = tpu.memref_slice %arg4[%mul3A_2] : memref<4096xi32, #tpu.memory_space<hbm>> -> memref<128xi32, #tpu.memory_space<hbm>>
      tpu.enqueue_dma source(%dma_start3A_147 : memref<128xi32, #tpu.memory_space<hbm>>) target(%arg12 : memref<128xi32, #tpu.memory_space<vmem>>) target_semaphore(%run_scoped3A : memref<!tpu.dma_semaphore, #tpu.memory_space<semaphore_mem>>)
      %dma_wait3A_148 = tpu.memref_slice %arg4[%mul3A_2] : memref<4096xi32, #tpu.memory_space<hbm>> -> memref<128xi32, #tpu.memory_space<hbm>>
      %dma_wait3A_149 = tpu.memref_slice %arg4[%mul3A_2] : memref<4096xi32, #tpu.memory_space<hbm>> -> memref<128xi32, #tpu.memory_space<hbm>>
      tpu.wait_dma2 semaphore(%run_scoped3A : memref<!tpu.dma_semaphore, #tpu.memory_space<semaphore_mem>>) src(%dma_wait3A_149 : memref<128xi32, #tpu.memory_space<hbm>>) dst(%arg12 : memref<128xi32, #tpu.memory_space<vmem>>)
      tpu.yield
    }) : () -> ()
    "tpu.region"() ({
      %run_scoped3A = tpu.sem_alloc : memref<!tpu.dma_semaphore, #tpu.memory_space<semaphore_mem>>
      %dma_start3A_146 = tpu.memref_slice %arg5[%mul3A_2] : memref<4096xi32, #tpu.memory_space<hbm>> -> memref<128xi32, #tpu.memory_space<hbm>>
      %dma_start3A_147 = tpu.memref_slice %arg5[%mul3A_2] : memref<4096xi32, #tpu.memory_space<hbm>> -> memref<128xi32, #tpu.memory_space<hbm>>
      tpu.enqueue_dma source(%dma_start3A_147 : memref<128xi32, #tpu.memory_space<hbm>>) target(%arg13 : memref<128xi32, #tpu.memory_space<vmem>>) target_semaphore(%run_scoped3A : memref<!tpu.dma_semaphore, #tpu.memory_space<semaphore_mem>>)
      %dma_wait3A_148 = tpu.memref_slice %arg5[%mul3A_2] : memref<4096xi32, #tpu.memory_space<hbm>> -> memref<128xi32, #tpu.memory_space<hbm>>
      %dma_wait3A_149 = tpu.memref_slice %arg5[%mul3A_2] : memref<4096xi32, #tpu.memory_space<hbm>> -> memref<128xi32, #tpu.memory_space<hbm>>
      tpu.wait_dma2 semaphore(%run_scoped3A : memref<!tpu.dma_semaphore, #tpu.memory_space<semaphore_mem>>) src(%dma_wait3A_149 : memref<128xi32, #tpu.memory_space<hbm>>) dst(%arg13 : memref<128xi32, #tpu.memory_space<vmem>>)
      tpu.yield
    }) : () -> ()
    "tpu.region"() ({
      %run_scoped3A = tpu.sem_alloc : memref<!tpu.dma_semaphore, #tpu.memory_space<semaphore_mem>>
      %dma_start3A_146 = tpu.memref_slice %arg6[%mul3A_2] : memref<4096xi32, #tpu.memory_space<hbm>> -> memref<128xi32, #tpu.memory_space<hbm>>
      %dma_start3A_147 = tpu.memref_slice %arg6[%mul3A_2] : memref<4096xi32, #tpu.memory_space<hbm>> -> memref<128xi32, #tpu.memory_space<hbm>>
      tpu.enqueue_dma source(%dma_start3A_147 : memref<128xi32, #tpu.memory_space<hbm>>) target(%arg14 : memref<128xi32, #tpu.memory_space<vmem>>) target_semaphore(%run_scoped3A : memref<!tpu.dma_semaphore, #tpu.memory_space<semaphore_mem>>)
      %dma_wait3A_148 = tpu.memref_slice %arg6[%mul3A_2] : memref<4096xi32, #tpu.memory_space<hbm>> -> memref<128xi32, #tpu.memory_space<hbm>>
      %dma_wait3A_149 = tpu.memref_slice %arg6[%mul3A_2] : memref<4096xi32, #tpu.memory_space<hbm>> -> memref<128xi32, #tpu.memory_space<hbm>>
      tpu.wait_dma2 semaphore(%run_scoped3A : memref<!tpu.dma_semaphore, #tpu.memory_space<semaphore_mem>>) src(%dma_wait3A_149 : memref<128xi32, #tpu.memory_space<hbm>>) dst(%arg14 : memref<128xi32, #tpu.memory_space<vmem>>)
      tpu.yield
    }) : () -> ()
    %get3A = arith.constant 0 : index
    %get3A_6 = tpu.vector_load %arg11[%get3A] {strides = array<i32>} : memref<128xi32, #tpu.memory_space<vmem>>, vector<16xi32>,
    %gather3A = tpu.vector_load_idx %arg10[%get3A_6] : memref<8xi32, #tpu.memory_space<vmem>>[vector<16xi32>], vector<16xi32>,
    %get3A_7 = arith.constant 0 : index
    %get3A_8 = tpu.vector_load %arg13[%get3A_7] {strides = array<i32>} : memref<128xi32, #tpu.memory_space<vmem>>, vector<16xi32>,
    %add3A_9 = arith.addi %gather3A, %get3A_8 : vector<16xi32>
    %swap3A = arith.constant 0 : index
    %swap3A_10 = tpu.vector_load %arg15[%swap3A] {strides = array<i32>} : memref<128xi32, #tpu.memory_space<vmem>>, vector<16xi32>,
    tpu.vector_store %arg15[%swap3A], %add3A_9 {strides = array<i32>} : memref<128xi32, #tpu.memory_space<vmem>>, vector<16xi32>,
    %get3A_11 = arith.constant 0 : index
    %get3A_12 = tpu.vector_load %arg12[%get3A_11] {strides = array<i32>} : memref<128xi32, #tpu.memory_space<vmem>>, vector<16xi32>,
    %gather3A_13 = tpu.vector_load_idx %arg10[%get3A_12] : memref<8xi32, #tpu.memory_space<vmem>>[vector<16xi32>], vector<16xi32>,
    %get3A_14 = arith.constant 0 : index
    %get3A_15 = tpu.vector_load %arg14[%get3A_14] {strides = array<i32>} : memref<128xi32, #tpu.memory_space<vmem>>, vector<16xi32>,
    %add3A_16 = arith.addi %gather3A_13, %get3A_15 : vector<16xi32>
    %swap3A_17 = arith.constant 0 : index
    %swap3A_18 = tpu.vector_load %arg16[%swap3A_17] {strides = array<i32>} : memref<128xi32, #tpu.memory_space<vmem>>, vector<16xi32>,
    tpu.vector_store %arg16[%swap3A_17], %add3A_16 {strides = array<i32>} : memref<128xi32, #tpu.memory_space<vmem>>, vector<16xi32>,
    %get3A_19 = arith.constant 16 : index
    %get3A_20 = tpu.vector_load %arg11[%get3A_19] {strides = array<i32>} : memref<128xi32, #tpu.memory_space<vmem>>, vector<16xi32>,
    %gather3A_21 = tpu.vector_load_idx %arg10[%get3A_20] : memref<8xi32, #tpu.memory_space<vmem>>[vector<16xi32>], vector<16xi32>,
    %get3A_22 = arith.constant 16 : index
    %get3A_23 = tpu.vector_load %arg13[%get3A_22] {strides = array<i32>} : memref<128xi32, #tpu.memory_space<vmem>>, vector<16xi32>,
    %add3A_24 = arith.addi %gather3A_21, %get3A_23 : vector<16xi32>
    %swap3A_25 = arith.constant 16 : index
    %swap3A_26 = tpu.vector_load %arg15[%swap3A_25] {strides = array<i32>} : memref<128xi32, #tpu.memory_space<vmem>>, vector<16xi32>,
    tpu.vector_store %arg15[%swap3A_25], %add3A_24 {strides = array<i32>} : memref<128xi32, #tpu.memory_space<vmem>>, vector<16xi32>,
    %get3A_27 = arith.constant 16 : index
    %get3A_28 = tpu.vector_load %arg12[%get3A_27] {strides = array<i32>} : memref<128xi32, #tpu.memory_space<vmem>>, vector<16xi32>,
    %gather3A_29 = tpu.vector_load_idx %arg10[%get3A_28] : memref<8xi32, #tpu.memory_space<vmem>>[vector<16xi32>], vector<16xi32>,
    %get3A_30 = arith.constant 16 : index
    %get3A_31 = tpu.vector_load %arg14[%get3A_30] {strides = array<i32>} : memref<128xi32, #tpu.memory_space<vmem>>, vector<16xi32>,
    %add3A_32 = arith.addi %gather3A_29, %get3A_31 : vector<16xi32>
    %swap3A_33 = arith.constant 16 : index
    %swap3A_34 = tpu.vector_load %arg16[%swap3A_33] {strides = array<i32>} : memref<128xi32, #tpu.memory_space<vmem>>, vector<16xi32>,
    tpu.vector_store %arg16[%swap3A_33], %add3A_32 {strides = array<i32>} : memref<128xi32, #tpu.memory_space<vmem>>, vector<16xi32>,
    %get3A_35 = arith.constant 32 : index
    %get3A_36 = tpu.vector_load %arg11[%get3A_35] {strides = array<i32>} : memref<128xi32, #tpu.memory_space<vmem>>, vector<16xi32>,
    %gather3A_37 = tpu.vector_load_idx %arg10[%get3A_36] : memref<8xi32, #tpu.memory_space<vmem>>[vector<16xi32>], vector<16xi32>,
    %get3A_38 = arith.constant 32 : index
    %get3A_39 = tpu.vector_load %arg13[%get3A_38] {strides = array<i32>} : memref<128xi32, #tpu.memory_space<vmem>>, vector<16xi32>,
    %add3A_40 = arith.addi %gather3A_37, %get3A_39 : vector<16xi32>
    %swap3A_41 = arith.constant 32 : index
    %swap3A_42 = tpu.vector_load %arg15[%swap3A_41] {strides = array<i32>} : memref<128xi32, #tpu.memory_space<vmem>>, vector<16xi32>,
    tpu.vector_store %arg15[%swap3A_41], %add3A_40 {strides = array<i32>} : memref<128xi32, #tpu.memory_space<vmem>>, vector<16xi32>,
    %get3A_43 = arith.constant 32 : index
    %get3A_44 = tpu.vector_load %arg12[%get3A_43] {strides = array<i32>} : memref<128xi32, #tpu.memory_space<vmem>>, vector<16xi32>,
    %gather3A_45 = tpu.vector_load_idx %arg10[%get3A_44] : memref<8xi32, #tpu.memory_space<vmem>>[vector<16xi32>], vector<16xi32>,
    %get3A_46 = arith.constant 32 : index
    %get3A_47 = tpu.vector_load %arg14[%get3A_46] {strides = array<i32>} : memref<128xi32, #tpu.memory_space<vmem>>, vector<16xi32>,
    %add3A_48 = arith.addi %gather3A_45, %get3A_47 : vector<16xi32>
    %swap3A_49 = arith.constant 32 : index
    %swap3A_50 = tpu.vector_load %arg16[%swap3A_49] {strides = array<i32>} : memref<128xi32, #tpu.memory_space<vmem>>, vector<16xi32>,
    tpu.vector_store %arg16[%swap3A_49], %add3A_48 {strides = array<i32>} : memref<128xi32, #tpu.memory_space<vmem>>, vector<16xi32>,
    %get3A_51 = arith.constant 48 : index
    %get3A_52 = tpu.vector_load %arg11[%get3A_51] {strides = array<i32>} : memref<128xi32, #tpu.memory_space<vmem>>, vector<16xi32>,
    %gather3A_53 = tpu.vector_load_idx %arg10[%get3A_52] : memref<8xi32, #tpu.memory_space<vmem>>[vector<16xi32>], vector<16xi32>,
    %get3A_54 = arith.constant 48 : index
    %get3A_55 = tpu.vector_load %arg13[%get3A_54] {strides = array<i32>} : memref<128xi32, #tpu.memory_space<vmem>>, vector<16xi32>,
    %add3A_56 = arith.addi %gather3A_53, %get3A_55 : vector<16xi32>
    %swap3A_57 = arith.constant 48 : index
    %swap3A_58 = tpu.vector_load %arg15[%swap3A_57] {strides = array<i32>} : memref<128xi32, #tpu.memory_space<vmem>>, vector<16xi32>,
    tpu.vector_store %arg15[%swap3A_57], %add3A_56 {strides = array<i32>} : memref<128xi32, #tpu.memory_space<vmem>>, vector<16xi32>,
    %get3A_59 = arith.constant 48 : index
    %get3A_60 = tpu.vector_load %arg12[%get3A_59] {strides = array<i32>} : memref<128xi32, #tpu.memory_space<vmem>>, vector<16xi32>,
    %gather3A_61 = tpu.vector_load_idx %arg10[%get3A_60] : memref<8xi32, #tpu.memory_space<vmem>>[vector<16xi32>], vector<16xi32>,
    %get3A_62 = arith.constant 48 : index
    %get3A_63 = tpu.vector_load %arg14[%get3A_62] {strides = array<i32>} : memref<128xi32, #tpu.memory_space<vmem>>, vector<16xi32>,
    %add3A_64 = arith.addi %gather3A_61, %get3A_63 : vector<16xi32>
    %swap3A_65 = arith.constant 48 : index
    %swap3A_66 = tpu.vector_load %arg16[%swap3A_65] {strides = array<i32>} : memref<128xi32, #tpu.memory_space<vmem>>, vector<16xi32>,
    tpu.vector_store %arg16[%swap3A_65], %add3A_64 {strides = array<i32>} : memref<128xi32, #tpu.memory_space<vmem>>, vector<16xi32>,
    %get3A_67 = arith.constant 64 : index
    %get3A_68 = tpu.vector_load %arg11[%get3A_67] {strides = array<i32>} : memref<128xi32, #tpu.memory_space<vmem>>, vector<16xi32>,
    %gather3A_69 = tpu.vector_load_idx %arg10[%get3A_68] : memref<8xi32, #tpu.memory_space<vmem>>[vector<16xi32>], vector<16xi32>,
    %get3A_70 = arith.constant 64 : index
    %get3A_71 = tpu.vector_load %arg13[%get3A_70] {strides = array<i32>} : memref<128xi32, #tpu.memory_space<vmem>>, vector<16xi32>,
    %add3A_72 = arith.addi %gather3A_69, %get3A_71 : vector<16xi32>
    %swap3A_73 = arith.constant 64 : index
    %swap3A_74 = tpu.vector_load %arg15[%swap3A_73] {strides = array<i32>} : memref<128xi32, #tpu.memory_space<vmem>>, vector<16xi32>,
    tpu.vector_store %arg15[%swap3A_73], %add3A_72 {strides = array<i32>} : memref<128xi32, #tpu.memory_space<vmem>>, vector<16xi32>,
    %get3A_75 = arith.constant 64 : index
    %get3A_76 = tpu.vector_load %arg12[%get3A_75] {strides = array<i32>} : memref<128xi32, #tpu.memory_space<vmem>>, vector<16xi32>,
    %gather3A_77 = tpu.vector_load_idx %arg10[%get3A_76] : memref<8xi32, #tpu.memory_space<vmem>>[vector<16xi32>], vector<16xi32>,
    %get3A_78 = arith.constant 64 : index
    %get3A_79 = tpu.vector_load %arg14[%get3A_78] {strides = array<i32>} : memref<128xi32, #tpu.memory_space<vmem>>, vector<16xi32>,
    %add3A_80 = arith.addi %gather3A_77, %get3A_79 : vector<16xi32>
    %swap3A_81 = arith.constant 64 : index
    %swap3A_82 = tpu.vector_load %arg16[%swap3A_81] {strides = array<i32>} : memref<128xi32, #tpu.memory_space<vmem>>, vector<16xi32>,
    tpu.vector_store %arg16[%swap3A_81], %add3A_80 {strides = array<i32>} : memref<128xi32, #tpu.memory_space<vmem>>, vector<16xi32>,
    %get3A_83 = arith.constant 80 : index
    %get3A_84 = tpu.vector_load %arg11[%get3A_83] {strides = array<i32>} : memref<128xi32, #tpu.memory_space<vmem>>, vector<16xi32>,
    %gather3A_85 = tpu.vector_load_idx %arg10[%get3A_84] : memref<8xi32, #tpu.memory_space<vmem>>[vector<16xi32>], vector<16xi32>,
    %get3A_86 = arith.constant 80 : index
    %get3A_87 = tpu.vector_load %arg13[%get3A_86] {strides = array<i32>} : memref<128xi32, #tpu.memory_space<vmem>>, vector<16xi32>,
    %add3A_88 = arith.addi %gather3A_85, %get3A_87 : vector<16xi32>
    %swap3A_89 = arith.constant 80 : index
    %swap3A_90 = tpu.vector_load %arg15[%swap3A_89] {strides = array<i32>} : memref<128xi32, #tpu.memory_space<vmem>>, vector<16xi32>,
    tpu.vector_store %arg15[%swap3A_89], %add3A_88 {strides = array<i32>} : memref<128xi32, #tpu.memory_space<vmem>>, vector<16xi32>,
    %get3A_91 = arith.constant 80 : index
    %get3A_92 = tpu.vector_load %arg12[%get3A_91] {strides = array<i32>} : memref<128xi32, #tpu.memory_space<vmem>>, vector<16xi32>,
    %gather3A_93 = tpu.vector_load_idx %arg10[%get3A_92] : memref<8xi32, #tpu.memory_space<vmem>>[vector<16xi32>], vector<16xi32>,
    %get3A_94 = arith.constant 80 : index
    %get3A_95 = tpu.vector_load %arg14[%get3A_94] {strides = array<i32>} : memref<128xi32, #tpu.memory_space<vmem>>, vector<16xi32>,
    %add3A_96 = arith.addi %gather3A_93, %get3A_95 : vector<16xi32>
    %swap3A_97 = arith.constant 80 : index
    %swap3A_98 = tpu.vector_load %arg16[%swap3A_97] {strides = array<i32>} : memref<128xi32, #tpu.memory_space<vmem>>, vector<16xi32>,
    tpu.vector_store %arg16[%swap3A_97], %add3A_96 {strides = array<i32>} : memref<128xi32, #tpu.memory_space<vmem>>, vector<16xi32>,
    %get3A_99 = arith.constant 96 : index
    %get3A_100 = tpu.vector_load %arg11[%get3A_99] {strides = array<i32>} : memref<128xi32, #tpu.memory_space<vmem>>, vector<16xi32>,
    %gather3A_101 = tpu.vector_load_idx %arg10[%get3A_100] : memref<8xi32, #tpu.memory_space<vmem>>[vector<16xi32>], vector<16xi32>,
    %get3A_102 = arith.constant 96 : index
    %get3A_103 = tpu.vector_load %arg13[%get3A_102] {strides = array<i32>} : memref<128xi32, #tpu.memory_space<vmem>>, vector<16xi32>,
    %add3A_104 = arith.addi %gather3A_101, %get3A_103 : vector<16xi32>
    %swap3A_105 = arith.constant 96 : index
    %swap3A_106 = tpu.vector_load %arg15[%swap3A_105] {strides = array<i32>} : memref<128xi32, #tpu.memory_space<vmem>>, vector<16xi32>,
    tpu.vector_store %arg15[%swap3A_105], %add3A_104 {strides = array<i32>} : memref<128xi32, #tpu.memory_space<vmem>>, vector<16xi32>,
    %get3A_107 = arith.constant 96 : index
    %get3A_108 = tpu.vector_load %arg12[%get3A_107] {strides = array<i32>} : memref<128xi32, #tpu.memory_space<vmem>>, vector<16xi32>,
    %gather3A_109 = tpu.vector_load_idx %arg10[%get3A_108] : memref<8xi32, #tpu.memory_space<vmem>>[vector<16xi32>], vector<16xi32>,
    %get3A_110 = arith.constant 96 : index
    %get3A_111 = tpu.vector_load %arg14[%get3A_110] {strides = array<i32>} : memref<128xi32, #tpu.memory_space<vmem>>, vector<16xi32>,
    %add3A_112 = arith.addi %gather3A_109, %get3A_111 : vector<16xi32>
    %swap3A_113 = arith.constant 96 : index
    %swap3A_114 = tpu.vector_load %arg16[%swap3A_113] {strides = array<i32>} : memref<128xi32, #tpu.memory_space<vmem>>, vector<16xi32>,
    tpu.vector_store %arg16[%swap3A_113], %add3A_112 {strides = array<i32>} : memref<128xi32, #tpu.memory_space<vmem>>, vector<16xi32>,
    %get3A_115 = arith.constant 112 : index
    %get3A_116 = tpu.vector_load %arg11[%get3A_115] {strides = array<i32>} : memref<128xi32, #tpu.memory_space<vmem>>, vector<16xi32>,
    %gather3A_117 = tpu.vector_load_idx %arg10[%get3A_116] : memref<8xi32, #tpu.memory_space<vmem>>[vector<16xi32>], vector<16xi32>,
    %get3A_118 = arith.constant 112 : index
    %get3A_119 = tpu.vector_load %arg13[%get3A_118] {strides = array<i32>} : memref<128xi32, #tpu.memory_space<vmem>>, vector<16xi32>,
    %add3A_120 = arith.addi %gather3A_117, %get3A_119 : vector<16xi32>
    %swap3A_121 = arith.constant 112 : index
    %swap3A_122 = tpu.vector_load %arg15[%swap3A_121] {strides = array<i32>} : memref<128xi32, #tpu.memory_space<vmem>>, vector<16xi32>,
    tpu.vector_store %arg15[%swap3A_121], %add3A_120 {strides = array<i32>} : memref<128xi32, #tpu.memory_space<vmem>>, vector<16xi32>,
    %get3A_123 = arith.constant 112 : index
    %get3A_124 = tpu.vector_load %arg12[%get3A_123] {strides = array<i32>} : memref<128xi32, #tpu.memory_space<vmem>>, vector<16xi32>,
    %gather3A_125 = tpu.vector_load_idx %arg10[%get3A_124] : memref<8xi32, #tpu.memory_space<vmem>>[vector<16xi32>], vector<16xi32>,
    %get3A_126 = arith.constant 112 : index
    %get3A_127 = tpu.vector_load %arg14[%get3A_126] {strides = array<i32>} : memref<128xi32, #tpu.memory_space<vmem>>, vector<16xi32>,
    %add3A_128 = arith.addi %gather3A_125, %get3A_127 : vector<16xi32>
    %swap3A_129 = arith.constant 112 : index
    %swap3A_130 = tpu.vector_load %arg16[%swap3A_129] {strides = array<i32>} : memref<128xi32, #tpu.memory_space<vmem>>, vector<16xi32>,
    tpu.vector_store %arg16[%swap3A_129], %add3A_128 {strides = array<i32>} : memref<128xi32, #tpu.memory_space<vmem>>, vector<16xi32>,
    %dma_wait3A = arith.constant 0 : i32
    %dma_wait3A_131 = tpu.memref_slice %arg2[%mul3A_2, %dma_wait3A] : memref<4096x512xi32, #tpu.memory_space<hbm>> -> memref<128x512xi32, #tpu.memory_space<hbm>>
    %dma_wait3A_132 = arith.constant 0 : i32
    %dma_wait3A_133 = tpu.memref_slice %arg2[%mul3A_2, %dma_wait3A_132] : memref<4096x512xi32, #tpu.memory_space<hbm>> -> memref<128x512xi32, #tpu.memory_space<hbm>>
    tpu.wait_dma2 semaphore(%arg17 : memref<!tpu.dma_semaphore, #tpu.memory_space<semaphore_mem>>) src(%dma_wait3A_133 : memref<128x512xi32, #tpu.memory_space<hbm>>) dst(%arg9 : memref<128x512xi32, #tpu.memory_space<vmem>>)
    %dma_start3A_134 = arith.constant 0 : i32
    %dma_start3A_135 = arith.constant 0 : i32
    %dma_start3A_136 = tpu.memref_slice %arg8[%dma_start3A_134, %dma_start3A_135] : memref<12288x512xi32, #tpu.memory_space<hbm>> -> memref<12288x512xi32, #tpu.memory_space<hbm>>
    tpu.enqueue_indirect_dma source(%arg9 : memref<128x512xi32, #tpu.memory_space<vmem>>) target(%dma_start3A_136 : memref<12288x512xi32, #tpu.memory_space<hbm>>) offsets(%arg15 : memref<128xi32, #tpu.memory_space<vmem>>) semaphore(%arg17 : memref<!tpu.dma_semaphore, #tpu.memory_space<semaphore_mem>>)
    %dma_start3A_137 = arith.constant 0 : i32
    %dma_start3A_138 = arith.constant 0 : i32
    %dma_start3A_139 = tpu.memref_slice %arg8[%dma_start3A_137, %dma_start3A_138] : memref<12288x512xi32, #tpu.memory_space<hbm>> -> memref<12288x512xi32, #tpu.memory_space<hbm>>
    tpu.enqueue_indirect_dma source(%arg9 : memref<128x512xi32, #tpu.memory_space<vmem>>) target(%dma_start3A_139 : memref<12288x512xi32, #tpu.memory_space<hbm>>) offsets(%arg16 : memref<128xi32, #tpu.memory_space<vmem>>) semaphore(%arg18 : memref<!tpu.dma_semaphore, #tpu.memory_space<semaphore_mem>>)
    %dma_wait3A_140 = arith.constant 0 : i32
    %dma_wait3A_141 = arith.constant 0 : i32
    %dma_wait3A_142 = tpu.memref_slice %arg8[%dma_wait3A_140, %dma_wait3A_141] : memref<12288x512xi32, #tpu.memory_space<hbm>> -> memref<12288x512xi32, #tpu.memory_space<hbm>>
    tpu.wait_indirect_dma semaphore(%arg17 : memref<!tpu.dma_semaphore, #tpu.memory_space<semaphore_mem>>) src(%arg9 : memref<128x512xi32, #tpu.memory_space<vmem>>) dst(%dma_wait3A_142 : memref<12288x512xi32, #tpu.memory_space<hbm>>)
    %dma_wait3A_143 = arith.constant 0 : i32
    %dma_wait3A_144 = arith.constant 0 : i32
    %dma_wait3A_145 = tpu.memref_slice %arg8[%dma_wait3A_143, %dma_wait3A_144] : memref<12288x512xi32, #tpu.memory_space<hbm>> -> memref<12288x512xi32, #tpu.memory_space<hbm>>
    tpu.wait_indirect_dma semaphore(%arg18 : memref<!tpu.dma_semaphore, #tpu.memory_space<semaphore_mem>>) src(%arg9 : memref<128x512xi32, #tpu.memory_space<vmem>>) dst(%dma_wait3A_145 : memref<12288x512xi32, #tpu.memory_space<hbm>>)
    return
  }
}

module attributes {stable_mosaic.version = 14 : i64} {
  func.func @_router_body(%arg0: i32, %arg1: memref<1024x1024xf32, #tpu.memory_space<vmem>>, %arg2: memref<1024x8xf32, #tpu.memory_space<vmem>>, %arg3: memref<1024x128xf32, #tpu.memory_space<vmem>>, %arg4: memref<1x128xf32, #tpu.memory_space<vmem>>, %arg5: memref<128x8xf32, #tpu.memory_space<vmem>>, %arg6: memref<1x8xf32, #tpu.memory_space<vmem>>, %arg7: memref<1x8xf32, #tpu.memory_space<vmem>>, %arg8: memref<1024x1xi32, #tpu.memory_space<vmem>>, %arg9: memref<1024x1xi32, #tpu.memory_space<vmem>>, %arg10: memref<1024x1xi32, #tpu.memory_space<vmem>>, %arg11: memref<1024x1xi32, #tpu.memory_space<vmem>>, %arg12: memref<1024x1xf32, #tpu.memory_space<vmem>>, %arg13: memref<1024x1xf32, #tpu.memory_space<vmem>>, %arg14: memref<1x8xi32, #tpu.memory_space<vmem>>, %arg15: memref<8x128xi32, #tpu.memory_space<vmem>>, %arg16: memref<1x1xf32, #tpu.memory_space<vmem>>, %arg17: memref<1024x512xi32, #tpu.memory_space<vmem>>, %arg18: memref<1x8xf32, #tpu.memory_space<vmem>>, %arg19: memref<1x8xf32, #tpu.memory_space<vmem>>) attributes {dimension_semantics = [#tpu.dimension_semantics<arbitrary>], iteration_bounds = array<i64: 4>, scalar_prefetch = 0 : i64, scratch_operands = 2 : i64, tpu.core_type = #tpu.core_type<tc>, window_params = [{transform_indices = @transform_0, window_bounds = array<i64: 1024, 1024>}, {transform_indices = @transform_1, window_bounds = array<i64: 1024, 8>}, {pipeline_mode = #tpu.pipeline_mode<synchronous>, transform_indices = @transform_2, window_bounds = array<i64: 1024, 128>}, {pipeline_mode = #tpu.pipeline_mode<synchronous>, transform_indices = @transform_3, window_bounds = array<i64: 1, 128>}, {pipeline_mode = #tpu.pipeline_mode<synchronous>, transform_indices = @transform_4, window_bounds = array<i64: 128, 8>}, {pipeline_mode = #tpu.pipeline_mode<synchronous>, transform_indices = @transform_5, window_bounds = array<i64: 1, 8>}, {pipeline_mode = #tpu.pipeline_mode<synchronous>, transform_indices = @transform_6, window_bounds = array<i64: 1, 8>}, {transform_indices = @transform_7, window_bounds = array<i64: 1024, 1>}, {transform_indices = @transform_8, window_bounds = array<i64: 1024, 1>}, {transform_indices = @transform_9, window_bounds = array<i64: 1024, 1>}, {transform_indices = @transform_10, window_bounds = array<i64: 1024, 1>}, {transform_indices = @transform_11, window_bounds = array<i64: 1024, 1>}, {transform_indices = @transform_12, window_bounds = array<i64: 1024, 1>}, {pipeline_mode = #tpu.pipeline_mode<synchronous>, transform_indices = @transform_13, window_bounds = array<i64: 1, 8>}, {pipeline_mode = #tpu.pipeline_mode<synchronous>, transform_indices = @transform_14, window_bounds = array<i64: 8, 128>}, {pipeline_mode = #tpu.pipeline_mode<synchronous>, transform_indices = @transform_15, window_bounds = array<i64: 1, 1>}, {transform_indices = @transform_16, window_bounds = array<i64: 1024, 512>}]} {
    %eq3A = arith.constant 0 : i32
    %eq3A_0 = arith.cmpi eq, %arg0, %eq3A : i32
    %convert_element_type3A = arith.extui %eq3A_0 : i1 to i32
    %cond3A = arith.constant 0 : i32
    %cond3A_1 = arith.cmpi ne, %convert_element_type3A, %cond3A : i32
    scf.if %cond3A_1 {
      %broadcast_in_dim3A_167 = arith.constant 0.000000e+00 : f32
      %broadcast_in_dim3A_168 = vector.broadcast %broadcast_in_dim3A_167 : f32 to vector<1x8xf32>
      %swap3A_169 = arith.constant 0 : index
      %swap3A_170 = arith.constant 0 : index
      %swap3A_171 = vector.load %arg18[%swap3A_169, %swap3A_170] : memref<1x8xf32, #tpu.memory_space<vmem>>, vector<1x8xf32>
      tpu.vector_store %arg18[%swap3A_169, %swap3A_170], %broadcast_in_dim3A_168 {strides = array<i32>} : memref<1x8xf32, #tpu.memory_space<vmem>>, vector<1x8xf32>,
      %broadcast_in_dim3A_172 = arith.constant 0.000000e+00 : f32
      %broadcast_in_dim3A_173 = vector.broadcast %broadcast_in_dim3A_172 : f32 to vector<1x8xf32>
      %swap3A_174 = arith.constant 0 : index
      %swap3A_175 = arith.constant 0 : index
      %swap3A_176 = vector.load %arg19[%swap3A_174, %swap3A_175] : memref<1x8xf32, #tpu.memory_space<vmem>>, vector<1x8xf32>
      tpu.vector_store %arg19[%swap3A_174, %swap3A_175], %broadcast_in_dim3A_173 {strides = array<i32>} : memref<1x8xf32, #tpu.memory_space<vmem>>, vector<1x8xf32>,
    } else {
    }
    %get3A = arith.constant 0 : index
    %get3A_2 = arith.constant 0 : index
    %get3A_3 = vector.load %arg1[%get3A, %get3A_2] : memref<1024x1024xf32, #tpu.memory_space<vmem>>, vector<1024x1024xf32>
    %bitcast_convert_type3A = tpu.bitcast %get3A_3 : vector<1024x1024xf32> -> vector<1024x1024xi32>
    %slice3A = vector.extract_strided_slice %bitcast_convert_type3A {offsets = [0, 0], sizes = [1024, 512], strides = [1, 1]} : vector<1024x1024xi32> to vector<1024x512xi32>
    %add3A = arith.constant 32767 : i32
    %add3A_4 = vector.broadcast %add3A : i32 to vector<1024x512xi32>
    %add3A_5 = arith.addi %slice3A, %add3A_4 : vector<1024x512xi32>
    %shift_right_logical3A = arith.constant 16 : i32
    %shift_right_logical3A_6 = vector.broadcast %shift_right_logical3A : i32 to vector<1024x512xi32>
    %shift_right_logical3A_7 = arith.shrui %slice3A, %shift_right_logical3A_6 : vector<1024x512xi32>
    %and3A = arith.constant 1 : i32
    %and3A_8 = vector.broadcast %and3A : i32 to vector<1024x512xi32>
    %and3A_9 = arith.andi %shift_right_logical3A_7, %and3A_8 : vector<1024x512xi32>
    %add3A_10 = arith.addi %add3A_5, %and3A_9 : vector<1024x512xi32>
    %shift_right_logical3A_11 = arith.constant 16 : i32
    %shift_right_logical3A_12 = vector.broadcast %shift_right_logical3A_11 : i32 to vector<1024x512xi32>
    %shift_right_logical3A_13 = arith.shrui %add3A_10, %shift_right_logical3A_12 : vector<1024x512xi32>
    %slice3A_14 = vector.extract_strided_slice %bitcast_convert_type3A {offsets = [0, 512], sizes = [1024, 512], strides = [1, 1]} : vector<1024x1024xi32> to vector<1024x512xi32>
    %add3A_15 = arith.constant 32767 : i32
    %add3A_16 = vector.broadcast %add3A_15 : i32 to vector<1024x512xi32>
    %add3A_17 = arith.addi %slice3A_14, %add3A_16 : vector<1024x512xi32>
    %shift_right_logical3A_18 = arith.constant 16 : i32
    %shift_right_logical3A_19 = vector.broadcast %shift_right_logical3A_18 : i32 to vector<1024x512xi32>
    %shift_right_logical3A_20 = arith.shrui %slice3A_14, %shift_right_logical3A_19 : vector<1024x512xi32>
    %and3A_21 = arith.constant 1 : i32
    %and3A_22 = vector.broadcast %and3A_21 : i32 to vector<1024x512xi32>
    %and3A_23 = arith.andi %shift_right_logical3A_20, %and3A_22 : vector<1024x512xi32>
    %add3A_24 = arith.addi %add3A_17, %and3A_23 : vector<1024x512xi32>
    %shift_right_logical3A_25 = arith.constant 16 : i32
    %shift_right_logical3A_26 = vector.broadcast %shift_right_logical3A_25 : i32 to vector<1024x512xi32>
    %shift_right_logical3A_27 = arith.shrui %add3A_24, %shift_right_logical3A_26 : vector<1024x512xi32>
    %shift_left3A = arith.constant 16 : i32
    %shift_left3A_28 = vector.broadcast %shift_left3A : i32 to vector<1024x512xi32>
    %shift_left3A_29 = arith.shli %shift_right_logical3A_27, %shift_left3A_28 : vector<1024x512xi32>
    %or3A = arith.ori %shift_right_logical3A_13, %shift_left3A_29 : vector<1024x512xi32>
    %bitcast_convert_type3A_30 = tpu.bitcast %or3A : vector<1024x512xi32> -> vector<1024x512xi32>
    %swap3A = arith.constant 0 : index
    %swap3A_31 = arith.constant 0 : index
    %swap3A_32 = vector.load %arg17[%swap3A, %swap3A_31] : memref<1024x512xi32, #tpu.memory_space<vmem>>, vector<1024x512xi32>
    tpu.vector_store %arg17[%swap3A, %swap3A_31], %bitcast_convert_type3A_30 {strides = array<i32>} : memref<1024x512xi32, #tpu.memory_space<vmem>>, vector<1024x512xi32>,
    %get3A_33 = arith.constant 0 : index
    %get3A_34 = arith.constant 0 : index
    %get3A_35 = vector.load %arg3[%get3A_33, %get3A_34] : memref<1024x128xf32, #tpu.memory_space<vmem>>, vector<1024x128xf32>
    %dot_general3A = arith.constant dense<0.000000e+00> : vector<1024x128xf32>
    %dot_general3A_36 = tpu.matmul %get3A_3, %get3A_35, %dot_general3A {dimension_numbers = #tpu.dot_dimension_numbers<[1], [0], [0], [1], [0, 0, 1, 1], [], []>, transpose_lhs_hint = false} : vector<1024x1024xf32>, vector<1024x128xf32>, vector<1024x128xf32> -> vector<1024x128xf32>
    %get3A_37 = arith.constant 0 : index
    %get3A_38 = arith.constant 0 : index
    %get3A_39 = vector.load %arg4[%get3A_37, %get3A_38] : memref<1x128xf32, #tpu.memory_space<vmem>>, vector<1x128xf32>
    %add3A_40 = vector.broadcast %get3A_39 : vector<1x128xf32> to vector<1024x128xf32>
    %add3A_41 = arith.addf %dot_general3A_36, %add3A_40 : vector<1024x128xf32>
    %max3A = arith.constant 0.000000e+00 : f32
    %max3A_42 = vector.broadcast %max3A : f32 to vector<1024x128xf32>
    %max3A_43 = arith.maximumf %add3A_41, %max3A_42 : vector<1024x128xf32>
    %get3A_44 = arith.constant 0 : index
    %get3A_45 = arith.constant 0 : index
    %get3A_46 = vector.load %arg5[%get3A_44, %get3A_45] : memref<128x8xf32, #tpu.memory_space<vmem>>, vector<128x8xf32>
    %dot_general3A_47 = arith.constant dense<0.000000e+00> : vector<1024x8xf32>
    %dot_general3A_48 = tpu.matmul %max3A_43, %get3A_46, %dot_general3A_47 {dimension_numbers = #tpu.dot_dimension_numbers<[1], [0], [0], [1], [0, 0, 1, 1], [], []>, transpose_lhs_hint = false} : vector<1024x128xf32>, vector<128x8xf32>, vector<1024x8xf32> -> vector<1024x8xf32>
    %get3A_49 = arith.constant 0 : index
    %get3A_50 = arith.constant 0 : index
    %get3A_51 = vector.load %arg6[%get3A_49, %get3A_50] : memref<1x8xf32, #tpu.memory_space<vmem>>, vector<1x8xf32>
    %add3A_52 = vector.broadcast %get3A_51 : vector<1x8xf32> to vector<1024x8xf32>
    %add3A_53 = arith.addf %dot_general3A_48, %add3A_52 : vector<1024x8xf32>
    %get3A_54 = arith.constant 0 : index
    %get3A_55 = arith.constant 0 : index
    %get3A_56 = vector.load %arg7[%get3A_54, %get3A_55] : memref<1x8xf32, #tpu.memory_space<vmem>>, vector<1x8xf32>
    %get3A_57 = arith.constant 0 : index
    %get3A_58 = arith.constant 0 : index
    %get3A_59 = vector.load %arg2[%get3A_57, %get3A_58] : memref<1024x8xf32, #tpu.memory_space<vmem>>, vector<1024x8xf32>
    %mul3A = vector.broadcast %get3A_56 : vector<1x8xf32> to vector<1024x8xf32>
    %mul3A_60 = arith.mulf %mul3A, %get3A_59 : vector<1024x8xf32>
    %add3A_61 = arith.addf %add3A_53, %mul3A_60 : vector<1024x8xf32>
    %iota3A = tpu.iota {dimensions = array<i32: 1>} : vector<1024x8xi32>
    %reduce_max3A = arith.constant dense<0xFF800000> : vector<1024xf32>
    %reduce_max3A_62 = vector.multi_reduction <maximumf>, %add3A_61, %reduce_max3A [1] : vector<1024x8xf32> to vector<1024xf32>
    %broadcast_in_dim3A = vector.shape_cast %reduce_max3A_62 : vector<1024xf32> to vector<1024x1xf32>
    %eq3A_63 = vector.broadcast %broadcast_in_dim3A : vector<1024x1xf32> to vector<1024x8xf32>
    %eq3A_64 = arith.cmpf oeq, %add3A_61, %eq3A_63 : vector<1024x8xf32>
    %jit3A = arith.constant 8 : i32
    %broadcast_in_dim3A_65 = vector.broadcast %jit3A : i32 to vector<1024x8xi32>
    %select_n3A = arith.select %eq3A_64, %iota3A, %broadcast_in_dim3A_65 : vector<1024x8xi1>, vector<1024x8xi32>
    %reduce_min3A = arith.constant dense<2147483647> : vector<1024xi32>
    %reduce_min3A_66 = vector.multi_reduction <minsi>, %select_n3A, %reduce_min3A [1] : vector<1024x8xi32> to vector<1024xi32>
    %broadcast_in_dim3A_67 = vector.shape_cast %reduce_min3A_66 : vector<1024xi32> to vector<1024x1xi32>
    %eq3A_68 = vector.broadcast %broadcast_in_dim3A_67 : vector<1024x1xi32> to vector<1024x8xi32>
    %eq3A_69 = arith.cmpi eq, %iota3A, %eq3A_68 : vector<1024x8xi32>
    %jit3A_70 = arith.constant -1.000000e+30 : f32
    %broadcast_in_dim3A_71 = vector.broadcast %jit3A_70 : f32 to vector<1024x8xf32>
    %select_n3A_72 = arith.select %eq3A_69, %broadcast_in_dim3A_71, %add3A_61 : vector<1024x8xi1>, vector<1024x8xf32>
    %reduce_max3A_73 = arith.constant dense<0xFF800000> : vector<1024xf32>
    %reduce_max3A_74 = vector.multi_reduction <maximumf>, %select_n3A_72, %reduce_max3A_73 [1] : vector<1024x8xf32> to vector<1024xf32>
    %broadcast_in_dim3A_75 = vector.shape_cast %reduce_max3A_74 : vector<1024xf32> to vector<1024x1xf32>
    %eq3A_76 = vector.broadcast %broadcast_in_dim3A_75 : vector<1024x1xf32> to vector<1024x8xf32>
    %eq3A_77 = arith.cmpf oeq, %select_n3A_72, %eq3A_76 : vector<1024x8xf32>
    %jit3A_78 = arith.constant 8 : i32
    %broadcast_in_dim3A_79 = vector.broadcast %jit3A_78 : i32 to vector<1024x8xi32>
    %select_n3A_80 = arith.select %eq3A_77, %iota3A, %broadcast_in_dim3A_79 : vector<1024x8xi1>, vector<1024x8xi32>
    %reduce_min3A_81 = arith.constant dense<2147483647> : vector<1024xi32>
    %reduce_min3A_82 = vector.multi_reduction <minsi>, %select_n3A_80, %reduce_min3A_81 [1] : vector<1024x8xi32> to vector<1024xi32>
    %broadcast_in_dim3A_83 = vector.shape_cast %reduce_min3A_82 : vector<1024xi32> to vector<1024x1xi32>
    %sub3A = arith.subf %broadcast_in_dim3A_75, %broadcast_in_dim3A : vector<1024x1xf32>
    %exp3A = math.exp %sub3A : vector<1024x1xf32>
    %add3A_84 = arith.constant 1.000000e+00 : f32
    %add3A_85 = vector.broadcast %add3A_84 : f32 to vector<1024x1xf32>
    %add3A_86 = arith.addf %add3A_85, %exp3A : vector<1024x1xf32>
    %div3A = arith.constant 1.000000e+00 : f32
    %div3A_87 = vector.broadcast %div3A : f32 to vector<1024x1xf32>
    %div3A_88 = arith.divf %div3A_87, %add3A_86 : vector<1024x1xf32>
    %mul3A_89 = arith.mulf %exp3A, %div3A_88 : vector<1024x1xf32>
    %eq3A_90 = vector.broadcast %broadcast_in_dim3A_67 : vector<1024x1xi32> to vector<1024x8xi32>
    %eq3A_91 = arith.cmpi eq, %iota3A, %eq3A_90 : vector<1024x8xi32>
    %convert_element_type3A_92 = arith.extui %eq3A_91 : vector<1024x8xi1> to vector<1024x8xi32>
    %convert_element_type3A_93 = arith.sitofp %convert_element_type3A_92 : vector<1024x8xi32> to vector<1024x8xf32>
    %eq3A_94 = vector.broadcast %broadcast_in_dim3A_83 : vector<1024x1xi32> to vector<1024x8xi32>
    %eq3A_95 = arith.cmpi eq, %iota3A, %eq3A_94 : vector<1024x8xi32>
    %convert_element_type3A_96 = arith.extui %eq3A_95 : vector<1024x8xi1> to vector<1024x8xi32>
    %convert_element_type3A_97 = arith.sitofp %convert_element_type3A_96 : vector<1024x8xi32> to vector<1024x8xf32>
    %add3A_98 = arith.addf %convert_element_type3A_93, %convert_element_type3A_97 : vector<1024x8xf32>
    %iota3A_99 = tpu.iota {dimensions = array<i32: 0>} : vector<1024x1024xi32>
    %iota3A_100 = tpu.iota {dimensions = array<i32: 1>} : vector<1024x1024xi32>
    %lt3A = arith.cmpi slt, %iota3A_100, %iota3A_99 : vector<1024x1024xi32>
    %convert_element_type3A_101 = arith.extui %lt3A : vector<1024x1024xi1> to vector<1024x1024xi32>
    %convert_element_type3A_102 = arith.sitofp %convert_element_type3A_101 : vector<1024x1024xi32> to vector<1024x1024xf32>
    %dot_general3A_103 = arith.constant dense<0.000000e+00> : vector<1024x8xf32>
    %dot_general3A_104 = tpu.matmul %convert_element_type3A_102, %add3A_98, %dot_general3A_103 {dimension_numbers = #tpu.dot_dimension_numbers<[1], [0], [0], [1], [0, 0, 1, 1], [], []>, transpose_lhs_hint = false} : vector<1024x1024xf32>, vector<1024x8xf32>, vector<1024x8xf32> -> vector<1024x8xf32>
    %get3A_105 = arith.constant 0 : index
    %get3A_106 = arith.constant 0 : index
    %get3A_107 = vector.load %arg18[%get3A_105, %get3A_106] : memref<1x8xf32, #tpu.memory_space<vmem>>, vector<1x8xf32>
    %add3A_108 = vector.broadcast %get3A_107 : vector<1x8xf32> to vector<1024x8xf32>
    %add3A_109 = arith.addf %dot_general3A_104, %add3A_108 : vector<1024x8xf32>
    %mul3A_110 = arith.mulf %convert_element_type3A_93, %add3A_109 : vector<1024x8xf32>
    %reduce_sum3A = arith.constant dense<0.000000e+00> : vector<1024xf32>
    %reduce_sum3A_111 = vector.multi_reduction <add>, %mul3A_110, %reduce_sum3A [1] : vector<1024x8xf32> to vector<1024xf32>
    %broadcast_in_dim3A_112 = vector.shape_cast %reduce_sum3A_111 : vector<1024xf32> to vector<1024x1xf32>
    %mul3A_113 = arith.mulf %convert_element_type3A_97, %add3A_109 : vector<1024x8xf32>
    %reduce_sum3A_114 = arith.constant dense<0.000000e+00> : vector<1024xf32>
    %reduce_sum3A_115 = vector.multi_reduction <add>, %mul3A_113, %reduce_sum3A_114 [1] : vector<1024x8xf32> to vector<1024xf32>
    %broadcast_in_dim3A_116 = vector.shape_cast %reduce_sum3A_115 : vector<1024xf32> to vector<1024x1xf32>
    %get3A_117 = arith.constant 0 : index
    %get3A_118 = arith.constant 0 : index
    %get3A_119 = vector.load %arg18[%get3A_117, %get3A_118] : memref<1x8xf32, #tpu.memory_space<vmem>>, vector<1x8xf32>
    %reduce_sum3A_120 = arith.constant dense<0.000000e+00> : vector<8xf32>
    %reduce_sum3A_121 = vector.multi_reduction <add>, %add3A_98, %reduce_sum3A_120 [0] : vector<1024x8xf32> to vector<8xf32>
    %broadcast_in_dim3A_122 = vector.shape_cast %reduce_sum3A_121 : vector<8xf32> to vector<1x8xf32>
    %add3A_123 = arith.addf %get3A_119, %broadcast_in_dim3A_122 : vector<1x8xf32>
    %swap3A_124 = arith.constant 0 : index
    %swap3A_125 = arith.constant 0 : index
    %swap3A_126 = vector.load %arg18[%swap3A_124, %swap3A_125] : memref<1x8xf32, #tpu.memory_space<vmem>>, vector<1x8xf32>
    tpu.vector_store %arg18[%swap3A_124, %swap3A_125], %add3A_123 {strides = array<i32>} : memref<1x8xf32, #tpu.memory_space<vmem>>, vector<1x8xf32>,
    %get3A_127 = arith.constant 0 : index
    %get3A_128 = arith.constant 0 : index
    %get3A_129 = vector.load %arg19[%get3A_127, %get3A_128] : memref<1x8xf32, #tpu.memory_space<vmem>>, vector<1x8xf32>
    %mul3A_130 = vector.broadcast %div3A_88 : vector<1024x1xf32> to vector<1024x8xf32>
    %mul3A_131 = arith.mulf %mul3A_130, %convert_element_type3A_93 : vector<1024x8xf32>
    %mul3A_132 = vector.broadcast %mul3A_89 : vector<1024x1xf32> to vector<1024x8xf32>
    %mul3A_133 = arith.mulf %mul3A_132, %convert_element_type3A_97 : vector<1024x8xf32>
    %add3A_134 = arith.addf %mul3A_131, %mul3A_133 : vector<1024x8xf32>
    %reduce_sum3A_135 = arith.constant dense<0.000000e+00> : vector<8xf32>
    %reduce_sum3A_136 = vector.multi_reduction <add>, %add3A_134, %reduce_sum3A_135 [0] : vector<1024x8xf32> to vector<8xf32>
    %broadcast_in_dim3A_137 = vector.shape_cast %reduce_sum3A_136 : vector<8xf32> to vector<1x8xf32>
    %add3A_138 = arith.addf %get3A_129, %broadcast_in_dim3A_137 : vector<1x8xf32>
    %swap3A_139 = arith.constant 0 : index
    %swap3A_140 = arith.constant 0 : index
    %swap3A_141 = vector.load %arg19[%swap3A_139, %swap3A_140] : memref<1x8xf32, #tpu.memory_space<vmem>>, vector<1x8xf32>
    tpu.vector_store %arg19[%swap3A_139, %swap3A_140], %add3A_138 {strides = array<i32>} : memref<1x8xf32, #tpu.memory_space<vmem>>, vector<1x8xf32>,
    %swap3A_142 = arith.constant 0 : index
    %swap3A_143 = arith.constant 0 : index
    %swap3A_144 = vector.load %arg8[%swap3A_142, %swap3A_143] : memref<1024x1xi32, #tpu.memory_space<vmem>>, vector<1024x1xi32>
    tpu.vector_store %arg8[%swap3A_142, %swap3A_143], %broadcast_in_dim3A_67 {strides = array<i32>} : memref<1024x1xi32, #tpu.memory_space<vmem>>, vector<1024x1xi32>,
    %swap3A_145 = arith.constant 0 : index
    %swap3A_146 = arith.constant 0 : index
    %swap3A_147 = vector.load %arg9[%swap3A_145, %swap3A_146] : memref<1024x1xi32, #tpu.memory_space<vmem>>, vector<1024x1xi32>
    tpu.vector_store %arg9[%swap3A_145, %swap3A_146], %broadcast_in_dim3A_83 {strides = array<i32>} : memref<1024x1xi32, #tpu.memory_space<vmem>>, vector<1024x1xi32>,
    %convert_element_type3A_148 = arith.fptosi %broadcast_in_dim3A_112 : vector<1024x1xf32> to vector<1024x1xi32>
    %swap3A_149 = arith.constant 0 : index
    %swap3A_150 = arith.constant 0 : index
    %swap3A_151 = vector.load %arg10[%swap3A_149, %swap3A_150] : memref<1024x1xi32, #tpu.memory_space<vmem>>, vector<1024x1xi32>
    tpu.vector_store %arg10[%swap3A_149, %swap3A_150], %convert_element_type3A_148 {strides = array<i32>} : memref<1024x1xi32, #tpu.memory_space<vmem>>, vector<1024x1xi32>,
    %convert_element_type3A_152 = arith.fptosi %broadcast_in_dim3A_116 : vector<1024x1xf32> to vector<1024x1xi32>
    %swap3A_153 = arith.constant 0 : index
    %swap3A_154 = arith.constant 0 : index
    %swap3A_155 = vector.load %arg11[%swap3A_153, %swap3A_154] : memref<1024x1xi32, #tpu.memory_space<vmem>>, vector<1024x1xi32>
    tpu.vector_store %arg11[%swap3A_153, %swap3A_154], %convert_element_type3A_152 {strides = array<i32>} : memref<1024x1xi32, #tpu.memory_space<vmem>>, vector<1024x1xi32>,
    %swap3A_156 = arith.constant 0 : index
    %swap3A_157 = arith.constant 0 : index
    %swap3A_158 = vector.load %arg12[%swap3A_156, %swap3A_157] : memref<1024x1xf32, #tpu.memory_space<vmem>>, vector<1024x1xf32>
    tpu.vector_store %arg12[%swap3A_156, %swap3A_157], %div3A_88 {strides = array<i32>} : memref<1024x1xf32, #tpu.memory_space<vmem>>, vector<1024x1xf32>,
    %swap3A_159 = arith.constant 0 : index
    %swap3A_160 = arith.constant 0 : index
    %swap3A_161 = vector.load %arg13[%swap3A_159, %swap3A_160] : memref<1024x1xf32, #tpu.memory_space<vmem>>, vector<1024x1xf32>
    tpu.vector_store %arg13[%swap3A_159, %swap3A_160], %mul3A_89 {strides = array<i32>} : memref<1024x1xf32, #tpu.memory_space<vmem>>, vector<1024x1xf32>,
    %eq3A_162 = arith.constant 3 : i32
    %eq3A_163 = arith.cmpi eq, %arg0, %eq3A_162 : i32
    %convert_element_type3A_164 = arith.extui %eq3A_163 : i1 to i32
    %cond3A_165 = arith.constant 0 : i32
    %cond3A_166 = arith.cmpi ne, %convert_element_type3A_164, %cond3A_165 : i32
    scf.if %cond3A_166 {
      %get3A_167 = arith.constant 0 : index
      %get3A_168 = arith.constant 0 : index
      %get3A_169 = vector.load %arg18[%get3A_167, %get3A_168] : memref<1x8xf32, #tpu.memory_space<vmem>>, vector<1x8xf32>
      %div3A_170 = arith.constant 5.120000e+02 : f32
      %div3A_171 = vector.broadcast %div3A_170 : f32 to vector<1x8xf32>
      %div3A_172 = arith.divf %get3A_169, %div3A_171 : vector<1x8xf32>
      %ceil3A = math.ceil %div3A_172 : vector<1x8xf32>
      %mul3A_173 = arith.constant 5.120000e+02 : f32
      %mul3A_174 = vector.broadcast %mul3A_173 : f32 to vector<1x8xf32>
      %mul3A_175 = arith.mulf %ceil3A, %mul3A_174 : vector<1x8xf32>
      %iota3A_176 = tpu.iota {dimensions = array<i32: 0>} : vector<8x8xi32>
      %iota3A_177 = tpu.iota {dimensions = array<i32: 1>} : vector<8x8xi32>
      %lt3A_178 = arith.cmpi slt, %iota3A_176, %iota3A_177 : vector<8x8xi32>
      %convert_element_type3A_179 = arith.extui %lt3A_178 : vector<8x8xi1> to vector<8x8xi32>
      %convert_element_type3A_180 = arith.sitofp %convert_element_type3A_179 : vector<8x8xi32> to vector<8x8xf32>
      %dot_general3A_181 = arith.constant dense<0.000000e+00> : vector<1x8xf32>
      %dot_general3A_182 = tpu.matmul %mul3A_175, %convert_element_type3A_180, %dot_general3A_181 {dimension_numbers = #tpu.dot_dimension_numbers<[1], [0], [0], [1], [0, 0, 1, 1], [], []>, transpose_lhs_hint = false} : vector<1x8xf32>, vector<8x8xf32>, vector<1x8xf32> -> vector<1x8xf32>
      %convert_element_type3A_183 = arith.fptosi %dot_general3A_182 : vector<1x8xf32> to vector<1x8xi32>
      %swap3A_184 = arith.constant 0 : index
      %swap3A_185 = arith.constant 0 : index
      %swap3A_186 = vector.load %arg14[%swap3A_184, %swap3A_185] : memref<1x8xi32, #tpu.memory_space<vmem>>, vector<1x8xi32>
      tpu.vector_store %arg14[%swap3A_184, %swap3A_185], %convert_element_type3A_183 {strides = array<i32>} : memref<1x8xi32, #tpu.memory_space<vmem>>, vector<1x8xi32>,
      %iota3A_187 = tpu.iota {dimensions = array<i32: 1>} : vector<8x128xi32>
      %mul3A_188 = arith.constant 512 : i32
      %mul3A_189 = vector.broadcast %mul3A_188 : i32 to vector<8x128xi32>
      %mul3A_190 = arith.muli %iota3A_187, %mul3A_189 : vector<8x128xi32>
      %convert_element_type3A_191 = arith.sitofp %mul3A_190 : vector<8x128xi32> to vector<8x128xf32>
      %broadcast_in_dim3A_192 = arith.constant 0 : i32
      %broadcast_in_dim3A_193 = vector.broadcast %broadcast_in_dim3A_192 : i32 to vector<8x128xi32>
      %slice3A_194 = vector.extract_strided_slice %dot_general3A_182 {offsets = [0, 1], sizes = [1, 1], strides = [1, 1]} : vector<1x8xf32> to vector<1x1xf32>
      %ge3A = vector.broadcast %slice3A_194 : vector<1x1xf32> to vector<8x128xf32>
      %ge3A_195 = arith.cmpf oge, %convert_element_type3A_191, %ge3A : vector<8x128xf32>
      %convert_element_type3A_196 = arith.extui %ge3A_195 : vector<8x128xi1> to vector<8x128xi32>
      %add3A_197 = arith.addi %broadcast_in_dim3A_193, %convert_element_type3A_196 : vector<8x128xi32>
      %slice3A_198 = vector.extract_strided_slice %dot_general3A_182 {offsets = [0, 2], sizes = [1, 1], strides = [1, 1]} : vector<1x8xf32> to vector<1x1xf32>
      %ge3A_199 = vector.broadcast %slice3A_198 : vector<1x1xf32> to vector<8x128xf32>
      %ge3A_200 = arith.cmpf oge, %convert_element_type3A_191, %ge3A_199 : vector<8x128xf32>
      %convert_element_type3A_201 = arith.extui %ge3A_200 : vector<8x128xi1> to vector<8x128xi32>
      %add3A_202 = arith.addi %add3A_197, %convert_element_type3A_201 : vector<8x128xi32>
      %slice3A_203 = vector.extract_strided_slice %dot_general3A_182 {offsets = [0, 3], sizes = [1, 1], strides = [1, 1]} : vector<1x8xf32> to vector<1x1xf32>
      %ge3A_204 = vector.broadcast %slice3A_203 : vector<1x1xf32> to vector<8x128xf32>
      %ge3A_205 = arith.cmpf oge, %convert_element_type3A_191, %ge3A_204 : vector<8x128xf32>
      %convert_element_type3A_206 = arith.extui %ge3A_205 : vector<8x128xi1> to vector<8x128xi32>
      %add3A_207 = arith.addi %add3A_202, %convert_element_type3A_206 : vector<8x128xi32>
      %slice3A_208 = vector.extract_strided_slice %dot_general3A_182 {offsets = [0, 4], sizes = [1, 1], strides = [1, 1]} : vector<1x8xf32> to vector<1x1xf32>
      %ge3A_209 = vector.broadcast %slice3A_208 : vector<1x1xf32> to vector<8x128xf32>
      %ge3A_210 = arith.cmpf oge, %convert_element_type3A_191, %ge3A_209 : vector<8x128xf32>
      %convert_element_type3A_211 = arith.extui %ge3A_210 : vector<8x128xi1> to vector<8x128xi32>
      %add3A_212 = arith.addi %add3A_207, %convert_element_type3A_211 : vector<8x128xi32>
      %slice3A_213 = vector.extract_strided_slice %dot_general3A_182 {offsets = [0, 5], sizes = [1, 1], strides = [1, 1]} : vector<1x8xf32> to vector<1x1xf32>
      %ge3A_214 = vector.broadcast %slice3A_213 : vector<1x1xf32> to vector<8x128xf32>
      %ge3A_215 = arith.cmpf oge, %convert_element_type3A_191, %ge3A_214 : vector<8x128xf32>
      %convert_element_type3A_216 = arith.extui %ge3A_215 : vector<8x128xi1> to vector<8x128xi32>
      %add3A_217 = arith.addi %add3A_212, %convert_element_type3A_216 : vector<8x128xi32>
      %slice3A_218 = vector.extract_strided_slice %dot_general3A_182 {offsets = [0, 6], sizes = [1, 1], strides = [1, 1]} : vector<1x8xf32> to vector<1x1xf32>
      %ge3A_219 = vector.broadcast %slice3A_218 : vector<1x1xf32> to vector<8x128xf32>
      %ge3A_220 = arith.cmpf oge, %convert_element_type3A_191, %ge3A_219 : vector<8x128xf32>
      %convert_element_type3A_221 = arith.extui %ge3A_220 : vector<8x128xi1> to vector<8x128xi32>
      %add3A_222 = arith.addi %add3A_217, %convert_element_type3A_221 : vector<8x128xi32>
      %slice3A_223 = vector.extract_strided_slice %dot_general3A_182 {offsets = [0, 7], sizes = [1, 1], strides = [1, 1]} : vector<1x8xf32> to vector<1x1xf32>
      %ge3A_224 = vector.broadcast %slice3A_223 : vector<1x1xf32> to vector<8x128xf32>
      %ge3A_225 = arith.cmpf oge, %convert_element_type3A_191, %ge3A_224 : vector<8x128xf32>
      %convert_element_type3A_226 = arith.extui %ge3A_225 : vector<8x128xi1> to vector<8x128xi32>
      %add3A_227 = arith.addi %add3A_222, %convert_element_type3A_226 : vector<8x128xi32>
      %slice3A_228 = vector.extract_strided_slice %dot_general3A_182 {offsets = [0, 7], sizes = [1, 1], strides = [1, 1]} : vector<1x8xf32> to vector<1x1xf32>
      %slice3A_229 = vector.extract_strided_slice %mul3A_175 {offsets = [0, 7], sizes = [1, 1], strides = [1, 1]} : vector<1x8xf32> to vector<1x1xf32>
      %add3A_230 = arith.addf %slice3A_228, %slice3A_229 : vector<1x1xf32>
      %div3A_231 = arith.constant 5.120000e+02 : f32
      %div3A_232 = vector.broadcast %div3A_231 : f32 to vector<1x1xf32>
      %div3A_233 = arith.divf %add3A_230, %div3A_232 : vector<1x1xf32>
      %convert_element_type3A_234 = arith.fptosi %div3A_233 : vector<1x1xf32> to vector<1x1xi32>
      %iota3A_235 = tpu.iota {dimensions = array<i32: 0>} : vector<8x128xi32>
      %eq3A_236 = arith.constant 0 : i32
      %eq3A_237 = vector.broadcast %eq3A_236 : i32 to vector<8x128xi32>
      %eq3A_238 = arith.cmpi eq, %iota3A_235, %eq3A_237 : vector<8x128xi32>
      %broadcast_in_dim3A_239 = vector.shape_cast %convert_element_type3A_234 : vector<1x1xi32> to vector<1x1xi32>
      %broadcast_in_dim3A_240 = vector.broadcast %broadcast_in_dim3A_239 : vector<1x1xi32> to vector<8x128xi32>
      %select_n3A_241 = arith.select %eq3A_238, %add3A_227, %broadcast_in_dim3A_240 : vector<8x128xi1>, vector<8x128xi32>
      %swap3A_242 = arith.constant 0 : index
      %swap3A_243 = arith.constant 0 : index
      %swap3A_244 = vector.load %arg15[%swap3A_242, %swap3A_243] : memref<8x128xi32, #tpu.memory_space<vmem>>, vector<8x128xi32>
      tpu.vector_store %arg15[%swap3A_242, %swap3A_243], %select_n3A_241 {strides = array<i32>} : memref<8x128xi32, #tpu.memory_space<vmem>>, vector<8x128xi32>,
      %get3A_245 = arith.constant 0 : index
      %get3A_246 = arith.constant 0 : index
      %get3A_247 = vector.load %arg19[%get3A_245, %get3A_246] : memref<1x8xf32, #tpu.memory_space<vmem>>, vector<1x8xf32>
      %mul3A_248 = arith.mulf %get3A_169, %get3A_247 : vector<1x8xf32>
      %reduce_sum3A_249 = vector.shape_cast %mul3A_248 : vector<1x8xf32> to vector<1x1x8xf32>
      %reduce_sum3A_250 = arith.constant dense<0.000000e+00> : vector<1xf32>
      %reduce_sum3A_251 = vector.multi_reduction <add>, %reduce_sum3A_249, %reduce_sum3A_250 [1, 2] : vector<1x1x8xf32> to vector<1xf32>
      %reduce_sum3A_252 = vector.shape_cast %reduce_sum3A_251 : vector<1xf32> to vector<1x1x1xf32>
      %reduce_sum3A_253 = vector.extract %reduce_sum3A_252[0, 0, 0] : f32 from vector<1x1x1xf32>
      %broadcast_in_dim3A_254 = vector.broadcast %reduce_sum3A_253 : f32 to vector<1x1xf32>
      %mul3A_255 = arith.constant 4.76837148E-9 : f32
      %mul3A_256 = vector.broadcast %mul3A_255 : f32 to vector<1x1xf32>
      %mul3A_257 = arith.mulf %broadcast_in_dim3A_254, %mul3A_256 : vector<1x1xf32>
      %swap3A_258 = arith.constant 0 : index
      %swap3A_259 = arith.constant 0 : index
      %swap3A_260 = vector.load %arg16[%swap3A_258, %swap3A_259] : memref<1x1xf32, #tpu.memory_space<vmem>>, vector<1x1xf32>
      tpu.vector_store %arg16[%swap3A_258, %swap3A_259], %mul3A_257 {strides = array<i32>} : memref<1x1xf32, #tpu.memory_space<vmem>>, vector<1x1xf32>,
    } else {
    }
    return
  }
  func.func @transform_0(%arg0: i32) -> (i32, i32) {
    %c0_i32 = arith.constant 0 : i32
    %c0_i32_0 = arith.constant 0 : i32
    return %arg0, %c0_i32 : i32, i32
  }
  func.func @transform_1(%arg0: i32) -> (i32, i32) {
    %c0_i32 = arith.constant 0 : i32
    %c0_i32_0 = arith.constant 0 : i32
    return %arg0, %c0_i32 : i32, i32
  }
  func.func @transform_2(%arg0: i32) -> (i32, i32) {
    %c0_i32 = arith.constant 0 : i32
    %c0_i32_0 = arith.constant 0 : i32
    %c0_i32_1 = arith.constant 0 : i32
    return %c0_i32, %c0_i32_0 : i32, i32
  }
  func.func @transform_3(%arg0: i32) -> (i32, i32) {
    %c0_i32 = arith.constant 0 : i32
    %c0_i32_0 = arith.constant 0 : i32
    %c0_i32_1 = arith.constant 0 : i32
    return %c0_i32, %c0_i32_0 : i32, i32
  }
  func.func @transform_4(%arg0: i32) -> (i32, i32) {
    %c0_i32 = arith.constant 0 : i32
    %c0_i32_0 = arith.constant 0 : i32
    %c0_i32_1 = arith.constant 0 : i32
    return %c0_i32, %c0_i32_0 : i32, i32
  }
  func.func @transform_5(%arg0: i32) -> (i32, i32) {
    %c0_i32 = arith.constant 0 : i32
    %c0_i32_0 = arith.constant 0 : i32
    %c0_i32_1 = arith.constant 0 : i32
    return %c0_i32, %c0_i32_0 : i32, i32
  }
  func.func @transform_6(%arg0: i32) -> (i32, i32) {
    %c0_i32 = arith.constant 0 : i32
    %c0_i32_0 = arith.constant 0 : i32
    %c0_i32_1 = arith.constant 0 : i32
    return %c0_i32, %c0_i32_0 : i32, i32
  }
  func.func @transform_7(%arg0: i32) -> (i32, i32) {
    %c0_i32 = arith.constant 0 : i32
    %c0_i32_0 = arith.constant 0 : i32
    return %arg0, %c0_i32 : i32, i32
  }
  func.func @transform_8(%arg0: i32) -> (i32, i32) {
    %c0_i32 = arith.constant 0 : i32
    %c0_i32_0 = arith.constant 0 : i32
    return %arg0, %c0_i32 : i32, i32
  }
  func.func @transform_9(%arg0: i32) -> (i32, i32) {
    %c0_i32 = arith.constant 0 : i32
    %c0_i32_0 = arith.constant 0 : i32
    return %arg0, %c0_i32 : i32, i32
  }
  func.func @transform_10(%arg0: i32) -> (i32, i32) {
    %c0_i32 = arith.constant 0 : i32
    %c0_i32_0 = arith.constant 0 : i32
    return %arg0, %c0_i32 : i32, i32
  }
  func.func @transform_11(%arg0: i32) -> (i32, i32) {
    %c0_i32 = arith.constant 0 : i32
    %c0_i32_0 = arith.constant 0 : i32
    return %arg0, %c0_i32 : i32, i32
  }
  func.func @transform_12(%arg0: i32) -> (i32, i32) {
    %c0_i32 = arith.constant 0 : i32
    %c0_i32_0 = arith.constant 0 : i32
    return %arg0, %c0_i32 : i32, i32
  }
  func.func @transform_13(%arg0: i32) -> (i32, i32) {
    %c0_i32 = arith.constant 0 : i32
    %c0_i32_0 = arith.constant 0 : i32
    %c0_i32_1 = arith.constant 0 : i32
    return %c0_i32, %c0_i32_0 : i32, i32
  }
  func.func @transform_14(%arg0: i32) -> (i32, i32) {
    %c0_i32 = arith.constant 0 : i32
    %c0_i32_0 = arith.constant 0 : i32
    %c0_i32_1 = arith.constant 0 : i32
    return %c0_i32, %c0_i32_0 : i32, i32
  }
  func.func @transform_15(%arg0: i32) -> (i32, i32) {
    %c0_i32 = arith.constant 0 : i32
    %c0_i32_0 = arith.constant 0 : i32
    %c0_i32_1 = arith.constant 0 : i32
    return %c0_i32, %c0_i32_0 : i32, i32
  }
  func.func @transform_16(%arg0: i32) -> (i32, i32) {
    %c0_i32 = arith.constant 0 : i32
    %c0_i32_0 = arith.constant 0 : i32
    return %arg0, %c0_i32 : i32, i32
  }
}

module attributes {stable_mosaic.version = 14 : i64} {
  func.func @_ffn_body(%arg0: i32, %arg1: memref<128xi32, #tpu.memory_space<smem>>, %arg2: memref<1xi32, #tpu.memory_space<smem>>, %arg3: memref<512x512xi32, #tpu.memory_space<vmem>>, %arg4: memref<1x1024x1024xf32, #tpu.memory_space<vmem>>, %arg5: memref<1x1x1024xf32, #tpu.memory_space<vmem>>, %arg6: memref<1x1024x1024xf32, #tpu.memory_space<vmem>>, %arg7: memref<1x1x1024xf32, #tpu.memory_space<vmem>>, %arg8: memref<1x1024x4xf32, #tpu.memory_space<vmem>>, %arg9: memref<1x1x4xf32, #tpu.memory_space<vmem>>, %arg10: memref<512x4xf32, #tpu.memory_space<vmem>>, %arg11: memref<1024x1024xbf16, #tpu.memory_space<vmem>>, %arg12: memref<1024x1024xbf16, #tpu.memory_space<vmem>>, %arg13: memref<1024x4xbf16, #tpu.memory_space<vmem>>) attributes {dimension_semantics = [#tpu.dimension_semantics<arbitrary>], iteration_bounds = array<i64: 24>, scalar_prefetch = 2 : i64, scratch_operands = 3 : i64, tpu.core_type = #tpu.core_type<tc>, window_params = [{transform_indices = @transform_0, window_bounds = array<i64: 512, 512>}, {transform_indices = @transform_1, window_bounds = array<i64: 1, 1024, 1024>}, {transform_indices = @transform_2, window_bounds = array<i64: 1, 1, 1024>}, {transform_indices = @transform_3, window_bounds = array<i64: 1, 1024, 1024>}, {transform_indices = @transform_4, window_bounds = array<i64: 1, 1, 1024>}, {transform_indices = @transform_5, window_bounds = array<i64: 1, 1024, 4>}, {transform_indices = @transform_6, window_bounds = array<i64: 1, 1, 4>}, {transform_indices = @transform_7, window_bounds = array<i64: 512, 4>}]} {
    %get3A = arith.constant 0 : index
    %get3A_0 = memref.load %arg2[%get3A] : memref<1xi32, #tpu.memory_space<smem>>
    %lt3A = arith.cmpi slt, %arg0, %get3A_0 : i32
    %convert_element_type3A = arith.extui %lt3A : i1 to i32
    %cond3A = arith.constant 0 : i32
    %cond3A_1 = arith.cmpi ne, %convert_element_type3A, %cond3A : i32
    scf.if %cond3A_1 {
      %sub3A = arith.constant 1 : i32
      %sub3A_2 = arith.subi %arg0, %sub3A : i32
      %max3A = arith.constant 0 : i32
      %max3A_3 = arith.maxsi %sub3A_2, %max3A : i32
      %get3A_4 = arith.index_cast %max3A_3 : i32 to index
      %get3A_5 = memref.load %arg1[%get3A_4] : memref<128xi32, #tpu.memory_space<smem>>
      %eq3A = arith.constant 0 : i32
      %eq3A_6 = arith.cmpi eq, %arg0, %eq3A : i32
      %get3A_7 = arith.index_cast %arg0 : i32 to index
      %get3A_8 = memref.load %arg1[%get3A_7] : memref<128xi32, #tpu.memory_space<smem>>
      %ne3A = arith.cmpi ne, %get3A_8, %get3A_5 : i32
      %or3A = arith.ori %eq3A_6, %ne3A : i1
      %convert_element_type3A_9 = arith.extui %or3A : i1 to i32
      %cond3A_10 = arith.constant 0 : i32
      %cond3A_11 = arith.cmpi ne, %convert_element_type3A_9, %cond3A_10 : i32
      scf.if %cond3A_11 {
        %get3A_72 = arith.constant 0 : index
        %get3A_73 = arith.constant 0 : index
        %get3A_74 = arith.constant 0 : index
        %get3A_75 = vector.load %arg4[%get3A_72, %get3A_73, %get3A_74] : memref<1x1024x1024xf32, #tpu.memory_space<vmem>>, vector<1x1024x1024xf32>
        %get3A_76 = vector.shape_cast %get3A_75 : vector<1x1024x1024xf32> to vector<1024x1024xf32>
        %convert_element_type3A_77 = arith.truncf %get3A_76 : vector<1024x1024xf32> to vector<1024x1024xbf16>
        %swap3A_78 = arith.constant 0 : index
        %swap3A_79 = arith.constant 0 : index
        %swap3A_80 = vector.load %arg11[%swap3A_78, %swap3A_79] : memref<1024x1024xbf16, #tpu.memory_space<vmem>>, vector<1024x1024xbf16>
        tpu.vector_store %arg11[%swap3A_78, %swap3A_79], %convert_element_type3A_77 {strides = array<i32>} : memref<1024x1024xbf16, #tpu.memory_space<vmem>>, vector<1024x1024xbf16>,
        %get3A_81 = arith.constant 0 : index
        %get3A_82 = arith.constant 0 : index
        %get3A_83 = arith.constant 0 : index
        %get3A_84 = vector.load %arg6[%get3A_81, %get3A_82, %get3A_83] : memref<1x1024x1024xf32, #tpu.memory_space<vmem>>, vector<1x1024x1024xf32>
        %get3A_85 = vector.shape_cast %get3A_84 : vector<1x1024x1024xf32> to vector<1024x1024xf32>
        %convert_element_type3A_86 = arith.truncf %get3A_85 : vector<1024x1024xf32> to vector<1024x1024xbf16>
        %swap3A_87 = arith.constant 0 : index
        %swap3A_88 = arith.constant 0 : index
        %swap3A_89 = vector.load %arg12[%swap3A_87, %swap3A_88] : memref<1024x1024xbf16, #tpu.memory_space<vmem>>, vector<1024x1024xbf16>
        tpu.vector_store %arg12[%swap3A_87, %swap3A_88], %convert_element_type3A_86 {strides = array<i32>} : memref<1024x1024xbf16, #tpu.memory_space<vmem>>, vector<1024x1024xbf16>,
        %get3A_90 = arith.constant 0 : index
        %get3A_91 = arith.constant 0 : index
        %get3A_92 = arith.constant 0 : index
        %get3A_93 = vector.load %arg8[%get3A_90, %get3A_91, %get3A_92] : memref<1x1024x4xf32, #tpu.memory_space<vmem>>, vector<1x1024x4xf32>
        %get3A_94 = vector.shape_cast %get3A_93 : vector<1x1024x4xf32> to vector<1024x4xf32>
        %convert_element_type3A_95 = arith.truncf %get3A_94 : vector<1024x4xf32> to vector<1024x4xbf16>
        %swap3A_96 = arith.constant 0 : index
        %swap3A_97 = arith.constant 0 : index
        %swap3A_98 = vector.load %arg13[%swap3A_96, %swap3A_97] : memref<1024x4xbf16, #tpu.memory_space<vmem>>, vector<1024x4xbf16>
        tpu.vector_store %arg13[%swap3A_96, %swap3A_97], %convert_element_type3A_95 {strides = array<i32>} : memref<1024x4xbf16, #tpu.memory_space<vmem>>, vector<1024x4xbf16>,
      } else {
      }
      %get3A_12 = arith.constant 0 : index
      %get3A_13 = arith.constant 0 : index
      %get3A_14 = vector.load %arg3[%get3A_12, %get3A_13] : memref<512x512xi32, #tpu.memory_space<vmem>>, vector<512x512xi32>
      %shift_left3A = arith.constant 16 : i32
      %shift_left3A_15 = vector.broadcast %shift_left3A : i32 to vector<512x512xi32>
      %shift_left3A_16 = arith.shli %get3A_14, %shift_left3A_15 : vector<512x512xi32>
      %bitcast_convert_type3A = tpu.bitcast %shift_left3A_16 : vector<512x512xi32> -> vector<512x512xf32>
      %convert_element_type3A_17 = arith.truncf %bitcast_convert_type3A : vector<512x512xf32> to vector<512x512xbf16>
      %and3A = arith.constant -65536 : i32
      %and3A_18 = vector.broadcast %and3A : i32 to vector<512x512xi32>
      %and3A_19 = arith.andi %get3A_14, %and3A_18 : vector<512x512xi32>
      %bitcast_convert_type3A_20 = tpu.bitcast %and3A_19 : vector<512x512xi32> -> vector<512x512xf32>
      %convert_element_type3A_21 = arith.truncf %bitcast_convert_type3A_20 : vector<512x512xf32> to vector<512x512xbf16>
      %get3A_22 = arith.constant 0 : index
      %get3A_23 = arith.constant 0 : index
      %get3A_24 = vector.load %arg11[%get3A_22, %get3A_23] : memref<1024x1024xbf16, #tpu.memory_space<vmem>>, vector<512x1024xbf16>
      %dot_general3A = arith.constant dense<0.000000e+00> : vector<512x1024xf32>
      %dot_general3A_25 = tpu.matmul %convert_element_type3A_17, %get3A_24, %dot_general3A {dimension_numbers = #tpu.dot_dimension_numbers<[1], [0], [0], [1], [0, 0, 1, 1], [], []>, transpose_lhs_hint = false} : vector<512x512xbf16>, vector<512x1024xbf16>, vector<512x1024xf32> -> vector<512x1024xf32>
      %get3A_26 = arith.constant 512 : index
      %get3A_27 = arith.constant 0 : index
      %get3A_28 = vector.load %arg11[%get3A_26, %get3A_27] : memref<1024x1024xbf16, #tpu.memory_space<vmem>>, vector<512x1024xbf16>
      %dot_general3A_29 = arith.constant dense<0.000000e+00> : vector<512x1024xf32>
      %dot_general3A_30 = tpu.matmul %convert_element_type3A_21, %get3A_28, %dot_general3A_29 {dimension_numbers = #tpu.dot_dimension_numbers<[1], [0], [0], [1], [0, 0, 1, 1], [], []>, transpose_lhs_hint = false} : vector<512x512xbf16>, vector<512x1024xbf16>, vector<512x1024xf32> -> vector<512x1024xf32>
      %add3A = arith.addf %dot_general3A_25, %dot_general3A_30 : vector<512x1024xf32>
      %get3A_31 = arith.constant 0 : index
      %get3A_32 = arith.constant 0 : index
      %get3A_33 = arith.constant 0 : index
      %get3A_34 = vector.load %arg5[%get3A_31, %get3A_32, %get3A_33] : memref<1x1x1024xf32, #tpu.memory_space<vmem>>, vector<1x1x1024xf32>
      %get3A_35 = vector.shape_cast %get3A_34 : vector<1x1x1024xf32> to vector<1x1024xf32>
      %add3A_36 = vector.broadcast %get3A_35 : vector<1x1024xf32> to vector<512x1024xf32>
      %add3A_37 = arith.addf %add3A, %add3A_36 : vector<512x1024xf32>
      %max3A_38 = arith.constant 0.000000e+00 : f32
      %max3A_39 = vector.broadcast %max3A_38 : f32 to vector<512x1024xf32>
      %max3A_40 = arith.maximumf %add3A_37, %max3A_39 : vector<512x1024xf32>
      %convert_element_type3A_41 = arith.truncf %max3A_40 : vector<512x1024xf32> to vector<512x1024xbf16>
      %get3A_42 = arith.constant 0 : index
      %get3A_43 = arith.constant 0 : index
      %get3A_44 = vector.load %arg12[%get3A_42, %get3A_43] : memref<1024x1024xbf16, #tpu.memory_space<vmem>>, vector<1024x1024xbf16>
      %dot_general3A_45 = arith.constant dense<0.000000e+00> : vector<512x1024xf32>
      %dot_general3A_46 = tpu.matmul %convert_element_type3A_41, %get3A_44, %dot_general3A_45 {dimension_numbers = #tpu.dot_dimension_numbers<[1], [0], [0], [1], [0, 0, 1, 1], [], []>, transpose_lhs_hint = false} : vector<512x1024xbf16>, vector<1024x1024xbf16>, vector<512x1024xf32> -> vector<512x1024xf32>
      %get3A_47 = arith.constant 0 : index
      %get3A_48 = arith.constant 0 : index
      %get3A_49 = arith.constant 0 : index
      %get3A_50 = vector.load %arg7[%get3A_47, %get3A_48, %get3A_49] : memref<1x1x1024xf32, #tpu.memory_space<vmem>>, vector<1x1x1024xf32>
      %get3A_51 = vector.shape_cast %get3A_50 : vector<1x1x1024xf32> to vector<1x1024xf32>
      %add3A_52 = vector.broadcast %get3A_51 : vector<1x1024xf32> to vector<512x1024xf32>
      %add3A_53 = arith.addf %dot_general3A_46, %add3A_52 : vector<512x1024xf32>
      %max3A_54 = arith.constant 0.000000e+00 : f32
      %max3A_55 = vector.broadcast %max3A_54 : f32 to vector<512x1024xf32>
      %max3A_56 = arith.maximumf %add3A_53, %max3A_55 : vector<512x1024xf32>
      %convert_element_type3A_57 = arith.truncf %max3A_56 : vector<512x1024xf32> to vector<512x1024xbf16>
      %get3A_58 = arith.constant 0 : index
      %get3A_59 = arith.constant 0 : index
      %get3A_60 = vector.load %arg13[%get3A_58, %get3A_59] : memref<1024x4xbf16, #tpu.memory_space<vmem>>, vector<1024x4xbf16>
      %dot_general3A_61 = arith.constant dense<0.000000e+00> : vector<512x4xf32>
      %dot_general3A_62 = tpu.matmul %convert_element_type3A_57, %get3A_60, %dot_general3A_61 {dimension_numbers = #tpu.dot_dimension_numbers<[1], [0], [0], [1], [0, 0, 1, 1], [], []>, transpose_lhs_hint = false} : vector<512x1024xbf16>, vector<1024x4xbf16>, vector<512x4xf32> -> vector<512x4xf32>
      %get3A_63 = arith.constant 0 : index
      %get3A_64 = arith.constant 0 : index
      %get3A_65 = arith.constant 0 : index
      %get3A_66 = vector.load %arg9[%get3A_63, %get3A_64, %get3A_65] : memref<1x1x4xf32, #tpu.memory_space<vmem>>, vector<1x1x4xf32>
      %get3A_67 = vector.shape_cast %get3A_66 : vector<1x1x4xf32> to vector<1x4xf32>
      %add3A_68 = vector.broadcast %get3A_67 : vector<1x4xf32> to vector<512x4xf32>
      %add3A_69 = arith.addf %dot_general3A_62, %add3A_68 : vector<512x4xf32>
      %swap3A = arith.constant 0 : index
      %swap3A_70 = arith.constant 0 : index
      %swap3A_71 = vector.load %arg10[%swap3A, %swap3A_70] : memref<512x4xf32, #tpu.memory_space<vmem>>, vector<512x4xf32>
      tpu.vector_store %arg10[%swap3A, %swap3A_70], %add3A_69 {strides = array<i32>} : memref<512x4xf32, #tpu.memory_space<vmem>>, vector<512x4xf32>,
    } else {
    }
    return
  }
  func.func @transform_0(%arg0: i32, %arg1: memref<128xi32, #tpu.memory_space<smem>>, %arg2: memref<1xi32, #tpu.memory_space<smem>>) -> (i32, i32) {
    %c0_i32 = arith.constant 0 : i32
    %c0_i32_0 = arith.constant 0 : i32
    return %arg0, %c0_i32 : i32, i32
  }
  func.func @transform_1(%arg0: i32, %arg1: memref<128xi32, #tpu.memory_space<smem>>, %arg2: memref<1xi32, #tpu.memory_space<smem>>) -> (i32, i32, i32) {
    %get3A = arith.index_cast %arg0 : i32 to index
    %get3A_0 = memref.load %arg1[%get3A] : memref<128xi32, #tpu.memory_space<smem>>
    %c0_i32 = arith.constant 0 : i32
    %c0_i32_1 = arith.constant 0 : i32
    %c0_i32_2 = arith.constant 0 : i32
    return %get3A_0, %c0_i32, %c0_i32_1 : i32, i32, i32
  }
  func.func @transform_2(%arg0: i32, %arg1: memref<128xi32, #tpu.memory_space<smem>>, %arg2: memref<1xi32, #tpu.memory_space<smem>>) -> (i32, i32, i32) {
    %get3A = arith.index_cast %arg0 : i32 to index
    %get3A_0 = memref.load %arg1[%get3A] : memref<128xi32, #tpu.memory_space<smem>>
    %c0_i32 = arith.constant 0 : i32
    %c0_i32_1 = arith.constant 0 : i32
    %c0_i32_2 = arith.constant 0 : i32
    return %get3A_0, %c0_i32, %c0_i32_1 : i32, i32, i32
  }
  func.func @transform_3(%arg0: i32, %arg1: memref<128xi32, #tpu.memory_space<smem>>, %arg2: memref<1xi32, #tpu.memory_space<smem>>) -> (i32, i32, i32) {
    %get3A = arith.index_cast %arg0 : i32 to index
    %get3A_0 = memref.load %arg1[%get3A] : memref<128xi32, #tpu.memory_space<smem>>
    %c0_i32 = arith.constant 0 : i32
    %c0_i32_1 = arith.constant 0 : i32
    %c0_i32_2 = arith.constant 0 : i32
    return %get3A_0, %c0_i32, %c0_i32_1 : i32, i32, i32
  }
  func.func @transform_4(%arg0: i32, %arg1: memref<128xi32, #tpu.memory_space<smem>>, %arg2: memref<1xi32, #tpu.memory_space<smem>>) -> (i32, i32, i32) {
    %get3A = arith.index_cast %arg0 : i32 to index
    %get3A_0 = memref.load %arg1[%get3A] : memref<128xi32, #tpu.memory_space<smem>>
    %c0_i32 = arith.constant 0 : i32
    %c0_i32_1 = arith.constant 0 : i32
    %c0_i32_2 = arith.constant 0 : i32
    return %get3A_0, %c0_i32, %c0_i32_1 : i32, i32, i32
  }
  func.func @transform_5(%arg0: i32, %arg1: memref<128xi32, #tpu.memory_space<smem>>, %arg2: memref<1xi32, #tpu.memory_space<smem>>) -> (i32, i32, i32) {
    %get3A = arith.index_cast %arg0 : i32 to index
    %get3A_0 = memref.load %arg1[%get3A] : memref<128xi32, #tpu.memory_space<smem>>
    %c0_i32 = arith.constant 0 : i32
    %c0_i32_1 = arith.constant 0 : i32
    %c0_i32_2 = arith.constant 0 : i32
    return %get3A_0, %c0_i32, %c0_i32_1 : i32, i32, i32
  }
  func.func @transform_6(%arg0: i32, %arg1: memref<128xi32, #tpu.memory_space<smem>>, %arg2: memref<1xi32, #tpu.memory_space<smem>>) -> (i32, i32, i32) {
    %get3A = arith.index_cast %arg0 : i32 to index
    %get3A_0 = memref.load %arg1[%get3A] : memref<128xi32, #tpu.memory_space<smem>>
    %c0_i32 = arith.constant 0 : i32
    %c0_i32_1 = arith.constant 0 : i32
    %c0_i32_2 = arith.constant 0 : i32
    return %get3A_0, %c0_i32, %c0_i32_1 : i32, i32, i32
  }
  func.func @transform_7(%arg0: i32, %arg1: memref<128xi32, #tpu.memory_space<smem>>, %arg2: memref<1xi32, #tpu.memory_space<smem>>) -> (i32, i32) {
    %c0_i32 = arith.constant 0 : i32
    %c0_i32_0 = arith.constant 0 : i32
    return %arg0, %c0_i32 : i32, i32
  }
}

</mosaic_0001>

<sc_bundles>
// kernel: kernel.6.cloned.1.call-start
scs
__scs_entry_jumppad:
0x0: {  	(pc) =	sbr.rel $0x88, $3  }
0x1: {  	(tag) =	ssettag $0x0;
	lr =	simm.s32 $0x1  }
0x2: {  	[smem:$0x3F94] =	sst lr;
	_ =	strace $0xD0000000  }
0x3: {  	_ = 	snop  }
0x4: {  	_ = 	snop  }
0x5: {  	_ = 	snop  }
0x6: {  	_ = 	snop  }
0x7: {  	_ = 	snop  }
__scs_overlays_trampoline_lowered:
0x8: {  	[smem:$0x3FA3] =	sst s0  }
0x9: {  	[smem:$0x3FA4] =	sst s1  }
0xa: {  	[smem:$0x3FA5] =	sst s2  }
0xb: {  	[smem:$0x3FA6] =	sst s3  }
0xc: {  	[smem:$0x3FA7] =	sst s4  }
0xd: {  	[smem:$0x3FA8] =	sst s5  }
0xe: {  	[smem:$0x3FA9] =	sst s6  }
0xf: {  	[smem:$0x3FAA] =	sst s7  }
0x10: {  	[smem:$0x3FAB] =	sst s8  }
0x11: {  	[smem:$0x3FAC] =	sst s9;
	s0 =	simm.s32 @!p0 $0x0  }
0x12: {  	s1 =	sld [smem:$0x3F92];
	s0 =	simm.s32 @p0 $0x1  }
0x13: {  	[smem:$0x3FAD] =	sst s0;
	s0 =	simm.s32 @!p1 $0x0  }
0x14: {  	s2 =	sld [smem:$0x3F91];
	s0 =	simm.s32 @p1 $0x1  }
0x15: {  	[smem:$0x3FAE] =	sst s0;
	s0 =	simm.s32 @!p2 $0x0  }
0x16: {  	s3 =	sld [smem:$0x3FDB];
	s0 =	simm.s32 @p2 $0x1  }
0x17: {  	s4 =	simm.s32 $0x1BF5;
	[smem:$0x3FB0] =	sst s0  }
0x18: {  	s0 =	sld [smem:$0x3F93];
	_ =	swait.ge [sflag:s4], $0x0  }
0x19: {  	s7 =	sld [smem:$0x3F94]  }
0x1a: {  	s8 =	sadd.s32 $0xFFFFE003, lr  }
0x1b: {  	s9 =	sadd.s32 $0xFFFFFEF7, lr;
	s5 =	simm.s32 $0xFFFFFFFF;
	p2 =	slt.u32 s8, $0xFFFFF086  }
0x1c: {  	p1 =	slt.u32 s9, $0xF7A;
	s5 =	simm.s32 @!p2 $0x0  }
0x1d: {  	s5 =	simm.s32 @p1 $0x1;
	p0 =	seq.s32 s7, s2  }
0x1e: {  	s7 =	smul.u32 @!p0 $0xF7A, s2;
	p2 =	seq.s32 @!p0 s5, $0x0  }
0x1f: {  	s9 =	smul.u32 $0xF7A, s1;
	s8 =	simm.s32 @!p0 $0x1BF5;
	p2 =	por !p2, p0  }
0x20: {  	[sflag:s8] =	ssyncset.s32 @!p0 $0xFFFFF086;
	s6 =	sadd.s32 @!p0 s3, s7;
	s7 =	simm.s32 @!p0 $0x108  }
0x21: {  	s3 =	sadd.s32 s3, s9;
	s6 =	sadd.s32 @!p0 $0x88, s6;
	s7 =	simm.s32 @p2 $0x1082  }
0x22: {  	[simem:s7], [sflag:s8] =	dma.local @!p0 [hbm:s6], $0xF7A  }
0x23: {  	s9 =	sor.u32 $0xD0000000, s2;
	s6 =	simm.s32 $0x108;
	_ =	swait.ge @!p0 [sflag:s8], $0x0  }
0x24: {  	s3 =	sadd.s32 $0x88, s3;
	s6 =	simm.s32 @!p1 $0x1082;
	[sflag:s4] =	ssyncset.s32 $0xFFFFF086  }
0x25: {  	[simem:s6], [sflag:s4] =	dma.local [hbm:s3], $0xF7A  }
0x26: {  	[smem:$0x3F94] =	sst s1;
	(tag) =	ssettag s2;
	_ =	strace s9  }
0x27: {  	s1 =	sld [smem:$0x3FA4]  }
0x28: {  	s2 =	sld [smem:$0x3FA5]  }
0x29: {  	s4 =	sld [smem:$0x3FA7]  }
0x2a: {  	p0 =	seq.s32 s5, $0x0;
	s5 =	sld [smem:$0x3FA8]  }
0x2b: {  	s6 =	sld [smem:$0x3FA9]  }
0x2c: {  	s7 =	sld [smem:$0x3FAA]  }
0x2d: {  	s3 =	simm.s32 $0x108;
	s8 =	sld [smem:$0x3FAB]  }
0x2e: {  	s3 =	simm.s32 @!p0 $0x1082;
	s9 =	sld [smem:$0x3FAC]  }
0x2f: {  	lr =	sadd.s32 s0, s3;
	s0 =	sld [smem:$0x3FA3]  }
0x30: {  	s3 =	sld [smem:$0x3FA6]  }
0x31: {  	[smem:$0x3FAF] =	sst s10  }
0x32: {  	s10 =	sld [smem:$0x3FAD];
	_ =	sdelay $0x3  }
0x33: {  	p0 =	seq.s32 s10, $0x1;
	s10 =	sld [smem:$0x3FAF];
	_ =	sdelay $0x3  }
0x34: {  	[smem:$0x3FAF] =	sst s10  }
0x35: {  	s10 =	sld [smem:$0x3FAE];
	_ =	sdelay $0x3  }
0x36: {  	p1 =	seq.s32 s10, $0x1;
	s10 =	sld [smem:$0x3FAF];
	_ =	sdelay $0x3  }
0x37: {  	[smem:$0x3FAF] =	sst s10  }
0x38: {  	s10 =	sld [smem:$0x3FB0]  }
0x39: {  	_ = 	snop;
	(pc) =	sbr.ind lr, $3  }
0x3a: {  	_ = 	snop  }
0x3b: {  	_ = 	snop  }
0x3c: {  	p2 =	seq.s32 s10, $0x1;
	s10 =	sld [smem:$0x3FAF]  }
0x3d: {  	_ =	shalt  }
0x3e: {  	_ =	shalt  }
0x3f: {  	_ =	shalt  }
0x40: {  	_ =	shalt  }
0x41: {  	_ =	shalt  }
0x42: {  	_ =	shalt  }
0x43: {  	_ =	shalt  }
0x44: {  	_ =	shalt  }
0x45: {  	_ =	shalt  }
0x46: {  	_ =	shalt  }
0x47: {  	_ =	shalt  }
0x48: {  	_ =	shalt  }
0x49: {  	_ =	shalt  }
0x4a: {  	_ =	shalt  }
0x4b: {  	_ =	shalt  }
0x4c: {  	_ =	shalt  }
0x4d: {  	_ =	shalt  }
0x4e: {  	_ =	shalt  }
0x4f: {  	_ =	shalt  }
0x50: {  	_ =	shalt  }
0x51: {  	_ =	shalt  }
0x52: {  	_ =	shalt  }
0x53: {  	_ =	shalt  }
0x54: {  	_ =	shalt  }
0x55: {  	_ =	shalt  }
0x56: {  	_ =	shalt  }
0x57: {  	_ =	shalt  }
0x58: {  	_ =	shalt  }
0x59: {  	_ =	shalt  }
0x5a: {  	_ =	shalt  }
0x5b: {  	_ =	shalt  }
0x5c: {  	_ =	shalt  }
0x5d: {  	_ =	shalt  }
0x5e: {  	_ =	shalt  }
0x5f: {  	_ =	shalt  }
0x60: {  	_ =	shalt  }
0x61: {  	_ =	shalt  }
0x62: {  	_ =	shalt  }
0x63: {  	_ =	shalt  }
0x64: {  	_ =	shalt  }
0x65: {  	_ =	shalt  }
0x66: {  	_ =	shalt  }
0x67: {  	_ =	shalt  }
0x68: {  	_ =	shalt  }
0x69: {  	_ =	shalt  }
0x6a: {  	_ =	shalt  }
0x6b: {  	_ =	shalt  }
0x6c: {  	_ =	shalt  }
0x6d: {  	_ =	shalt  }
0x6e: {  	_ =	shalt  }
0x6f: {  	_ =	shalt  }
0x70: {  	_ =	shalt  }
0x71: {  	_ =	shalt  }
0x72: {  	_ =	shalt  }
0x73: {  	_ =	shalt  }
0x74: {  	_ =	shalt  }
0x75: {  	_ =	shalt  }
0x76: {  	_ =	shalt  }
0x77: {  	_ =	shalt  }
0x78: {  	_ =	shalt  }
0x79: {  	_ =	shalt  }
0x7a: {  	_ =	shalt  }
0x7b: {  	_ =	shalt  }
0x7c: {  	_ =	shalt  }
0x7d: {  	_ =	shalt  }
0x7e: {  	_ =	shalt  }
0x7f: {  	_ =	shalt  }
0x80: {  	_ =	shalt  }
0x81: {  	_ =	shalt  }
0x82: {  	_ =	shalt  }
0x83: {  	_ =	shalt  }
0x84: {  	_ =	shalt  }
0x85: {  	_ =	shalt  }
0x86: {  	_ =	shalt  }
0x87: {  	_ =	shalt  }
.Lfunc_end0:
.L_simem_size_0:
called_computation_lowered:
.L_overlay_start_0:
0x88: {  	s2 =	sld [smem:$0x3FD9]  }
0x89: {  	s3 =	sld [smem:$0x3FFE];
	_ =	sdelay $0x1  }
0x8a: {  	s1 =	srdreg.scid  }
0x8b: {  	s0 =	sand.u32 $0x1, s1  }
0x8c: {  	s16 =	sshll.u32 s0, $0xA;
	s2 =	sadd.s32 s3, s2  }
0x8d: {  	s2 =	sadd.s32 s2, s16  }
0x8e: {  	[smem:$0x3FBB] =	sst s2  }
0x8f: {  	_ = 	snop  }
0x90: {  	(tm) =	ssettm $0x1  }
0x91: {  	s17 =	sld [smem:$0x3FFB];
	_ =	sdelay $0x3  }
0x92: {  	_ =	strace s17  }
0x93: {  	s2 =	sld [smem:$0x3FFC];
	_ =	sdelay $0x3  }
0x94: {  	_ =	strace s2  }
0x95: {  	s2 =	sld [smem:$0x3FFD];
	_ =	sdelay $0x3  }
0x96: {  	_ =	strace s2  }
0x97: {  	_ =	strace $0x8FFFFFFF  }
0x98: {  	s18 =	sld [smem:$0x3FDB];
	_ =	sdelay $0x1  }
0x99: {  	s19 =	simm.s32 $_scs_section_size  }
0x9a: {  	s4 =	simm.s32 $_size__tile_overlayer_lowered;
	s5 =	simm.s32 $_tile_overlayer_lowered  }
0x9b: {  	s22 =	simm.s32 $0x1BFF;
	s21 =	sshll.u32 s5, $0x1;
	s2 =	sadd.s32 s19, s18  }
0x9c: {  	s6 =	simm.s32 $0x0;
	s20 =	sshll.u32 s4, $0x1;
	s4 =	sadd.s32 s21, s2  }
0x9d: {  	[timem:s6], [sflag:s22] =	dma.local [hbm:s4], s20  }
0x9e: {  	_ =	swait.ge [sflag:s22], s20  }
0x9f: {  	s3 =	ssub.s32 $0x0, s20;
	[sflag:s22] =	ssyncset.done $0x0  }
0xa0: {  	[sflag:s22] =	ssyncadd.s32 s3;
	_ =	sdelay $0x1  }
0xa1: {  	s23 =	simm.s32 $0x1B8B  }
0xa2: {  	_ =	swait.ge [sflag:s23], $0x1  }
0xa3: {  	[sflag:s23] =	ssyncset.done $0x0  }
0xa4: {  	s25 =	simm.s32 $0x1B8E;
	s24 =	sld [smem:$0x3FFE];
	[sflag:s23] =	ssyncadd.s32 $0xFFFFFFFF  }
0xa5: {  	s26 =	simm.s32 $execute0_lowered;
	[smem:$0x3FD2] =	sst s25  }
0xa6: {  	s4 =	sshll.u32 s26, $0x1;
	_ =	strace $0x80000046;
	[dreg:$0x1] =	wrdreg $0xFFFFFFFF  }
0xa7: {  	s28 =	simm.s32 $_size_execute0_lowered;
	s2 =	sadd.s32 s2, s4;
	[dreg:$0x0] =	wrdreg $0x0  }
0xa8: {  	s4 =	sshll.u32 s28, $0x1;
	[dreg:$0x2] =	wrdreg s2  }
0xa9: {  	[dreg:$0x3] =	wrdreg s4  }
0xaa: {  	[dreg:$0x4] =	wrdreg $0xC0  }
0xab: {  	_ =	task [dreg:s6], $0x5FFFF  }
0xac: {  	[dreg:$0x1] =	wrdreg $0xFFFFFFFF  }
0xad: {  	[dreg:$0x0] =	wrdreg $0x60  }
0xae: {  	[dreg:$0x2] =	wrdreg s24  }
0xaf: {  	[dreg:$0x3] =	wrdreg $0x9  }
0xb0: {  	_ =	task.clear_ibuf [dreg:s6], $0x4FFFF;
	_ =	strace $0x90000046  }
0xb1: {  	s29 =	simm.s32 $0x9;
	_ =	strace $0x80000048  }
0xb2: {  	_ =	swait.ge [sflag:s29], $0x1  }
0xb3: {  	[sflag:s29] =	ssyncadd.s32 $0xFFFFFFFF  }
0xb4: {  	_ =	strace $0x90000048  }
0xb5: {  	_ =	sfence  }
0xb6: {  	s30 =	sld [smem:$0x0];
	_ =	sdelay $0x2  }
0xb7: {  	s31 =	sshll.u32 s1, $0xD;
	s1 =	sshrl.u32 s1, $0x2  }
0xb8: {  	s3 =	sand.u32 $0x4000, s31;
	s1 =	sadd.s32 s1, s30  }
0xb9: {  	s0 =	sor.u32 s3, s0;
	s1 =	sshll.u32 s1, $0x11  }
0xba: {  	s0 =	sor.u32 s1, s0  }
0xbb: {  	s0 =	sadd.s32 $0x8F2B, s0  }
0xbc: {  	[sflag:s0] =	ssyncadd.remote.s32 $0x1  }
0xbd: {  	_ =	sfence.sel $0xFFFF  }
0xbe: {  	[dreg:$0x0] =	wrdreg $0xFFFFFFFF;
	(pc) =	sbr.abs _section_cstart, $3  }
0xbf: {  	[dreg:$0x1] =	wrdreg $0xFFFFFFFF  }
0xc0: {  	_ =	task.clear_ibuf [dreg:s6], $0x2FFFF;
	_ =	strace $0x9FFFFFFF  }
0xc1: {  	(tm) =	ssettm $0x7FFFFFFF  }
tec
execute0_lowered:
.L_overlay_start_1:
0x0: {  	(tag) =	ssettag $0x1  }
0x1: {  	s0 =	rddreg [dreg:$0x0]  }
0x2: {  	s1 =	srdreg.scid;
	s2 =	simm.s32 $0x0;
	s3 =	stileid.u32  }
0x3: {  	s23 =	simm.s32 $0x10080;
	s24 =	simm.s32 $0x10100;
	s25 =	simm.s32 $0x10180  }
0x4: {  	s26 =	simm.s32 $0x10200;
	s6 =	simm.s32 $0x10000;
	s7 =	simm.s32 $0x3  }
0x5: {  	s28 =	simm.s32 $0x5800;
	s29 =	simm.s32 $0x6000;
	s30 =	simm.s32 $0x6800  }
0x6: {  	s31 =	simm.s32 $0x7000;
	s9 =	simm.s32 $0x8800;
	s10 =	simm.s32 $0x9000  }
0x7: {  	s11 =	simm.s32 $0x9800;
	[smem:$0x7FF] =	sst s2;
	s5 =	sadd.s32 $0x40000, s0  }
0x8: {  	s12 =	simm.s32 $0xA000;
	_ =	strace $0x80000047;
	[dreg:$0x2] =	wrdreg s5  }
0x9: {  	s13 =	simm.s32 $0xA800;
	s14 =	simm.s32 $0xB000;
	[dreg:$0x8] =	wrdreg s23  }
0xa: {  	s15 =	simm.s32 $0xB800;
	s16 =	simm.s32 $0xC000;
	[dreg:$0x9] =	wrdreg s24  }
0xb: {  	s1 =	sand.u32 $0x1, s1;
	s3 =	sshll.u32 s3, $0x8;
	[dreg:$0xa] =	wrdreg s25  }
0xc: {  	s4 =	sshll.u32 s1, $0x7;
	s1 =	ssub.s32 $0x2, s1;
	[dreg:$0xb] =	wrdreg s26  }
0xd: {  	s23 =	simm.s32 $0x3800;
	s24 =	simm.s32 $0x4000;
	s3 =	sor.u32 s4, s3  }
0xe: {  	s25 =	simm.s32 $0x4800;
	s4 =	sshrl.u32 s3, $0x3;
	s3 =	sshll.u32 s3, $0x6  }
0xf: {  	s26 =	simm.s32 $0x5000;
	s4 =	sadd.s32 s4, s0;
	s3 =	sadd.s32 s0, s3  }
0x10: {  	s22 =	sshrl.u32 s1, $0x1;
	[dreg:$0x3] =	wrdreg s3;
	s19 =	sadd.s32 $0x40200, s4  }
0x11: {  	s1 =	ssub.s32 s1, s22;
	s20 =	sadd.s32 $0x40400, s4;
	[dreg:$0x4] =	wrdreg s19  }
0x12: {  	s22 =	simm.s32 $0x3000;
	s21 =	sadd.s32 $0x40600, s4;
	[dreg:$0x5] =	wrdreg s20  }
0x13: {  	v2 =	vlaneseq.u32;
	s5 =	smax.u32 s1, $0x1;
	s4 =	sadd.s32 $0x40800, s4;
	[dreg:$0x6] =	wrdreg s21  }
0x14: {  	vm0 =	vmmov $0xffff;
	v1 =	vshrl.u32 v2, $0x3;
	s3 =	sadd.s32 $0x40A00, s0;
	[dreg:$0x7] =	wrdreg s4;
	s4 =	sadd.s32 $0x40B00, s0  }
0x15: {  	v0 =	vand.u32 $0x7, v2;
	v2 =	vor.u32 $0x8, v2;
	v1 =	vmul.u32 $0x8, v1;
	s19 =	simm.s32 $0x1800;
	s20 =	simm.s32 $0x2000;
	s21 =	simm.s32 $0x2800  }
.LBB2_1:
0x16: {  	s17 =	rddreg [dreg:$0x3]  }
0x17: {  	[tilespmem:s2], [sflag:$0x1] =	stream.linear.gather [hbm4b:s17+s2], $0x10000, $0x38;
	[tilespmem:$0x10380] =	vst v63  }
0x18: {  	s18 =	rddreg [dreg:$0x2]  }
0x19: {  	[tilespmem:s6], [sflag:$0x3] =	stream.linear.gather [hbm4b:s18+s2], $0x80, $0x38;
	[tilespmem:$0x10380] =	vst v63  }
0x1a: {  	_ =	swait.ge [sflag:s7], $0x80  }
0x1b: {  	s1 =	rddreg [dreg:$0x4];
	[sflag:s7] =	ssyncset.done $0x0  }
0x1c: {  	s8 =	rddreg [dreg:$0x8];
	[sflag:s7] =	ssyncadd.s32 $0xFFFFFF80  }
0x1d: {  	[tilespmem:s8], [sflag:$0x3] =	stream.linear.gather [hbm4b:s1+s2], $0x80, $0x38;
	[tilespmem:$0x10380] =	vst v63  }
0x1e: {  	_ =	swait.ge [sflag:s7], $0x80  }
0x1f: {  	s18 =	rddreg [dreg:$0x5];
	[sflag:s7] =	ssyncset.done $0x0  }
0x20: {  	s0 =	rddreg [dreg:$0x9];
	[sflag:s7] =	ssyncadd.s32 $0xFFFFFF80  }
0x21: {  	[tilespmem:s0], [sflag:$0x3] =	stream.linear.gather [hbm4b:s18+s2], $0x80, $0x38;
	[tilespmem:$0x10380] =	vst v63  }
0x22: {  	_ =	swait.ge [sflag:s7], $0x80  }
0x23: {  	s1 =	rddreg [dreg:$0x6];
	[sflag:s7] =	ssyncset.done $0x0  }
0x24: {  	s8 =	rddreg [dreg:$0xa];
	[sflag:s7] =	ssyncadd.s32 $0xFFFFFF80  }
0x25: {  	[tilespmem:s8], [sflag:$0x3] =	stream.linear.gather [hbm4b:s1+s2], $0x80, $0x38;
	[tilespmem:$0x10380] =	vst v63  }
0x26: {  	_ =	swait.ge [sflag:s7], $0x80  }
0x27: {  	s0 =	rddreg [dreg:$0x7];
	[sflag:s7] =	ssyncset.done $0x0  }
0x28: {  	s1 =	rddreg [dreg:$0xb];
	[sflag:s7] =	ssyncadd.s32 $0xFFFFFF80  }
0x29: {  	[tilespmem:s1], [sflag:$0x3] =	stream.linear.gather [hbm4b:s0+s2], $0x80, $0x38;
	[tilespmem:$0x10380] =	vst v63  }
0x2a: {  	_ =	swait.ge [sflag:s7], $0x80  }
0x2b: {  	[sflag:s7] =	ssyncset.done $0x0  }
0x2c: {  	[sflag:s7] =	ssyncadd.s32 $0xFFFFFF80  }
0x2d: {  	v3 =	vld [tilespmem:$0x10080];
	_ =	sdelay $0x5  }
0x2e: {  	v4 =	vld [tilespmem:$0x10100]  }
0x2f: {  	v5 =	vld [tilespmem:$0x10180]  }
0x30: {  	v3 =	vld.idx.msk [tilespmem:v3+s6+$0x0], $0xffff;
	_ =	sdelay $0x4  }
0x31: {  	v19 =	vld [tilespmem:$0x10090];
	v3 =	vadd.s32 v3, v5  }
0x32: {  	v20 =	vld [tilespmem:$0x10200];
	[tilespmem:$0x10280] =	vst v3  }
0x33: {  	v3 =	vld.idx.msk [tilespmem:v4+s6+$0x0], $0xffff;
	_ =	sdelay $0x4  }
0x34: {  	v21 =	vld [tilespmem:$0x10110];
	v3 =	vadd.s32 v3, v20  }
0x35: {  	v22 =	vld [tilespmem:$0x10190];
	[tilespmem:$0x10300] =	vst v3  }
0x36: {  	v3 =	vld.idx.msk [tilespmem:v19+s6+$0x0], $0xffff;
	_ =	sdelay $0x4  }
0x37: {  	v23 =	vld [tilespmem:$0x100A0];
	v3 =	vadd.s32 v3, v22  }
0x38: {  	v24 =	vld [tilespmem:$0x10210];
	[tilespmem:$0x10290] =	vst v3  }
0x39: {  	v3 =	vld.idx.msk [tilespmem:v21+s6+$0x0], $0xffff;
	_ =	sdelay $0x4  }
0x3a: {  	v25 =	vld [tilespmem:$0x10120];
	v3 =	vadd.s32 v3, v24  }
0x3b: {  	v26 =	vld [tilespmem:$0x101A0];
	[tilespmem:$0x10310] =	vst v3  }
0x3c: {  	v3 =	vld.idx.msk [tilespmem:v23+s6+$0x0], $0xffff;
	_ =	sdelay $0x4  }
0x3d: {  	v27 =	vld [tilespmem:$0x100B0];
	v3 =	vadd.s32 v3, v26  }
0x3e: {  	v28 =	vld [tilespmem:$0x10220];
	[tilespmem:$0x102A0] =	vst v3  }
0x3f: {  	v3 =	vld.idx.msk [tilespmem:v25+s6+$0x0], $0xffff;
	_ =	sdelay $0x4  }
0x40: {  	v29 =	vld [tilespmem:$0x10130];
	v3 =	vadd.s32 v3, v28  }
0x41: {  	v30 =	vld [tilespmem:$0x101B0];
	[tilespmem:$0x10320] =	vst v3  }
0x42: {  	v3 =	vld.idx.msk [tilespmem:v27+s6+$0x0], $0xffff;
	_ =	sdelay $0x4  }
0x43: {  	v31 =	vld [tilespmem:$0x100C0];
	v3 =	vadd.s32 v3, v30  }
0x44: {  	v32 =	vld [tilespmem:$0x10230];
	[tilespmem:$0x102B0] =	vst v3  }
0x45: {  	v3 =	vld.idx.msk [tilespmem:v29+s6+$0x0], $0xffff;
	_ =	sdelay $0x4  }
0x46: {  	v33 =	vld [tilespmem:$0x10140];
	v3 =	vadd.s32 v3, v32  }
0x47: {  	v34 =	vld [tilespmem:$0x101C0];
	[tilespmem:$0x10330] =	vst v3  }
0x48: {  	v3 =	vld.idx.msk [tilespmem:v31+s6+$0x0], $0xffff;
	_ =	sdelay $0x4  }
0x49: {  	v35 =	vld [tilespmem:$0x100D0];
	v3 =	vadd.s32 v3, v34  }
0x4a: {  	v36 =	vld [tilespmem:$0x10240];
	[tilespmem:$0x102C0] =	vst v3  }
0x4b: {  	v3 =	vld.idx.msk [tilespmem:v33+s6+$0x0], $0xffff;
	_ =	sdelay $0x4  }
0x4c: {  	v37 =	vld [tilespmem:$0x10150];
	v3 =	vadd.s32 v3, v36  }
0x4d: {  	v38 =	vld [tilespmem:$0x101D0];
	[tilespmem:$0x10340] =	vst v3  }
0x4e: {  	v3 =	vld.idx.msk [tilespmem:v35+s6+$0x0], $0xffff;
	_ =	sdelay $0x4  }
0x4f: {  	v39 =	vld [tilespmem:$0x100E0];
	v3 =	vadd.s32 v3, v38  }
0x50: {  	v40 =	vld [tilespmem:$0x10250];
	[tilespmem:$0x102D0] =	vst v3  }
0x51: {  	v3 =	vld.idx.msk [tilespmem:v37+s6+$0x0], $0xffff;
	_ =	sdelay $0x4  }
0x52: {  	v41 =	vld [tilespmem:$0x10160];
	v3 =	vadd.s32 v3, v40  }
0x53: {  	v42 =	vld [tilespmem:$0x101E0];
	[tilespmem:$0x10350] =	vst v3  }
0x54: {  	v3 =	vld.idx.msk [tilespmem:v39+s6+$0x0], $0xffff;
	_ =	sdelay $0x4  }
0x55: {  	v43 =	vld [tilespmem:$0x100F0];
	v3 =	vadd.s32 v3, v42  }
0x56: {  	v44 =	vld [tilespmem:$0x10260];
	[tilespmem:$0x102E0] =	vst v3  }
0x57: {  	v3 =	vld.idx.msk [tilespmem:v41+s6+$0x0], $0xffff;
	_ =	sdelay $0x4  }
0x58: {  	v45 =	vld [tilespmem:$0x10170];
	v3 =	vadd.s32 v3, v44  }
0x59: {  	v46 =	vld [tilespmem:$0x101F0];
	[tilespmem:$0x10360] =	vst v3  }
0x5a: {  	v3 =	vld.idx.msk [tilespmem:v43+s6+$0x0], $0xffff;
	_ =	sdelay $0x4  }
0x5b: {  	v3 =	vadd.s32 v3, v46  }
0x5c: {  	v47 =	vld [tilespmem:$0x10270];
	[tilespmem:$0x102F0] =	vst v3  }
0x5d: {  	v3 =	vld.idx.msk [tilespmem:v45+s6+$0x0], $0xffff;
	_ =	sdelay $0x4  }
0x5e: {  	v3 =	vadd.s32 v3, v47  }
0x5f: {  	s0 =	simm.s32 $0x1;
	[tilespmem:$0x10370] =	vst v3  }
0x60: {  	_ =	swait.ge [sflag:s0], $0x10000  }
0x61: {  	[sflag:s0] =	ssyncset.done $0x0  }
0x62: {  	[sflag:s0] =	ssyncadd.s32 $0xFFFF0000  }
0x63: {  	v3 =	vld [tilespmem:$0x10280];
	_ =	sdelay $0x4  }
0x64: {  	v48 =	vshll.u32 v3, $0x2  }
0x65: {  	v3 =	vand.u32 $0x7, v3;
	v4 =	vand.u32 $0xFFFFFFE0, v48  }
0x66: {  	v3 =	vor.u32 v3, v4  }
0x67: {  	v4 =	vperm.xlane v3, v0;
	_ =	sdelay $0x1  }
0x68: {  	v4 =	vadd.s32 v1, v4;
	_ =	sdelay $0x1  }
0x69: {  	v3 =	vperm.xlane v3, v2;
	_ =	sdelay $0x1  }
0x6a: {  	v3 =	vadd.s32 v1, v3  }
0x6b: {  	[hbm4b:s3+s2] =	stream.indirect_vreg.scatter [tilespmem:s2], [sflag:$0x1], $0x80, v4, vm0, $0xb8;
	[tilespmem:$0x10380] =	vst v63  }
0x6c: {  	s17 =	simm.s32 $0x800  }
0x6d: {  	[hbm4b:s4+s2] =	stream.indirect_vreg.scatter [tilespmem:s17], [sflag:$0x1], $0x80, v4, vm0, $0xb8;
	[tilespmem:$0x10380] =	vst v63  }
0x6e: {  	s18 =	simm.s32 $0x1000  }
0x6f: {  	[hbm4b:s3+s2] =	stream.indirect_vreg.scatter [tilespmem:s18], [sflag:$0x1], $0x80, v3, vm0, $0xb8;
	[tilespmem:$0x10380] =	vst v63  }
0x70: {  	_ = 	snop  }
0x71: {  	[hbm4b:s4+s2] =	stream.indirect_vreg.scatter [tilespmem:s19], [sflag:$0x1], $0x80, v3, vm0, $0xb8;
	[tilespmem:$0x10380] =	vst v63  }
0x72: {  	v3 =	vld [tilespmem:$0x10290];
	_ =	sdelay $0x4  }
0x73: {  	v49 =	vshll.u32 v3, $0x2  }
0x74: {  	v3 =	vand.u32 $0x7, v3;
	v4 =	vand.u32 $0xFFFFFFE0, v49  }
0x75: {  	v3 =	vor.u32 v3, v4  }
0x76: {  	v4 =	vperm.xlane v3, v0;
	_ =	sdelay $0x1  }
0x77: {  	v4 =	vadd.s32 v1, v4;
	_ =	sdelay $0x1  }
0x78: {  	v3 =	vperm.xlane v3, v2;
	_ =	sdelay $0x1  }
0x79: {  	v3 =	vadd.s32 v1, v3  }
0x7a: {  	[hbm4b:s3+s2] =	stream.indirect_vreg.scatter [tilespmem:s20], [sflag:$0x1], $0x80, v4, vm0, $0xb8;
	[tilespmem:$0x10380] =	vst v63  }
0x7b: {  	_ = 	snop  }
0x7c: {  	[hbm4b:s4+s2] =	stream.indirect_vreg.scatter [tilespmem:s21], [sflag:$0x1], $0x80, v4, vm0, $0xb8;
	[tilespmem:$0x10380] =	vst v63  }
0x7d: {  	_ = 	snop  }
0x7e: {  	[hbm4b:s3+s2] =	stream.indirect_vreg.scatter [tilespmem:s22], [sflag:$0x1], $0x80, v3, vm0, $0xb8;
	[tilespmem:$0x10380] =	vst v63  }
0x7f: {  	_ = 	snop  }
0x80: {  	[hbm4b:s4+s2] =	stream.indirect_vreg.scatter [tilespmem:s23], [sflag:$0x1], $0x80, v3, vm0, $0xb8;
	[tilespmem:$0x10380] =	vst v63  }
0x81: {  	v3 =	vld [tilespmem:$0x102A0];
	_ =	sdelay $0x4  }
0x82: {  	v50 =	vshll.u32 v3, $0x2  }
0x83: {  	v3 =	vand.u32 $0x7, v3;
	v4 =	vand.u32 $0xFFFFFFE0, v50  }
0x84: {  	v3 =	vor.u32 v3, v4  }
0x85: {  	v4 =	vperm.xlane v3, v0;
	_ =	sdelay $0x1  }
0x86: {  	v4 =	vadd.s32 v1, v4;
	_ =	sdelay $0x1  }
0x87: {  	v3 =	vperm.xlane v3, v2;
	_ =	sdelay $0x1  }
0x88: {  	v3 =	vadd.s32 v1, v3  }
0x89: {  	[hbm4b:s3+s2] =	stream.indirect_vreg.scatter [tilespmem:s24], [sflag:$0x1], $0x80, v4, vm0, $0xb8;
	[tilespmem:$0x10380] =	vst v63  }
0x8a: {  	_ = 	snop  }
0x8b: {  	[hbm4b:s4+s2] =	stream.indirect_vreg.scatter [tilespmem:s25], [sflag:$0x1], $0x80, v4, vm0, $0xb8;
	[tilespmem:$0x10380] =	vst v63  }
0x8c: {  	_ = 	snop  }
0x8d: {  	[hbm4b:s3+s2] =	stream.indirect_vreg.scatter [tilespmem:s26], [sflag:$0x1], $0x80, v3, vm0, $0xb8;
	[tilespmem:$0x10380] =	vst v63  }
0x8e: {  	_ = 	snop  }
0x8f: {  	[hbm4b:s4+s2] =	stream.indirect_vreg.scatter [tilespmem:s28], [sflag:$0x1], $0x80, v3, vm0, $0xb8;
	[tilespmem:$0x10380] =	vst v63  }
0x90: {  	v3 =	vld [tilespmem:$0x102B0];
	_ =	sdelay $0x4  }
0x91: {  	v51 =	vshll.u32 v3, $0x2  }
0x92: {  	v3 =	vand.u32 $0x7, v3;
	v4 =	vand.u32 $0xFFFFFFE0, v51  }
0x93: {  	v3 =	vor.u32 v3, v4  }
0x94: {  	v4 =	vperm.xlane v3, v0;
	_ =	sdelay $0x1  }
0x95: {  	v4 =	vadd.s32 v1, v4;
	_ =	sdelay $0x1  }
0x96: {  	v3 =	vperm.xlane v3, v2;
	_ =	sdelay $0x1  }
0x97: {  	v3 =	vadd.s32 v1, v3  }
0x98: {  	[hbm4b:s3+s2] =	stream.indirect_vreg.scatter [tilespmem:s29], [sflag:$0x1], $0x80, v4, vm0, $0xb8;
	[tilespmem:$0x10380] =	vst v63  }
0x99: {  	_ = 	snop  }
0x9a: {  	[hbm4b:s4+s2] =	stream.indirect_vreg.scatter [tilespmem:s30], [sflag:$0x1], $0x80, v4, vm0, $0xb8;
	[tilespmem:$0x10380] =	vst v63  }
0x9b: {  	_ = 	snop  }
0x9c: {  	[hbm4b:s3+s2] =	stream.indirect_vreg.scatter [tilespmem:s31], [sflag:$0x1], $0x80, v3, vm0, $0xb8;
	[tilespmem:$0x10380] =	vst v63  }
0x9d: {  	s1 =	simm.s32 $0x7800  }
0x9e: {  	[hbm4b:s4+s2] =	stream.indirect_vreg.scatter [tilespmem:s1], [sflag:$0x1], $0x80, v3, vm0, $0xb8;
	[tilespmem:$0x10380] =	vst v63  }
0x9f: {  	v3 =	vld [tilespmem:$0x102C0];
	_ =	sdelay $0x4  }
0xa0: {  	v52 =	vshll.u32 v3, $0x2  }
0xa1: {  	v3 =	vand.u32 $0x7, v3;
	v4 =	vand.u32 $0xFFFFFFE0, v52  }
0xa2: {  	v3 =	vor.u32 v3, v4  }
0xa3: {  	v4 =	vperm.xlane v3, v0;
	_ =	sdelay $0x1  }
0xa4: {  	v4 =	vadd.s32 v1, v4;
	_ =	sdelay $0x1  }
0xa5: {  	v3 =	vperm.xlane v3, v2;
	_ =	sdelay $0x1  }
0xa6: {  	s8 =	simm.s32 $0x8000;
	v3 =	vadd.s32 v1, v3  }
0xa7: {  	[hbm4b:s3+s2] =	stream.indirect_vreg.scatter [tilespmem:s8], [sflag:$0x1], $0x80, v4, vm0, $0xb8;
	[tilespmem:$0x10380] =	vst v63  }
0xa8: {  	_ = 	snop  }
0xa9: {  	[hbm4b:s4+s2] =	stream.indirect_vreg.scatter [tilespmem:s9], [sflag:$0x1], $0x80, v4, vm0, $0xb8;
	[tilespmem:$0x10380] =	vst v63  }
0xaa: {  	_ = 	snop  }
0xab: {  	[hbm4b:s3+s2] =	stream.indirect_vreg.scatter [tilespmem:s10], [sflag:$0x1], $0x80, v3, vm0, $0xb8;
	[tilespmem:$0x10380] =	vst v63  }
0xac: {  	_ = 	snop  }
0xad: {  	[hbm4b:s4+s2] =	stream.indirect_vreg.scatter [tilespmem:s11], [sflag:$0x1], $0x80, v3, vm0, $0xb8;
	[tilespmem:$0x10380] =	vst v63  }
0xae: {  	v3 =	vld [tilespmem:$0x102D0];
	_ =	sdelay $0x4  }
0xaf: {  	v53 =	vshll.u32 v3, $0x2  }
0xb0: {  	v3 =	vand.u32 $0x7, v3;
	v4 =	vand.u32 $0xFFFFFFE0, v53  }
0xb1: {  	v3 =	vor.u32 v3, v4  }
0xb2: {  	v4 =	vperm.xlane v3, v0;
	_ =	sdelay $0x1  }
0xb3: {  	v4 =	vadd.s32 v1, v4;
	_ =	sdelay $0x1  }
0xb4: {  	v3 =	vperm.xlane v3, v2;
	_ =	sdelay $0x1  }
0xb5: {  	v3 =	vadd.s32 v1, v3  }
0xb6: {  	[hbm4b:s3+s2] =	stream.indirect_vreg.scatter [tilespmem:s12], [sflag:$0x1], $0x80, v4, vm0, $0xb8;
	[tilespmem:$0x10380] =	vst v63  }
0xb7: {  	_ = 	snop  }
0xb8: {  	[hbm4b:s4+s2] =	stream.indirect_vreg.scatter [tilespmem:s13], [sflag:$0x1], $0x80, v4, vm0, $0xb8;
	[tilespmem:$0x10380] =	vst v63  }
0xb9: {  	_ = 	snop  }
0xba: {  	[hbm4b:s3+s2] =	stream.indirect_vreg.scatter [tilespmem:s14], [sflag:$0x1], $0x80, v3, vm0, $0xb8;
	[tilespmem:$0x10380] =	vst v63  }
0xbb: {  	_ = 	snop  }
0xbc: {  	[hbm4b:s4+s2] =	stream.indirect_vreg.scatter [tilespmem:s15], [sflag:$0x1], $0x80, v3, vm0, $0xb8;
	[tilespmem:$0x10380] =	vst v63  }
0xbd: {  	v3 =	vld [tilespmem:$0x102E0];
	_ =	sdelay $0x4  }
0xbe: {  	v54 =	vshll.u32 v3, $0x2  }
0xbf: {  	v3 =	vand.u32 $0x7, v3;
	v4 =	vand.u32 $0xFFFFFFE0, v54  }
0xc0: {  	v3 =	vor.u32 v3, v4  }
0xc1: {  	v4 =	vperm.xlane v3, v0;
	_ =	sdelay $0x1  }
0xc2: {  	v4 =	vadd.s32 v1, v4;
	_ =	sdelay $0x1  }
0xc3: {  	v3 =	vperm.xlane v3, v2;
	_ =	sdelay $0x1  }
0xc4: {  	v3 =	vadd.s32 v1, v3  }
0xc5: {  	[hbm4b:s3+s2] =	stream.indirect_vreg.scatter [tilespmem:s16], [sflag:$0x1], $0x80, v4, vm0, $0xb8;
	[tilespmem:$0x10380] =	vst v63  }
0xc6: {  	s8 =	simm.s32 $0xC800  }
0xc7: {  	[hbm4b:s4+s2] =	stream.indirect_vreg.scatter [tilespmem:s8], [sflag:$0x1], $0x80, v4, vm0, $0xb8;
	[tilespmem:$0x10380] =	vst v63  }
0xc8: {  	s1 =	simm.s32 $0xD000  }
0xc9: {  	[hbm4b:s3+s2] =	stream.indirect_vreg.scatter [tilespmem:s1], [sflag:$0x1], $0x80, v3, vm0, $0xb8;
	[tilespmem:$0x10380] =	vst v63  }
0xca: {  	s1 =	simm.s32 $0xD800  }
0xcb: {  	[hbm4b:s4+s2] =	stream.indirect_vreg.scatter [tilespmem:s1], [sflag:$0x1], $0x80, v3, vm0, $0xb8;
	[tilespmem:$0x10380] =	vst v63  }
0xcc: {  	v3 =	vld [tilespmem:$0x102F0];
	_ =	sdelay $0x4  }
0xcd: {  	v55 =	vshll.u32 v3, $0x2  }
0xce: {  	v3 =	vand.u32 $0x7, v3;
	v4 =	vand.u32 $0xFFFFFFE0, v55  }
0xcf: {  	v3 =	vor.u32 v3, v4  }
0xd0: {  	v4 =	vperm.xlane v3, v0;
	_ =	sdelay $0x1  }
0xd1: {  	v4 =	vadd.s32 v1, v4;
	_ =	sdelay $0x1  }
0xd2: {  	v3 =	vperm.xlane v3, v2;
	_ =	sdelay $0x1  }
0xd3: {  	s1 =	simm.s32 $0xE000;
	v3 =	vadd.s32 v1, v3  }
0xd4: {  	[hbm4b:s3+s2] =	stream.indirect_vreg.scatter [tilespmem:s1], [sflag:$0x1], $0x80, v4, vm0, $0xb8;
	[tilespmem:$0x10380] =	vst v63  }
0xd5: {  	s1 =	simm.s32 $0xE800  }
0xd6: {  	[hbm4b:s4+s2] =	stream.indirect_vreg.scatter [tilespmem:s1], [sflag:$0x1], $0x80, v4, vm0, $0xb8;
	[tilespmem:$0x10380] =	vst v63  }
0xd7: {  	s1 =	simm.s32 $0xF000  }
0xd8: {  	[hbm4b:s3+s2] =	stream.indirect_vreg.scatter [tilespmem:s1], [sflag:$0x1], $0x80, v3, vm0, $0xb8;
	[tilespmem:$0x10380] =	vst v63  }
0xd9: {  	s1 =	simm.s32 $0xF800  }
0xda: {  	[hbm4b:s4+s2] =	stream.indirect_vreg.scatter [tilespmem:s1], [sflag:$0x1], $0x80, v3, vm0, $0xb8;
	[tilespmem:$0x10380] =	vst v63  }
0xdb: {  	v3 =	vld [tilespmem:$0x10300];
	_ =	sdelay $0x4  }
0xdc: {  	v56 =	vshll.u32 v3, $0x2  }
0xdd: {  	v3 =	vand.u32 $0x7, v3;
	v4 =	vand.u32 $0xFFFFFFE0, v56  }
0xde: {  	v3 =	vor.u32 v3, v4  }
0xdf: {  	v4 =	vperm.xlane v3, v0;
	_ =	sdelay $0x1  }
0xe0: {  	v4 =	vadd.s32 v1, v4;
	_ =	sdelay $0x1  }
0xe1: {  	v3 =	vperm.xlane v3, v2;
	_ =	sdelay $0x1  }
0xe2: {  	v3 =	vadd.s32 v1, v3  }
0xe3: {  	[hbm4b:s3+s2] =	stream.indirect_vreg.scatter [tilespmem:s2], [sflag:$0x2], $0x80, v4, vm0, $0xb8;
	[tilespmem:$0x10380] =	vst v63  }
0xe4: {  	_ = 	snop  }
0xe5: {  	[hbm4b:s4+s2] =	stream.indirect_vreg.scatter [tilespmem:s17], [sflag:$0x2], $0x80, v4, vm0, $0xb8;
	[tilespmem:$0x10380] =	vst v63  }
0xe6: {  	_ = 	snop  }
0xe7: {  	[hbm4b:s3+s2] =	stream.indirect_vreg.scatter [tilespmem:s18], [sflag:$0x2], $0x80, v3, vm0, $0xb8;
	[tilespmem:$0x10380] =	vst v63  }
0xe8: {  	_ = 	snop  }
0xe9: {  	[hbm4b:s4+s2] =	stream.indirect_vreg.scatter [tilespmem:s19], [sflag:$0x2], $0x80, v3, vm0, $0xb8;
	[tilespmem:$0x10380] =	vst v63  }
0xea: {  	v3 =	vld [tilespmem:$0x10310];
	_ =	sdelay $0x4  }
0xeb: {  	v57 =	vshll.u32 v3, $0x2  }
0xec: {  	v3 =	vand.u32 $0x7, v3;
	v4 =	vand.u32 $0xFFFFFFE0, v57  }
0xed: {  	v3 =	vor.u32 v3, v4  }
0xee: {  	v4 =	vperm.xlane v3, v0;
	_ =	sdelay $0x1  }
0xef: {  	v4 =	vadd.s32 v1, v4;
	_ =	sdelay $0x1  }
0xf0: {  	v3 =	vperm.xlane v3, v2;
	_ =	sdelay $0x1  }
0xf1: {  	v3 =	vadd.s32 v1, v3  }
0xf2: {  	[hbm4b:s3+s2] =	stream.indirect_vreg.scatter [tilespmem:s20], [sflag:$0x2], $0x80, v4, vm0, $0xb8;
	[tilespmem:$0x10380] =	vst v63  }
0xf3: {  	_ = 	snop  }
0xf4: {  	[hbm4b:s4+s2] =	stream.indirect_vreg.scatter [tilespmem:s21], [sflag:$0x2], $0x80, v4, vm0, $0xb8;
	[tilespmem:$0x10380] =	vst v63  }
0xf5: {  	_ = 	snop  }
0xf6: {  	[hbm4b:s3+s2] =	stream.indirect_vreg.scatter [tilespmem:s22], [sflag:$0x2], $0x80, v3, vm0, $0xb8;
	[tilespmem:$0x10380] =	vst v63  }
0xf7: {  	_ = 	snop  }
0xf8: {  	[hbm4b:s4+s2] =	stream.indirect_vreg.scatter [tilespmem:s23], [sflag:$0x2], $0x80, v3, vm0, $0xb8;
	[tilespmem:$0x10380] =	vst v63  }
0xf9: {  	v3 =	vld [tilespmem:$0x10320];
	_ =	sdelay $0x4  }
0xfa: {  	v58 =	vshll.u32 v3, $0x2  }
0xfb: {  	v3 =	vand.u32 $0x7, v3;
	v4 =	vand.u32 $0xFFFFFFE0, v58  }
0xfc: {  	v3 =	vor.u32 v3, v4  }
0xfd: {  	v4 =	vperm.xlane v3, v0;
	_ =	sdelay $0x1  }
0xfe: {  	v4 =	vadd.s32 v1, v4;
	_ =	sdelay $0x1  }
0xff: {  	v3 =	vperm.xlane v3, v2;
	_ =	sdelay $0x1  }
0x100: {  	v3 =	vadd.s32 v1, v3  }
0x101: {  	[hbm4b:s3+s2] =	stream.indirect_vreg.scatter [tilespmem:s24], [sflag:$0x2], $0x80, v4, vm0, $0xb8;
	[tilespmem:$0x10380] =	vst v63  }
0x102: {  	_ = 	snop  }
0x103: {  	[hbm4b:s4+s2] =	stream.indirect_vreg.scatter [tilespmem:s25], [sflag:$0x2], $0x80, v4, vm0, $0xb8;
	[tilespmem:$0x10380] =	vst v63  }
0x104: {  	_ = 	snop  }
0x105: {  	[hbm4b:s3+s2] =	stream.indirect_vreg.scatter [tilespmem:s26], [sflag:$0x2], $0x80, v3, vm0, $0xb8;
	[tilespmem:$0x10380] =	vst v63  }
0x106: {  	_ = 	snop  }
0x107: {  	[hbm4b:s4+s2] =	stream.indirect_vreg.scatter [tilespmem:s28], [sflag:$0x2], $0x80, v3, vm0, $0xb8;
	[tilespmem:$0x10380] =	vst v63  }
0x108: {  	v3 =	vld [tilespmem:$0x10330];
	_ =	sdelay $0x4  }
0x109: {  	v59 =	vshll.u32 v3, $0x2  }
0x10a: {  	v3 =	vand.u32 $0x7, v3;
	v4 =	vand.u32 $0xFFFFFFE0, v59  }
0x10b: {  	v3 =	vor.u32 v3, v4  }
0x10c: {  	v4 =	vperm.xlane v3, v0;
	_ =	sdelay $0x1  }
0x10d: {  	v4 =	vadd.s32 v1, v4;
	_ =	sdelay $0x1  }
0x10e: {  	v3 =	vperm.xlane v3, v2;
	_ =	sdelay $0x1  }
0x10f: {  	v3 =	vadd.s32 v1, v3  }
0x110: {  	[hbm4b:s3+s2] =	stream.indirect_vreg.scatter [tilespmem:s29], [sflag:$0x2], $0x80, v4, vm0, $0xb8;
	[tilespmem:$0x10380] =	vst v63  }
0x111: {  	_ = 	snop  }
0x112: {  	[hbm4b:s4+s2] =	stream.indirect_vreg.scatter [tilespmem:s30], [sflag:$0x2], $0x80, v4, vm0, $0xb8;
	[tilespmem:$0x10380] =	vst v63  }
0x113: {  	_ = 	snop  }
0x114: {  	[hbm4b:s3+s2] =	stream.indirect_vreg.scatter [tilespmem:s31], [sflag:$0x2], $0x80, v3, vm0, $0xb8;
	[tilespmem:$0x10380] =	vst v63  }
0x115: {  	s18 =	simm.s32 $0x7800  }
0x116: {  	[hbm4b:s4+s2] =	stream.indirect_vreg.scatter [tilespmem:s18], [sflag:$0x2], $0x80, v3, vm0, $0xb8;
	[tilespmem:$0x10380] =	vst v63  }
0x117: {  	v3 =	vld [tilespmem:$0x10340];
	_ =	sdelay $0x4  }
0x118: {  	v60 =	vshll.u32 v3, $0x2  }
0x119: {  	v3 =	vand.u32 $0x7, v3;
	v4 =	vand.u32 $0xFFFFFFE0, v60  }
0x11a: {  	v3 =	vor.u32 v3, v4  }
0x11b: {  	v4 =	vperm.xlane v3, v0;
	_ =	sdelay $0x1  }
0x11c: {  	v4 =	vadd.s32 v1, v4;
	_ =	sdelay $0x1  }
0x11d: {  	v3 =	vperm.xlane v3, v2;
	_ =	sdelay $0x1  }
0x11e: {  	s18 =	simm.s32 $0x8000;
	v3 =	vadd.s32 v1, v3  }
0x11f: {  	[hbm4b:s3+s2] =	stream.indirect_vreg.scatter [tilespmem:s18], [sflag:$0x2], $0x80, v4, vm0, $0xb8;
	[tilespmem:$0x10380] =	vst v63  }
0x120: {  	_ = 	snop  }
0x121: {  	[hbm4b:s4+s2] =	stream.indirect_vreg.scatter [tilespmem:s9], [sflag:$0x2], $0x80, v4, vm0, $0xb8;
	[tilespmem:$0x10380] =	vst v63  }
0x122: {  	_ = 	snop  }
0x123: {  	[hbm4b:s3+s2] =	stream.indirect_vreg.scatter [tilespmem:s10], [sflag:$0x2], $0x80, v3, vm0, $0xb8;
	[tilespmem:$0x10380] =	vst v63  }
0x124: {  	_ = 	snop  }
0x125: {  	[hbm4b:s4+s2] =	stream.indirect_vreg.scatter [tilespmem:s11], [sflag:$0x2], $0x80, v3, vm0, $0xb8;
	[tilespmem:$0x10380] =	vst v63  }
0x126: {  	v3 =	vld [tilespmem:$0x10350];
	_ =	sdelay $0x4  }
0x127: {  	v61 =	vshll.u32 v3, $0x2  }
0x128: {  	v3 =	vand.u32 $0x7, v3;
	v4 =	vand.u32 $0xFFFFFFE0, v61  }
0x129: {  	v3 =	vor.u32 v3, v4  }
0x12a: {  	v4 =	vperm.xlane v3, v0;
	_ =	sdelay $0x1  }
0x12b: {  	v4 =	vadd.s32 v1, v4;
	_ =	sdelay $0x1  }
0x12c: {  	v3 =	vperm.xlane v3, v2;
	_ =	sdelay $0x1  }
0x12d: {  	v3 =	vadd.s32 v1, v3  }
0x12e: {  	[hbm4b:s3+s2] =	stream.indirect_vreg.scatter [tilespmem:s12], [sflag:$0x2], $0x80, v4, vm0, $0xb8;
	[tilespmem:$0x10380] =	vst v63  }
0x12f: {  	_ = 	snop  }
0x130: {  	[hbm4b:s4+s2] =	stream.indirect_vreg.scatter [tilespmem:s13], [sflag:$0x2], $0x80, v4, vm0, $0xb8;
	[tilespmem:$0x10380] =	vst v63  }
0x131: {  	_ = 	snop  }
0x132: {  	[hbm4b:s3+s2] =	stream.indirect_vreg.scatter [tilespmem:s14], [sflag:$0x2], $0x80, v3, vm0, $0xb8;
	[tilespmem:$0x10380] =	vst v63  }
0x133: {  	_ = 	snop  }
0x134: {  	[hbm4b:s4+s2] =	stream.indirect_vreg.scatter [tilespmem:s15], [sflag:$0x2], $0x80, v3, vm0, $0xb8;
	[tilespmem:$0x10380] =	vst v63  }
0x135: {  	v3 =	vld [tilespmem:$0x10360];
	_ =	sdelay $0x4  }
0x136: {  	v62 =	vshll.u32 v3, $0x2  }
0x137: {  	v3 =	vand.u32 $0x7, v3;
	v4 =	vand.u32 $0xFFFFFFE0, v62  }
0x138: {  	v3 =	vor.u32 v3, v4  }
0x139: {  	v4 =	vperm.xlane v3, v0;
	_ =	sdelay $0x1  }
0x13a: {  	v4 =	vadd.s32 v1, v4;
	_ =	sdelay $0x1  }
0x13b: {  	v3 =	vperm.xlane v3, v2;
	_ =	sdelay $0x1  }
0x13c: {  	v3 =	vadd.s32 v1, v3  }
0x13d: {  	[hbm4b:s3+s2] =	stream.indirect_vreg.scatter [tilespmem:s16], [sflag:$0x2], $0x80, v4, vm0, $0xb8;
	[tilespmem:$0x10380] =	vst v63  }
0x13e: {  	_ = 	snop  }
0x13f: {  	[hbm4b:s4+s2] =	stream.indirect_vreg.scatter [tilespmem:s8], [sflag:$0x2], $0x80, v4, vm0, $0xb8;
	[tilespmem:$0x10380] =	vst v63  }
0x140: {  	s17 =	simm.s32 $0xD000  }
0x141: {  	[hbm4b:s3+s2] =	stream.indirect_vreg.scatter [tilespmem:s17], [sflag:$0x2], $0x80, v3, vm0, $0xb8;
	[tilespmem:$0x10380] =	vst v63  }
0x142: {  	s18 =	simm.s32 $0xD800  }
0x143: {  	[hbm4b:s4+s2] =	stream.indirect_vreg.scatter [tilespmem:s18], [sflag:$0x2], $0x80, v3, vm0, $0xb8;
	[tilespmem:$0x10380] =	vst v63  }
0x144: {  	v3 =	vld [tilespmem:$0x10370];
	_ =	sdelay $0x4  }
0x145: {  	v63 =	vshll.u32 v3, $0x2  }
0x146: {  	v3 =	vand.u32 $0x7, v3;
	v4 =	vand.u32 $0xFFFFFFE0, v63  }
0x147: {  	v3 =	vor.u32 v3, v4  }
0x148: {  	v4 =	vperm.xlane v3, v0;
	_ =	sdelay $0x1  }
0x149: {  	v4 =	vadd.s32 v1, v4;
	_ =	sdelay $0x1  }
0x14a: {  	v3 =	vperm.xlane v3, v2;
	_ =	sdelay $0x1  }
0x14b: {  	s17 =	simm.s32 $0xE000;
	v3 =	vadd.s32 v1, v3  }
0x14c: {  	[hbm4b:s3+s2] =	stream.indirect_vreg.scatter [tilespmem:s17], [sflag:$0x2], $0x80, v4, vm0, $0xb8;
	[tilespmem:$0x10380] =	vst v63  }
0x14d: {  	s18 =	simm.s32 $0xE800  }
0x14e: {  	[hbm4b:s4+s2] =	stream.indirect_vreg.scatter [tilespmem:s18], [sflag:$0x2], $0x80, v4, vm0, $0xb8;
	[tilespmem:$0x10380] =	vst v63  }
0x14f: {  	s17 =	simm.s32 $0xF000  }
0x150: {  	[hbm4b:s3+s2] =	stream.indirect_vreg.scatter [tilespmem:s17], [sflag:$0x2], $0x80, v3, vm0, $0xb8;
	[tilespmem:$0x10380] =	vst v63  }
0x151: {  	_ = 	snop  }
0x152: {  	[hbm4b:s4+s2] =	stream.indirect_vreg.scatter [tilespmem:s1], [sflag:$0x2], $0x80, v3, vm0, $0xb8;
	[tilespmem:$0x10380] =	vst v63  }
0x153: {  	p0 =	sne.s32 s5, $0x1;
	_ =	swait.ge [sflag:s0], $0x10000  }
.Ltmp0:
0x154: {  	[sflag:s0] =	ssyncset.done $0x0;
	(pc) =	sbr.rel @p0 .LBB2_1-.Ltmp0, $4  }
0x155: {  	s18 =	simm.s32 $0x2;
	[sflag:s0] =	ssyncadd.s32 $0xFFFF0000  }
0x156: {  	_ =	swait.ge [sflag:s18], $0x10000  }
0x157: {  	[sflag:s18] =	ssyncset.done $0x0  }
0x158: {  	s5 =	sadd.s32 $0xFFFFFFFF, s5;
	[sflag:s18] =	ssyncadd.s32 $0xFFFF0000  }
0x159: {  	_ =	sfence.sel $0x180000  }
0x15a: {  	[bflag:$0x0] =	sbarrier.arrive $0xFFFF  }
0x15b: {  	_ =	strace $0x90000047  }
0x15c: {  	s0 =	stileid.u32;
	[bflag:$0x2] =	sbarrier.arrive $0xFFFF  }
0x15d: {  	p0 =	sne.s32 s0, $0x0;
	s0 =	rddreg [dreg:$0x1]  }
0x15e: {  	s0 =	sadd.s32 @!p0 $0x100000, s0  }
0x15f: {  	[sflag:s0] =	ssyncadd.tile.s32 @!p0 $0x1;
	_ =	shalt  }
.Lfunc_end2:
_tile_overlayer_lowered:
.L_overlay_start_2:
0x160: {  	(tag) =	ssettag $0x2  }
0x161: {  	s0 =	rddreg [dreg:$0x0];
	s2 =	stileid.u32  }
0x162: {  	s1 =	rddreg [dreg:$0x1];
	p0 =	sne.s32 s2, $0x0  }
0x163: {  	s3 =	rddreg [dreg:$0x2];
	[bflag:$0x3] =	sbarrier.arrive $0xFFFF;
	s2 =	simm.s32 @!p0 $0x1C03  }
0x164: {  	[timem:s3], [sflag:s2] =	dma.local @!p0 [hbm:s0], s1  }
0x165: {  	s0 =	simm.s32 @!p0 $0x3  }
0x166: {  	_ =	swait.ge @!p0 [sflag:s0], s1  }
0x167: {  	s1 =	ssub.s32 @!p0 $0x0, s1;
	[sflag:s0] =	ssyncset.done @!p0 $0x0  }
0x168: {  	[sflag:s0] =	ssyncadd.s32 @!p0 s1  }
0x169: {  	[bflag:$0x3] =	sbarrier.arrive $0xFFFF  }
0x16a: {  	_ =	shalt  }

// kernel: kernel.9.cloned.1.call-start
scs
__scs_entry_jumppad:
0x0: {  	(pc) =	sbr.rel $0x88, $3  }
0x1: {  	(tag) =	ssettag $0x0;
	lr =	simm.s32 $0x1  }
0x2: {  	[smem:$0x3F94] =	sst lr;
	_ =	strace $0xD0000000  }
0x3: {  	_ = 	snop  }
0x4: {  	_ = 	snop  }
0x5: {  	_ = 	snop  }
0x6: {  	_ = 	snop  }
0x7: {  	_ = 	snop  }
__scs_overlays_trampoline_lowered:
0x8: {  	[smem:$0x3FA3] =	sst s0  }
0x9: {  	[smem:$0x3FA4] =	sst s1  }
0xa: {  	[smem:$0x3FA5] =	sst s2  }
0xb: {  	[smem:$0x3FA6] =	sst s3  }
0xc: {  	[smem:$0x3FA7] =	sst s4  }
0xd: {  	[smem:$0x3FA8] =	sst s5  }
0xe: {  	[smem:$0x3FA9] =	sst s6  }
0xf: {  	[smem:$0x3FAA] =	sst s7  }
0x10: {  	[smem:$0x3FAB] =	sst s8  }
0x11: {  	[smem:$0x3FAC] =	sst s9;
	s0 =	simm.s32 @!p0 $0x0  }
0x12: {  	s1 =	sld [smem:$0x3F92];
	s0 =	simm.s32 @p0 $0x1  }
0x13: {  	[smem:$0x3FAD] =	sst s0;
	s0 =	simm.s32 @!p1 $0x0  }
0x14: {  	s2 =	sld [smem:$0x3F91];
	s0 =	simm.s32 @p1 $0x1  }
0x15: {  	[smem:$0x3FAE] =	sst s0;
	s0 =	simm.s32 @!p2 $0x0  }
0x16: {  	s3 =	sld [smem:$0x3FDB];
	s0 =	simm.s32 @p2 $0x1  }
0x17: {  	s4 =	simm.s32 $0x1BF5;
	[smem:$0x3FB0] =	sst s0  }
0x18: {  	s0 =	sld [smem:$0x3F93];
	_ =	swait.ge [sflag:s4], $0x0  }
0x19: {  	s7 =	sld [smem:$0x3F94]  }
0x1a: {  	s8 =	sadd.s32 $0xFFFFE003, lr  }
0x1b: {  	s9 =	sadd.s32 $0xFFFFFEF7, lr;
	s5 =	simm.s32 $0xFFFFFFFF;
	p2 =	slt.u32 s8, $0xFFFFF086  }
0x1c: {  	p1 =	slt.u32 s9, $0xF7A;
	s5 =	simm.s32 @!p2 $0x0  }
0x1d: {  	s5 =	simm.s32 @p1 $0x1;
	p0 =	seq.s32 s7, s2  }
0x1e: {  	s7 =	smul.u32 @!p0 $0xF7A, s2;
	p2 =	seq.s32 @!p0 s5, $0x0  }
0x1f: {  	s9 =	smul.u32 $0xF7A, s1;
	s8 =	simm.s32 @!p0 $0x1BF5;
	p2 =	por !p2, p0  }
0x20: {  	[sflag:s8] =	ssyncset.s32 @!p0 $0xFFFFF086;
	s6 =	sadd.s32 @!p0 s3, s7;
	s7 =	simm.s32 @!p0 $0x108  }
0x21: {  	s3 =	sadd.s32 s3, s9;
	s6 =	sadd.s32 @!p0 $0x88, s6;
	s7 =	simm.s32 @p2 $0x1082  }
0x22: {  	[simem:s7], [sflag:s8] =	dma.local @!p0 [hbm:s6], $0xF7A  }
0x23: {  	s9 =	sor.u32 $0xD0000000, s2;
	s6 =	simm.s32 $0x108;
	_ =	swait.ge @!p0 [sflag:s8], $0x0  }
0x24: {  	s3 =	sadd.s32 $0x88, s3;
	s6 =	simm.s32 @!p1 $0x1082;
	[sflag:s4] =	ssyncset.s32 $0xFFFFF086  }
0x25: {  	[simem:s6], [sflag:s4] =	dma.local [hbm:s3], $0xF7A  }
0x26: {  	[smem:$0x3F94] =	sst s1;
	(tag) =	ssettag s2;
	_ =	strace s9  }
0x27: {  	s1 =	sld [smem:$0x3FA4]  }
0x28: {  	s2 =	sld [smem:$0x3FA5]  }
0x29: {  	s4 =	sld [smem:$0x3FA7]  }
0x2a: {  	p0 =	seq.s32 s5, $0x0;
	s5 =	sld [smem:$0x3FA8]  }
0x2b: {  	s6 =	sld [smem:$0x3FA9]  }
0x2c: {  	s7 =	sld [smem:$0x3FAA]  }
0x2d: {  	s3 =	simm.s32 $0x108;
	s8 =	sld [smem:$0x3FAB]  }
0x2e: {  	s3 =	simm.s32 @!p0 $0x1082;
	s9 =	sld [smem:$0x3FAC]  }
0x2f: {  	lr =	sadd.s32 s0, s3;
	s0 =	sld [smem:$0x3FA3]  }
0x30: {  	s3 =	sld [smem:$0x3FA6]  }
0x31: {  	[smem:$0x3FAF] =	sst s10  }
0x32: {  	s10 =	sld [smem:$0x3FAD];
	_ =	sdelay $0x3  }
0x33: {  	p0 =	seq.s32 s10, $0x1;
	s10 =	sld [smem:$0x3FAF];
	_ =	sdelay $0x3  }
0x34: {  	[smem:$0x3FAF] =	sst s10  }
0x35: {  	s10 =	sld [smem:$0x3FAE];
	_ =	sdelay $0x3  }
0x36: {  	p1 =	seq.s32 s10, $0x1;
	s10 =	sld [smem:$0x3FAF];
	_ =	sdelay $0x3  }
0x37: {  	[smem:$0x3FAF] =	sst s10  }
0x38: {  	s10 =	sld [smem:$0x3FB0]  }
0x39: {  	_ = 	snop;
	(pc) =	sbr.ind lr, $3  }
0x3a: {  	_ = 	snop  }
0x3b: {  	_ = 	snop  }
0x3c: {  	p2 =	seq.s32 s10, $0x1;
	s10 =	sld [smem:$0x3FAF]  }
0x3d: {  	_ =	shalt  }
0x3e: {  	_ =	shalt  }
0x3f: {  	_ =	shalt  }
0x40: {  	_ =	shalt  }
0x41: {  	_ =	shalt  }
0x42: {  	_ =	shalt  }
0x43: {  	_ =	shalt  }
0x44: {  	_ =	shalt  }
0x45: {  	_ =	shalt  }
0x46: {  	_ =	shalt  }
0x47: {  	_ =	shalt  }
0x48: {  	_ =	shalt  }
0x49: {  	_ =	shalt  }
0x4a: {  	_ =	shalt  }
0x4b: {  	_ =	shalt  }
0x4c: {  	_ =	shalt  }
0x4d: {  	_ =	shalt  }
0x4e: {  	_ =	shalt  }
0x4f: {  	_ =	shalt  }
0x50: {  	_ =	shalt  }
0x51: {  	_ =	shalt  }
0x52: {  	_ =	shalt  }
0x53: {  	_ =	shalt  }
0x54: {  	_ =	shalt  }
0x55: {  	_ =	shalt  }
0x56: {  	_ =	shalt  }
0x57: {  	_ =	shalt  }
0x58: {  	_ =	shalt  }
0x59: {  	_ =	shalt  }
0x5a: {  	_ =	shalt  }
0x5b: {  	_ =	shalt  }
0x5c: {  	_ =	shalt  }
0x5d: {  	_ =	shalt  }
0x5e: {  	_ =	shalt  }
0x5f: {  	_ =	shalt  }
0x60: {  	_ =	shalt  }
0x61: {  	_ =	shalt  }
0x62: {  	_ =	shalt  }
0x63: {  	_ =	shalt  }
0x64: {  	_ =	shalt  }
0x65: {  	_ =	shalt  }
0x66: {  	_ =	shalt  }
0x67: {  	_ =	shalt  }
0x68: {  	_ =	shalt  }
0x69: {  	_ =	shalt  }
0x6a: {  	_ =	shalt  }
0x6b: {  	_ =	shalt  }
0x6c: {  	_ =	shalt  }
0x6d: {  	_ =	shalt  }
0x6e: {  	_ =	shalt  }
0x6f: {  	_ =	shalt  }
0x70: {  	_ =	shalt  }
0x71: {  	_ =	shalt  }
0x72: {  	_ =	shalt  }
0x73: {  	_ =	shalt  }
0x74: {  	_ =	shalt  }
0x75: {  	_ =	shalt  }
0x76: {  	_ =	shalt  }
0x77: {  	_ =	shalt  }
0x78: {  	_ =	shalt  }
0x79: {  	_ =	shalt  }
0x7a: {  	_ =	shalt  }
0x7b: {  	_ =	shalt  }
0x7c: {  	_ =	shalt  }
0x7d: {  	_ =	shalt  }
0x7e: {  	_ =	shalt  }
0x7f: {  	_ =	shalt  }
0x80: {  	_ =	shalt  }
0x81: {  	_ =	shalt  }
0x82: {  	_ =	shalt  }
0x83: {  	_ =	shalt  }
0x84: {  	_ =	shalt  }
0x85: {  	_ =	shalt  }
0x86: {  	_ =	shalt  }
0x87: {  	_ =	shalt  }
.Lfunc_end0:
.L_simem_size_0:
called_computation.1_lowered:
.L_overlay_start_0:
0x88: {  	s2 =	sld [smem:$0x3FD9]  }
0x89: {  	s3 =	sld [smem:$0x3FFE];
	_ =	sdelay $0x1  }
0x8a: {  	s1 =	srdreg.scid  }
0x8b: {  	s0 =	sand.u32 $0x1, s1  }
0x8c: {  	s14 =	sshll.u32 s0, $0xA;
	s2 =	sadd.s32 s3, s2  }
0x8d: {  	s2 =	sadd.s32 s2, s14  }
0x8e: {  	[smem:$0x3FBB] =	sst s2  }
0x8f: {  	_ = 	snop  }
0x90: {  	s2 =	sld [smem:$0x3FD0];
	_ =	sdelay $0x2  }
0x91: {  	s15 =	simm.s32 $0xA;
	s4 =	simm.s32 $0x10  }
0x92: {  	[smem:s4], [sflag:s15] =	dma.local [hbm:s2], $0x1  }
0x93: {  	_ =	swait.eq [sflag:s15], $0x1  }
0x94: {  	[sflag:s15] =	ssyncset.done $0x0  }
0x95: {  	[sflag:s15] =	ssyncadd.s32 $0xFFFFFFFF  }
0x96: {  	s16 =	sld [smem:$0x10];
	(tm) =	ssettm $0x1  }
0x97: {  	s17 =	sld [smem:$0x3FFB];
	_ =	sdelay $0x3  }
0x98: {  	_ =	strace s17  }
0x99: {  	s3 =	sld [smem:$0x3FFC];
	_ =	sdelay $0x3  }
0x9a: {  	_ =	strace s3  }
0x9b: {  	s3 =	sld [smem:$0x3FFD];
	_ =	sdelay $0x3  }
0x9c: {  	_ =	strace s3  }
0x9d: {  	_ =	strace $0x8FFFFFFF  }
0x9e: {  	s18 =	sld [smem:$0x3FDB];
	_ =	sdelay $0x1  }
0x9f: {  	s19 =	simm.s32 $_scs_section_size  }
0xa0: {  	s5 =	simm.s32 $_size__tile_overlayer_lowered;
	s6 =	simm.s32 $_tile_overlayer_lowered  }
0xa1: {  	s22 =	simm.s32 $0x1BFF;
	s21 =	sshll.u32 s6, $0x1;
	s3 =	sadd.s32 s19, s18  }
0xa2: {  	s7 =	simm.s32 $0x0;
	s20 =	sshll.u32 s5, $0x1;
	s5 =	sadd.s32 s21, s3  }
0xa3: {  	[timem:s7], [sflag:s22] =	dma.local [hbm:s5], s20  }
0xa4: {  	_ =	swait.ge [sflag:s22], s20  }
0xa5: {  	s4 =	ssub.s32 $0x0, s20;
	[sflag:s22] =	ssyncset.done $0x0  }
0xa6: {  	[sflag:s22] =	ssyncadd.s32 s4;
	_ =	sdelay $0x1  }
0xa7: {  	s23 =	simm.s32 $0x1B8B  }
0xa8: {  	_ =	swait.ge [sflag:s23], $0x1  }
0xa9: {  	[sflag:s23] =	ssyncset.done $0x0  }
0xaa: {  	s25 =	simm.s32 $0x1B8E;
	s24 =	sld [smem:$0x3FFE];
	[sflag:s23] =	ssyncadd.s32 $0xFFFFFFFF  }
0xab: {  	s26 =	simm.s32 $execute0_lowered;
	[smem:$0x3FD2] =	sst s25  }
0xac: {  	s5 =	sshll.u32 s26, $0x1;
	_ =	strace $0x80000049;
	[dreg:$0x1] =	wrdreg $0xFFFFFFFF  }
0xad: {  	s28 =	simm.s32 $_size_execute0_lowered;
	s3 =	sadd.s32 s3, s5;
	[dreg:$0x0] =	wrdreg $0x0  }
0xae: {  	s5 =	sshll.u32 s28, $0x1;
	[dreg:$0x2] =	wrdreg s3  }
0xaf: {  	[dreg:$0x3] =	wrdreg s5  }
0xb0: {  	[dreg:$0x4] =	wrdreg $0xC0  }
0xb1: {  	_ =	task [dreg:s7], $0x5FFFF  }
0xb2: {  	[dreg:$0x1] =	wrdreg $0xFFFFFFFF  }
0xb3: {  	[dreg:$0x0] =	wrdreg $0x60  }
0xb4: {  	[dreg:$0x2] =	wrdreg s24  }
0xb5: {  	[dreg:$0x3] =	wrdreg s16  }
0xb6: {  	[dreg:$0x4] =	wrdreg $0x9  }
0xb7: {  	_ =	task.clear_ibuf [dreg:s7], $0x5FFFF;
	_ =	strace $0x90000049  }
0xb8: {  	s29 =	simm.s32 $0x9;
	_ =	strace $0x8000004B  }
0xb9: {  	_ =	swait.ge [sflag:s29], $0x1  }
0xba: {  	[sflag:s29] =	ssyncadd.s32 $0xFFFFFFFF  }
0xbb: {  	_ =	strace $0x9000004B  }
0xbc: {  	_ =	sfence  }
0xbd: {  	s30 =	sld [smem:$0x0];
	_ =	sdelay $0x2  }
0xbe: {  	s31 =	sshll.u32 s1, $0xD;
	s1 =	sshrl.u32 s1, $0x2  }
0xbf: {  	s3 =	sand.u32 $0x4000, s31;
	s1 =	sadd.s32 s1, s30  }
0xc0: {  	s0 =	sor.u32 s3, s0;
	s1 =	sshll.u32 s1, $0x11  }
0xc1: {  	s0 =	sor.u32 s1, s0  }
0xc2: {  	s0 =	sadd.s32 $0x8F2B, s0  }
0xc3: {  	[sflag:s0] =	ssyncadd.remote.s32 $0x1  }
0xc4: {  	_ =	sfence.sel $0xFFFF  }
0xc5: {  	[dreg:$0x0] =	wrdreg $0xFFFFFFFF;
	(pc) =	sbr.abs _section_cstart, $3  }
0xc6: {  	[dreg:$0x1] =	wrdreg $0xFFFFFFFF  }
0xc7: {  	_ =	task.clear_ibuf [dreg:s7], $0x2FFFF;
	_ =	strace $0x9FFFFFFF  }
0xc8: {  	(tm) =	ssettm $0x7FFFFFFF  }
0xc9: {  	_ =	shalt  }
tec
execute0_lowered:
.L_overlay_start_1:
0x0: {  	(tag) =	ssettag $0x1  }
0x1: {  	s1 =	rddreg [dreg:$0x0];
	v0 =	vlaneseq.u32  }
0x2: {  	s11 =	rddreg [dreg:$0x1];
	v0 =	vmul.u32 $0x4, v0  }
0x3: {  	s0 =	rddreg [dreg:$0x2]  }
0x4: {  	s4 =	srdreg.scid;
	s2 =	stileid.u32;
	v1 =	vor.u32 $0x1, v0  }
0x5: {  	s3 =	simm.s32 $0x0;
	s15 =	simm.s32 $0xC080;
	s16 =	simm.s32 $0xC100;
	v2 =	vor.u32 $0x2, v0;
	v4 =	vor.u32 $0x40, v0;
	v5 =	vor.u32 $0x41, v0  }
0x6: {  	s17 =	simm.s32 $0xC180;
	s18 =	simm.s32 $0xC200;
	s19 =	simm.s32 $0xC280;
	v6 =	vor.u32 $0x42, v0;
	v7 =	vor.u32 $0x43, v0;
	v8 =	vor.u32 $0x80, v0  }
0x7: {  	s20 =	simm.s32 $0xC300;
	s4 =	sand.u32 $0x1, s4;
	s5 =	sshll.u32 s2, $0x1;
	v9 =	vor.u32 $0x81, v0;
	v10 =	vor.u32 $0x82, v0;
	v11 =	vor.u32 $0x83, v0  }
0x8: {  	s21 =	simm.s32 $0xC380;
	[smem:$0x7FF] =	sst s3;
	s10 =	sor.u32 s4, s5;
	v12 =	vor.u32 $0xC0, v0;
	v13 =	vor.u32 $0xC1, v0;
	v14 =	vor.u32 $0xC2, v0  }
0x9: {  	s31 =	ssub.s32 $0x2, s4;
	_ =	strace $0x8000004A;
	s4 =	sadd.s32 $0x40000, s1;
	v15 =	vor.u32 $0xC3, v0;
	v16 =	vor.u32 $0x100, v0;
	v17 =	vor.u32 $0x101, v0  }
0xa: {  	s6 =	sshll.u32 s10, $0x4;
	s7 =	sshrl.u32 s31, $0x1;
	s14 =	sshll.u32 s10, $0x6;
	v18 =	vor.u32 $0x102, v0;
	v19 =	vor.u32 $0x103, v0;
	v20 =	vor.u32 $0x140, v0  }
0xb: {  	v21 =	vor.u32 $0x141, v0;
	v22 =	vor.u32 $0x142, v0;
	v23 =	vor.u32 $0x143, v0;
	s12 =	sadd.s32 s6, s1;
	s13 =	ssub.s32 s31, s7;
	s11 =	sadd.s32 s11, s14  }
0xc: {  	v24 =	vor.u32 $0x180, v0;
	v25 =	vor.u32 $0x181, v0;
	v26 =	vor.u32 $0x182, v0;
	s14 =	simm.s32 $0xC000;
	s5 =	sadd.s32 $0x40200, s12;
	s6 =	sadd.s32 $0x40400, s12  }
0xd: {  	v3 =	vor.u32 $0x3, v0;
	v27 =	vor.u32 $0x183, v0;
	v28 =	vor.u32 $0x1C0, v0;
	s7 =	sadd.s32 $0x40600, s12;
	s8 =	sadd.s32 $0x40800, s12;
	s9 =	sadd.s32 $0x100A00, s12  }
0xe: {  	v29 =	vor.u32 $0x1C1, v0;
	v30 =	vor.u32 $0x1C2, v0;
	v31 =	vor.u32 $0x1C3, v0;
	s10 =	sadd.s32 $0x100C00, s12;
	s12 =	smax.u32 s13, $0x1;
	s13 =	simm.s32 $0x1  }
.LBB2_1:
0xf: {  	[tilespmem:s3], [sflag:$0x1] =	stream.linear.gather [hbm4b:s1+s3], $0xC000, $0x38;
	[tilespmem:$0xC580] =	vst v63  }
0x10: {  	_ =	swait.ge [sflag:s13], $0xC000  }
0x11: {  	[sflag:s13] =	ssyncset.done $0x0  }
0x12: {  	[sflag:s13] =	ssyncadd.s32 $0xFFFF4000  }
0x13: {  	[tilespmem:s14], [sflag:$0x1] =	stream.linear.gather [hbm4b:s4+s3], $0x80, $0x38;
	[tilespmem:$0xC580] =	vst v63  }
0x14: {  	_ =	swait.ge [sflag:s13], $0x80  }
0x15: {  	[sflag:s13] =	ssyncset.done $0x0  }
0x16: {  	[sflag:s13] =	ssyncadd.s32 $0xFFFFFF80  }
0x17: {  	[tilespmem:s15], [sflag:$0x1] =	stream.linear.gather [hbm4b:s5+s3], $0x80, $0x38;
	[tilespmem:$0xC580] =	vst v63  }
0x18: {  	_ =	swait.ge [sflag:s13], $0x80  }
0x19: {  	[sflag:s13] =	ssyncset.done $0x0  }
0x1a: {  	[sflag:s13] =	ssyncadd.s32 $0xFFFFFF80  }
0x1b: {  	[tilespmem:s16], [sflag:$0x1] =	stream.linear.gather [hbm4b:s6+s3], $0x80, $0x38;
	[tilespmem:$0xC580] =	vst v63  }
0x1c: {  	_ =	swait.ge [sflag:s13], $0x80  }
0x1d: {  	[sflag:s13] =	ssyncset.done $0x0  }
0x1e: {  	[sflag:s13] =	ssyncadd.s32 $0xFFFFFF80  }
0x1f: {  	[tilespmem:s17], [sflag:$0x1] =	stream.linear.gather [hbm4b:s7+s3], $0x80, $0x38;
	[tilespmem:$0xC580] =	vst v63  }
0x20: {  	_ =	swait.ge [sflag:s13], $0x80  }
0x21: {  	[sflag:s13] =	ssyncset.done $0x0  }
0x22: {  	[sflag:s13] =	ssyncadd.s32 $0xFFFFFF80  }
0x23: {  	[tilespmem:s18], [sflag:$0x1] =	stream.linear.gather [hbm4b:s8+s3], $0x80, $0x38;
	[tilespmem:$0xC580] =	vst v63  }
0x24: {  	_ =	swait.ge [sflag:s13], $0x80  }
0x25: {  	[sflag:s13] =	ssyncset.done $0x0  }
0x26: {  	[sflag:s13] =	ssyncadd.s32 $0xFFFFFF80  }
0x27: {  	[tilespmem:s19], [sflag:$0x1] =	stream.linear.gather [hbm4b:s9+s3], $0x80, $0x38;
	[tilespmem:$0xC580] =	vst v63  }
0x28: {  	_ =	swait.ge [sflag:s13], $0x80  }
0x29: {  	[sflag:s13] =	ssyncset.done $0x0  }
0x2a: {  	[sflag:s13] =	ssyncadd.s32 $0xFFFFFF80  }
0x2b: {  	[tilespmem:s20], [sflag:$0x1] =	stream.linear.gather [hbm4b:s10+s3], $0x80, $0x38;
	[tilespmem:$0xC580] =	vst v63  }
0x2c: {  	_ =	swait.ge [sflag:s13], $0x80  }
0x2d: {  	[sflag:s13] =	ssyncset.done $0x0  }
0x2e: {  	[sflag:s13] =	ssyncadd.s32 $0xFFFFFF80  }
0x2f: {  	v32 =	vld [tilespmem:$0xC080]  }
0x30: {  	v33 =	vld [tilespmem:$0xC100];
	_ =	sdelay $0x4  }
0x31: {  	v34 =	vld [tilespmem:$0xC180]  }
0x32: {  	v35 =	vld [tilespmem:$0xC200]  }
0x33: {  	v32 =	vld.idx.msk [tilespmem:v32+s14+$0x0], $0xffff  }
0x34: {  	v33 =	vld.idx.msk [tilespmem:v33+s14+$0x0], $0xffff;
	_ =	sdelay $0x3  }
0x35: {  	v32 =	vadd.s32 v32, v34  }
0x36: {  	v33 =	vadd.s32 v33, v35;
	v32 =	vshll.u32 v32, $0x2  }
0x37: {  	v33 =	vshll.u32 v33, $0x2;
	_ =	sdelay $0x1  }
0x38: {  	v46 =	vld [tilespmem:$0xC280]  }
0x39: {  	v47 =	vld [tilespmem:$0xC300]  }
0x3a: {  	v36 =	vld.idx.msk [tilespmem:v32+s3+$0x0], $0xffff  }
0x3b: {  	v37 =	vld.idx.msk [tilespmem:v33+s3+$0x0], $0xffff;
	_ =	sdelay $0x4  }
0x3c: {  	v38 =	vor.u32 $0x1, v32;
	v36 =	vmul.f32 v36, v46;
	v37 =	vmul.f32 v37, v47  }
0x3d: {  	v39 =	vor.u32 $0x1, v33  }
0x3e: {  	v36 =	vadd.f32 v37, v36;
	_ =	sdelay $0x1  }
0x3f: {  	[tilespmem:v0+s21+$0x0] =	vst.idx.msk $0xffff, v36  }
0x40: {  	v36 =	vld.idx.msk [tilespmem:v38+s3+$0x0], $0xffff  }
0x41: {  	v48 =	vld.idx.msk [tilespmem:v39+s3+$0x0], $0xffff;
	_ =	sdelay $0x4  }
0x42: {  	v49 =	vor.u32 $0x2, v32;
	v36 =	vmul.f32 v36, v46;
	v37 =	vmul.f32 v48, v47  }
0x43: {  	v50 =	vor.u32 $0x2, v33  }
0x44: {  	v36 =	vadd.f32 v37, v36;
	_ =	sdelay $0x1  }
0x45: {  	[tilespmem:v1+s21+$0x0] =	vst.idx.msk $0xffff, v36  }
0x46: {  	v36 =	vld.idx.msk [tilespmem:v49+s3+$0x0], $0xffff  }
0x47: {  	v51 =	vld.idx.msk [tilespmem:v50+s3+$0x0], $0xffff;
	_ =	sdelay $0x4  }
0x48: {  	v32 =	vor.u32 $0x3, v32;
	v36 =	vmul.f32 v36, v46;
	v37 =	vmul.f32 v51, v47  }
0x49: {  	v33 =	vor.u32 $0x3, v33  }
0x4a: {  	v36 =	vadd.f32 v37, v36;
	_ =	sdelay $0x1  }
0x4b: {  	[tilespmem:v2+s21+$0x0] =	vst.idx.msk $0xffff, v36  }
0x4c: {  	v32 =	vld.idx.msk [tilespmem:v32+s3+$0x0], $0xffff  }
0x4d: {  	v33 =	vld.idx.msk [tilespmem:v33+s3+$0x0], $0xffff;
	_ =	sdelay $0x4  }
0x4e: {  	v32 =	vmul.f32 v32, v46;
	v33 =	vmul.f32 v33, v47;
	_ =	sdelay $0x1  }
0x4f: {  	v32 =	vadd.f32 v33, v32;
	_ =	sdelay $0x1  }
0x50: {  	[tilespmem:v3+s21+$0x0] =	vst.idx.msk $0xffff, v32  }
0x51: {  	v32 =	vld [tilespmem:$0xC090]  }
0x52: {  	v52 =	vld [tilespmem:$0xC110];
	_ =	sdelay $0x4  }
0x53: {  	v53 =	vld [tilespmem:$0xC190]  }
0x54: {  	v54 =	vld [tilespmem:$0xC210]  }
0x55: {  	v32 =	vld.idx.msk [tilespmem:v32+s14+$0x0], $0xffff  }
0x56: {  	v33 =	vld.idx.msk [tilespmem:v52+s14+$0x0], $0xffff;
	_ =	sdelay $0x3  }
0x57: {  	v32 =	vadd.s32 v32, v53  }
0x58: {  	v33 =	vadd.s32 v33, v54;
	v32 =	vshll.u32 v32, $0x2  }
0x59: {  	v33 =	vshll.u32 v33, $0x2;
	_ =	sdelay $0x1  }
0x5a: {  	v55 =	vld [tilespmem:$0xC290]  }
0x5b: {  	v56 =	vld [tilespmem:$0xC310]  }
0x5c: {  	v36 =	vld.idx.msk [tilespmem:v32+s3+$0x0], $0xffff  }
0x5d: {  	v57 =	vld.idx.msk [tilespmem:v33+s3+$0x0], $0xffff;
	_ =	sdelay $0x4  }
0x5e: {  	v58 =	vor.u32 $0x1, v32;
	v36 =	vmul.f32 v36, v55;
	v37 =	vmul.f32 v57, v56  }
0x5f: {  	v59 =	vor.u32 $0x1, v33  }
0x60: {  	v36 =	vadd.f32 v37, v36;
	_ =	sdelay $0x1  }
0x61: {  	[tilespmem:v4+s21+$0x0] =	vst.idx.msk $0xffff, v36  }
0x62: {  	v36 =	vld.idx.msk [tilespmem:v58+s3+$0x0], $0xffff  }
0x63: {  	v60 =	vld.idx.msk [tilespmem:v59+s3+$0x0], $0xffff;
	_ =	sdelay $0x4  }
0x64: {  	v61 =	vor.u32 $0x2, v32;
	v36 =	vmul.f32 v36, v55;
	v37 =	vmul.f32 v60, v56  }
0x65: {  	v62 =	vor.u32 $0x2, v33  }
0x66: {  	v36 =	vadd.f32 v37, v36;
	_ =	sdelay $0x1  }
0x67: {  	[tilespmem:v5+s21+$0x0] =	vst.idx.msk $0xffff, v36  }
0x68: {  	v36 =	vld.idx.msk [tilespmem:v61+s3+$0x0], $0xffff  }
0x69: {  	v63 =	vld.idx.msk [tilespmem:v62+s3+$0x0], $0xffff;
	_ =	sdelay $0x4  }
0x6a: {  	v32 =	vor.u32 $0x3, v32;
	v36 =	vmul.f32 v36, v55;
	v37 =	vmul.f32 v63, v56  }
0x6b: {  	v33 =	vor.u32 $0x3, v33  }
0x6c: {  	v36 =	vadd.f32 v37, v36;
	_ =	sdelay $0x1  }
0x6d: {  	[tilespmem:v6+s21+$0x0] =	vst.idx.msk $0xffff, v36  }
0x6e: {  	v32 =	vld.idx.msk [tilespmem:v32+s3+$0x0], $0xffff  }
0x6f: {  	v33 =	vld.idx.msk [tilespmem:v33+s3+$0x0], $0xffff;
	_ =	sdelay $0x4  }
0x70: {  	v32 =	vmul.f32 v32, v55;
	v33 =	vmul.f32 v33, v56;
	_ =	sdelay $0x1  }
0x71: {  	v32 =	vadd.f32 v33, v32;
	_ =	sdelay $0x1  }
0x72: {  	[tilespmem:v7+s21+$0x0] =	vst.idx.msk $0xffff, v32  }
0x73: {  	v32 =	vld [tilespmem:$0xC0A0]  }
0x74: {  	v40 =	vld [tilespmem:$0xC120];
	_ =	sdelay $0x4  }
0x75: {  	v41 =	vld [tilespmem:$0xC1A0]  }
0x76: {  	v42 =	vld [tilespmem:$0xC220]  }
0x77: {  	v32 =	vld.idx.msk [tilespmem:v32+s14+$0x0], $0xffff  }
0x78: {  	v33 =	vld.idx.msk [tilespmem:v40+s14+$0x0], $0xffff;
	_ =	sdelay $0x3  }
0x79: {  	v32 =	vadd.s32 v32, v41  }
0x7a: {  	v33 =	vadd.s32 v33, v42;
	v32 =	vshll.u32 v32, $0x2  }
0x7b: {  	v33 =	vshll.u32 v33, $0x2;
	_ =	sdelay $0x1  }
0x7c: {  	v43 =	vld [tilespmem:$0xC2A0]  }
0x7d: {  	v44 =	vld [tilespmem:$0xC320]  }
0x7e: {  	v36 =	vld.idx.msk [tilespmem:v32+s3+$0x0], $0xffff  }
0x7f: {  	v45 =	vld.idx.msk [tilespmem:v33+s3+$0x0], $0xffff;
	_ =	sdelay $0x4  }
0x80: {  	v46 =	vor.u32 $0x1, v32;
	v36 =	vmul.f32 v36, v43;
	v37 =	vmul.f32 v45, v44  }
0x81: {  	v47 =	vor.u32 $0x1, v33  }
0x82: {  	v36 =	vadd.f32 v37, v36;
	_ =	sdelay $0x1  }
0x83: {  	[tilespmem:v8+s21+$0x0] =	vst.idx.msk $0xffff, v36  }
0x84: {  	v36 =	vld.idx.msk [tilespmem:v46+s3+$0x0], $0xffff  }
0x85: {  	v48 =	vld.idx.msk [tilespmem:v47+s3+$0x0], $0xffff;
	_ =	sdelay $0x4  }
0x86: {  	v49 =	vor.u32 $0x2, v32;
	v36 =	vmul.f32 v36, v43;
	v37 =	vmul.f32 v48, v44  }
0x87: {  	v50 =	vor.u32 $0x2, v33  }
0x88: {  	v36 =	vadd.f32 v37, v36;
	_ =	sdelay $0x1  }
0x89: {  	[tilespmem:v9+s21+$0x0] =	vst.idx.msk $0xffff, v36  }
0x8a: {  	v36 =	vld.idx.msk [tilespmem:v49+s3+$0x0], $0xffff  }
0x8b: {  	v51 =	vld.idx.msk [tilespmem:v50+s3+$0x0], $0xffff;
	_ =	sdelay $0x4  }
0x8c: {  	v32 =	vor.u32 $0x3, v32;
	v36 =	vmul.f32 v36, v43;
	v37 =	vmul.f32 v51, v44  }
0x8d: {  	v33 =	vor.u32 $0x3, v33  }
0x8e: {  	v36 =	vadd.f32 v37, v36;
	_ =	sdelay $0x1  }
0x8f: {  	[tilespmem:v10+s21+$0x0] =	vst.idx.msk $0xffff, v36  }
0x90: {  	v32 =	vld.idx.msk [tilespmem:v32+s3+$0x0], $0xffff  }
0x91: {  	v33 =	vld.idx.msk [tilespmem:v33+s3+$0x0], $0xffff;
	_ =	sdelay $0x4  }
0x92: {  	v32 =	vmul.f32 v32, v43;
	v33 =	vmul.f32 v33, v44;
	_ =	sdelay $0x1  }
0x93: {  	v32 =	vadd.f32 v33, v32;
	_ =	sdelay $0x1  }
0x94: {  	[tilespmem:v11+s21+$0x0] =	vst.idx.msk $0xffff, v32  }
0x95: {  	v32 =	vld [tilespmem:$0xC0B0]  }
0x96: {  	v52 =	vld [tilespmem:$0xC130];
	_ =	sdelay $0x4  }
0x97: {  	v53 =	vld [tilespmem:$0xC1B0]  }
0x98: {  	v54 =	vld [tilespmem:$0xC230]  }
0x99: {  	v32 =	vld.idx.msk [tilespmem:v32+s14+$0x0], $0xffff  }
0x9a: {  	v33 =	vld.idx.msk [tilespmem:v52+s14+$0x0], $0xffff;
	_ =	sdelay $0x3  }
0x9b: {  	v32 =	vadd.s32 v32, v53  }
0x9c: {  	v33 =	vadd.s32 v33, v54;
	v32 =	vshll.u32 v32, $0x2  }
0x9d: {  	v33 =	vshll.u32 v33, $0x2;
	_ =	sdelay $0x1  }
0x9e: {  	v55 =	vld [tilespmem:$0xC2B0]  }
0x9f: {  	v56 =	vld [tilespmem:$0xC330]  }
0xa0: {  	v36 =	vld.idx.msk [tilespmem:v32+s3+$0x0], $0xffff  }
0xa1: {  	v57 =	vld.idx.msk [tilespmem:v33+s3+$0x0], $0xffff;
	_ =	sdelay $0x4  }
0xa2: {  	v58 =	vor.u32 $0x1, v32;
	v36 =	vmul.f32 v36, v55;
	v37 =	vmul.f32 v57, v56  }
0xa3: {  	v59 =	vor.u32 $0x1, v33  }
0xa4: {  	v36 =	vadd.f32 v37, v36;
	_ =	sdelay $0x1  }
0xa5: {  	[tilespmem:v12+s21+$0x0] =	vst.idx.msk $0xffff, v36  }
0xa6: {  	v36 =	vld.idx.msk [tilespmem:v58+s3+$0x0], $0xffff  }
0xa7: {  	v60 =	vld.idx.msk [tilespmem:v59+s3+$0x0], $0xffff;
	_ =	sdelay $0x4  }
0xa8: {  	v61 =	vor.u32 $0x2, v32;
	v36 =	vmul.f32 v36, v55;
	v37 =	vmul.f32 v60, v56  }
0xa9: {  	v62 =	vor.u32 $0x2, v33  }
0xaa: {  	v36 =	vadd.f32 v37, v36;
	_ =	sdelay $0x1  }
0xab: {  	[tilespmem:v13+s21+$0x0] =	vst.idx.msk $0xffff, v36  }
0xac: {  	v36 =	vld.idx.msk [tilespmem:v61+s3+$0x0], $0xffff  }
0xad: {  	v63 =	vld.idx.msk [tilespmem:v62+s3+$0x0], $0xffff;
	_ =	sdelay $0x4  }
0xae: {  	v32 =	vor.u32 $0x3, v32;
	v36 =	vmul.f32 v36, v55;
	v37 =	vmul.f32 v63, v56  }
0xaf: {  	v33 =	vor.u32 $0x3, v33  }
0xb0: {  	v36 =	vadd.f32 v37, v36;
	_ =	sdelay $0x1  }
0xb1: {  	[tilespmem:v14+s21+$0x0] =	vst.idx.msk $0xffff, v36  }
0xb2: {  	v32 =	vld.idx.msk [tilespmem:v32+s3+$0x0], $0xffff  }
0xb3: {  	v33 =	vld.idx.msk [tilespmem:v33+s3+$0x0], $0xffff;
	_ =	sdelay $0x4  }
0xb4: {  	v32 =	vmul.f32 v32, v55;
	v33 =	vmul.f32 v33, v56;
	_ =	sdelay $0x1  }
0xb5: {  	v32 =	vadd.f32 v33, v32;
	_ =	sdelay $0x1  }
0xb6: {  	[tilespmem:v15+s21+$0x0] =	vst.idx.msk $0xffff, v32  }
0xb7: {  	v32 =	vld [tilespmem:$0xC0C0]  }
0xb8: {  	v40 =	vld [tilespmem:$0xC140];
	_ =	sdelay $0x4  }
0xb9: {  	v41 =	vld [tilespmem:$0xC1C0]  }
0xba: {  	v42 =	vld [tilespmem:$0xC240]  }
0xbb: {  	v32 =	vld.idx.msk [tilespmem:v32+s14+$0x0], $0xffff  }
0xbc: {  	v33 =	vld.idx.msk [tilespmem:v40+s14+$0x0], $0xffff;
	_ =	sdelay $0x3  }
0xbd: {  	v32 =	vadd.s32 v32, v41  }
0xbe: {  	v33 =	vadd.s32 v33, v42;
	v32 =	vshll.u32 v32, $0x2  }
0xbf: {  	v33 =	vshll.u32 v33, $0x2;
	_ =	sdelay $0x1  }
0xc0: {  	v43 =	vld [tilespmem:$0xC2C0]  }
0xc1: {  	v44 =	vld [tilespmem:$0xC340]  }
0xc2: {  	v36 =	vld.idx.msk [tilespmem:v32+s3+$0x0], $0xffff  }
0xc3: {  	v45 =	vld.idx.msk [tilespmem:v33+s3+$0x0], $0xffff;
	_ =	sdelay $0x4  }
0xc4: {  	v46 =	vor.u32 $0x1, v32;
	v36 =	vmul.f32 v36, v43;
	v37 =	vmul.f32 v45, v44  }
0xc5: {  	v47 =	vor.u32 $0x1, v33  }
0xc6: {  	v36 =	vadd.f32 v37, v36;
	_ =	sdelay $0x1  }
0xc7: {  	[tilespmem:v16+s21+$0x0] =	vst.idx.msk $0xffff, v36  }
0xc8: {  	v36 =	vld.idx.msk [tilespmem:v46+s3+$0x0], $0xffff  }
0xc9: {  	v48 =	vld.idx.msk [tilespmem:v47+s3+$0x0], $0xffff;
	_ =	sdelay $0x4  }
0xca: {  	v49 =	vor.u32 $0x2, v32;
	v36 =	vmul.f32 v36, v43;
	v37 =	vmul.f32 v48, v44  }
0xcb: {  	v50 =	vor.u32 $0x2, v33  }
0xcc: {  	v36 =	vadd.f32 v37, v36;
	_ =	sdelay $0x1  }
0xcd: {  	[tilespmem:v17+s21+$0x0] =	vst.idx.msk $0xffff, v36  }
0xce: {  	v36 =	vld.idx.msk [tilespmem:v49+s3+$0x0], $0xffff  }
0xcf: {  	v51 =	vld.idx.msk [tilespmem:v50+s3+$0x0], $0xffff;
	_ =	sdelay $0x4  }
0xd0: {  	v32 =	vor.u32 $0x3, v32;
	v36 =	vmul.f32 v36, v43;
	v37 =	vmul.f32 v51, v44  }
0xd1: {  	v33 =	vor.u32 $0x3, v33  }
0xd2: {  	v36 =	vadd.f32 v37, v36;
	_ =	sdelay $0x1  }
0xd3: {  	[tilespmem:v18+s21+$0x0] =	vst.idx.msk $0xffff, v36  }
0xd4: {  	v32 =	vld.idx.msk [tilespmem:v32+s3+$0x0], $0xffff  }
0xd5: {  	v33 =	vld.idx.msk [tilespmem:v33+s3+$0x0], $0xffff;
	_ =	sdelay $0x4  }
0xd6: {  	v32 =	vmul.f32 v32, v43;
	v33 =	vmul.f32 v33, v44;
	_ =	sdelay $0x1  }
0xd7: {  	v32 =	vadd.f32 v33, v32;
	_ =	sdelay $0x1  }
0xd8: {  	[tilespmem:v19+s21+$0x0] =	vst.idx.msk $0xffff, v32  }
0xd9: {  	v32 =	vld [tilespmem:$0xC0D0]  }
0xda: {  	v52 =	vld [tilespmem:$0xC150];
	_ =	sdelay $0x4  }
0xdb: {  	v53 =	vld [tilespmem:$0xC1D0]  }
0xdc: {  	v54 =	vld [tilespmem:$0xC250]  }
0xdd: {  	v32 =	vld.idx.msk [tilespmem:v32+s14+$0x0], $0xffff  }
0xde: {  	v33 =	vld.idx.msk [tilespmem:v52+s14+$0x0], $0xffff;
	_ =	sdelay $0x3  }
0xdf: {  	v32 =	vadd.s32 v32, v53  }
0xe0: {  	v33 =	vadd.s32 v33, v54;
	v32 =	vshll.u32 v32, $0x2  }
0xe1: {  	v33 =	vshll.u32 v33, $0x2;
	_ =	sdelay $0x1  }
0xe2: {  	v55 =	vld [tilespmem:$0xC2D0]  }
0xe3: {  	v56 =	vld [tilespmem:$0xC350]  }
0xe4: {  	v36 =	vld.idx.msk [tilespmem:v32+s3+$0x0], $0xffff  }
0xe5: {  	v57 =	vld.idx.msk [tilespmem:v33+s3+$0x0], $0xffff;
	_ =	sdelay $0x4  }
0xe6: {  	v58 =	vor.u32 $0x1, v32;
	v36 =	vmul.f32 v36, v55;
	v37 =	vmul.f32 v57, v56  }
0xe7: {  	v59 =	vor.u32 $0x1, v33  }
0xe8: {  	v36 =	vadd.f32 v37, v36;
	_ =	sdelay $0x1  }
0xe9: {  	[tilespmem:v20+s21+$0x0] =	vst.idx.msk $0xffff, v36  }
0xea: {  	v36 =	vld.idx.msk [tilespmem:v58+s3+$0x0], $0xffff  }
0xeb: {  	v60 =	vld.idx.msk [tilespmem:v59+s3+$0x0], $0xffff;
	_ =	sdelay $0x4  }
0xec: {  	v61 =	vor.u32 $0x2, v32;
	v36 =	vmul.f32 v36, v55;
	v37 =	vmul.f32 v60, v56  }
0xed: {  	v62 =	vor.u32 $0x2, v33  }
0xee: {  	v36 =	vadd.f32 v37, v36;
	_ =	sdelay $0x1  }
0xef: {  	[tilespmem:v21+s21+$0x0] =	vst.idx.msk $0xffff, v36  }
0xf0: {  	v36 =	vld.idx.msk [tilespmem:v61+s3+$0x0], $0xffff  }
0xf1: {  	v63 =	vld.idx.msk [tilespmem:v62+s3+$0x0], $0xffff;
	_ =	sdelay $0x4  }
0xf2: {  	v32 =	vor.u32 $0x3, v32;
	v36 =	vmul.f32 v36, v55;
	v37 =	vmul.f32 v63, v56  }
0xf3: {  	v33 =	vor.u32 $0x3, v33  }
0xf4: {  	v36 =	vadd.f32 v37, v36;
	_ =	sdelay $0x1  }
0xf5: {  	[tilespmem:v22+s21+$0x0] =	vst.idx.msk $0xffff, v36  }
0xf6: {  	v32 =	vld.idx.msk [tilespmem:v32+s3+$0x0], $0xffff  }
0xf7: {  	v33 =	vld.idx.msk [tilespmem:v33+s3+$0x0], $0xffff;
	_ =	sdelay $0x4  }
0xf8: {  	v32 =	vmul.f32 v32, v55;
	v33 =	vmul.f32 v33, v56;
	_ =	sdelay $0x1  }
0xf9: {  	v32 =	vadd.f32 v33, v32;
	_ =	sdelay $0x1  }
0xfa: {  	[tilespmem:v23+s21+$0x0] =	vst.idx.msk $0xffff, v32  }
0xfb: {  	v32 =	vld [tilespmem:$0xC0E0]  }
0xfc: {  	v40 =	vld [tilespmem:$0xC160];
	_ =	sdelay $0x4  }
0xfd: {  	v41 =	vld [tilespmem:$0xC1E0]  }
0xfe: {  	v42 =	vld [tilespmem:$0xC260]  }
0xff: {  	v32 =	vld.idx.msk [tilespmem:v32+s14+$0x0], $0xffff  }
0x100: {  	v33 =	vld.idx.msk [tilespmem:v40+s14+$0x0], $0xffff;
	_ =	sdelay $0x3  }
0x101: {  	v32 =	vadd.s32 v32, v41  }
0x102: {  	v33 =	vadd.s32 v33, v42;
	v32 =	vshll.u32 v32, $0x2  }
0x103: {  	v33 =	vshll.u32 v33, $0x2;
	_ =	sdelay $0x1  }
0x104: {  	v43 =	vld [tilespmem:$0xC2E0]  }
0x105: {  	v44 =	vld [tilespmem:$0xC360]  }
0x106: {  	v36 =	vld.idx.msk [tilespmem:v32+s3+$0x0], $0xffff  }
0x107: {  	v45 =	vld.idx.msk [tilespmem:v33+s3+$0x0], $0xffff;
	_ =	sdelay $0x4  }
0x108: {  	v46 =	vor.u32 $0x1, v32;
	v36 =	vmul.f32 v36, v43;
	v37 =	vmul.f32 v45, v44  }
0x109: {  	v47 =	vor.u32 $0x1, v33  }
0x10a: {  	v36 =	vadd.f32 v37, v36;
	_ =	sdelay $0x1  }
0x10b: {  	[tilespmem:v24+s21+$0x0] =	vst.idx.msk $0xffff, v36  }
0x10c: {  	v36 =	vld.idx.msk [tilespmem:v46+s3+$0x0], $0xffff  }
0x10d: {  	v48 =	vld.idx.msk [tilespmem:v47+s3+$0x0], $0xffff;
	_ =	sdelay $0x4  }
0x10e: {  	v49 =	vor.u32 $0x2, v32;
	v36 =	vmul.f32 v36, v43;
	v37 =	vmul.f32 v48, v44  }
0x10f: {  	v50 =	vor.u32 $0x2, v33  }
0x110: {  	v36 =	vadd.f32 v37, v36;
	_ =	sdelay $0x1  }
0x111: {  	[tilespmem:v25+s21+$0x0] =	vst.idx.msk $0xffff, v36  }
0x112: {  	v36 =	vld.idx.msk [tilespmem:v49+s3+$0x0], $0xffff  }
0x113: {  	v51 =	vld.idx.msk [tilespmem:v50+s3+$0x0], $0xffff;
	_ =	sdelay $0x4  }
0x114: {  	v32 =	vor.u32 $0x3, v32;
	v36 =	vmul.f32 v36, v43;
	v37 =	vmul.f32 v51, v44  }
0x115: {  	v33 =	vor.u32 $0x3, v33  }
0x116: {  	v36 =	vadd.f32 v37, v36;
	_ =	sdelay $0x1  }
0x117: {  	[tilespmem:v26+s21+$0x0] =	vst.idx.msk $0xffff, v36  }
0x118: {  	v32 =	vld.idx.msk [tilespmem:v32+s3+$0x0], $0xffff  }
0x119: {  	v33 =	vld.idx.msk [tilespmem:v33+s3+$0x0], $0xffff;
	_ =	sdelay $0x4  }
0x11a: {  	v32 =	vmul.f32 v32, v43;
	v33 =	vmul.f32 v33, v44;
	_ =	sdelay $0x1  }
0x11b: {  	v32 =	vadd.f32 v33, v32;
	_ =	sdelay $0x1  }
0x11c: {  	[tilespmem:v27+s21+$0x0] =	vst.idx.msk $0xffff, v32  }
0x11d: {  	v32 =	vld [tilespmem:$0xC0F0]  }
0x11e: {  	v52 =	vld [tilespmem:$0xC170];
	_ =	sdelay $0x4  }
0x11f: {  	v53 =	vld [tilespmem:$0xC1F0]  }
0x120: {  	v54 =	vld [tilespmem:$0xC270]  }
0x121: {  	v32 =	vld.idx.msk [tilespmem:v32+s14+$0x0], $0xffff  }
0x122: {  	v33 =	vld.idx.msk [tilespmem:v52+s14+$0x0], $0xffff;
	_ =	sdelay $0x3  }
0x123: {  	v32 =	vadd.s32 v32, v53  }
0x124: {  	v33 =	vadd.s32 v33, v54;
	v32 =	vshll.u32 v32, $0x2  }
0x125: {  	v33 =	vshll.u32 v33, $0x2;
	_ =	sdelay $0x1  }
0x126: {  	v55 =	vld [tilespmem:$0xC2F0]  }
0x127: {  	v56 =	vld [tilespmem:$0xC370]  }
0x128: {  	v36 =	vld.idx.msk [tilespmem:v32+s3+$0x0], $0xffff  }
0x129: {  	v57 =	vld.idx.msk [tilespmem:v33+s3+$0x0], $0xffff;
	_ =	sdelay $0x4  }
0x12a: {  	v58 =	vor.u32 $0x1, v32;
	v36 =	vmul.f32 v36, v55;
	v37 =	vmul.f32 v57, v56  }
0x12b: {  	v59 =	vor.u32 $0x1, v33  }
0x12c: {  	v36 =	vadd.f32 v37, v36;
	_ =	sdelay $0x1  }
0x12d: {  	[tilespmem:v28+s21+$0x0] =	vst.idx.msk $0xffff, v36  }
0x12e: {  	v36 =	vld.idx.msk [tilespmem:v58+s3+$0x0], $0xffff  }
0x12f: {  	v60 =	vld.idx.msk [tilespmem:v59+s3+$0x0], $0xffff;
	_ =	sdelay $0x4  }
0x130: {  	v61 =	vor.u32 $0x2, v32;
	v36 =	vmul.f32 v36, v55;
	v37 =	vmul.f32 v60, v56  }
0x131: {  	v62 =	vor.u32 $0x2, v33  }
0x132: {  	v36 =	vadd.f32 v37, v36;
	_ =	sdelay $0x1  }
0x133: {  	[tilespmem:v29+s21+$0x0] =	vst.idx.msk $0xffff, v36  }
0x134: {  	v36 =	vld.idx.msk [tilespmem:v61+s3+$0x0], $0xffff  }
0x135: {  	v63 =	vld.idx.msk [tilespmem:v62+s3+$0x0], $0xffff;
	_ =	sdelay $0x4  }
0x136: {  	v32 =	vor.u32 $0x3, v32;
	v36 =	vmul.f32 v36, v55;
	v37 =	vmul.f32 v63, v56  }
0x137: {  	v33 =	vor.u32 $0x3, v33  }
0x138: {  	v36 =	vadd.f32 v37, v36;
	_ =	sdelay $0x1  }
0x139: {  	[tilespmem:v30+s21+$0x0] =	vst.idx.msk $0xffff, v36  }
0x13a: {  	v32 =	vld.idx.msk [tilespmem:v32+s3+$0x0], $0xffff  }
0x13b: {  	v33 =	vld.idx.msk [tilespmem:v33+s3+$0x0], $0xffff;
	_ =	sdelay $0x4  }
0x13c: {  	v32 =	vmul.f32 v32, v55;
	v33 =	vmul.f32 v33, v56;
	_ =	sdelay $0x1  }
0x13d: {  	v32 =	vadd.f32 v33, v32  }
0x13e: {  	p0 =	sne.s32 s12, $0x1  }
.Ltmp0:
0x13f: {  	[tilespmem:v31+s21+$0x0] =	vst.idx.msk $0xffff, v32;
	(pc) =	sbr.rel @p0 .LBB2_1-.Ltmp0, $4  }
0x140: {  	[hbm4b:s11+s3] =	stream.linear.scatter [tilespmem:s21], [sflag:$0x1], $0x200, $0x38;
	[tilespmem:$0xC580] =	vst v63  }
0x141: {  	_ =	swait.ge [sflag:s13], $0x200  }
0x142: {  	[sflag:s13] =	ssyncset.done $0x0  }
0x143: {  	s12 =	sadd.s32 $0xFFFFFFFF, s12;
	[sflag:s13] =	ssyncadd.s32 $0xFFFFFE00  }
0x144: {  	_ =	sfence.sel $0x180000  }
0x145: {  	[bflag:$0x0] =	sbarrier.arrive $0xFFFF  }
0x146: {  	p0 =	sne.s32 s2, $0x0;
	_ =	strace $0x9000004A  }
0x147: {  	s0 =	sadd.s32 @!p0 $0x100000, s0;
	[bflag:$0x2] =	sbarrier.arrive $0xFFFF  }
0x148: {  	[sflag:s0] =	ssyncadd.tile.s32 @!p0 $0x1;
	_ =	shalt  }
.Lfunc_end2:
_tile_overlayer_lowered:
.L_overlay_start_2:
0x149: {  	(tag) =	ssettag $0x2  }
0x14a: {  	s0 =	rddreg [dreg:$0x0];
	s2 =	stileid.u32  }
0x14b: {  	s1 =	rddreg [dreg:$0x1];
	p0 =	sne.s32 s2, $0x0  }
0x14c: {  	s3 =	rddreg [dreg:$0x2];
	[bflag:$0x3] =	sbarrier.arrive $0xFFFF;
	s2 =	simm.s32 @!p0 $0x1C01  }
0x14d: {  	[timem:s3], [sflag:s2] =	dma.local @!p0 [hbm:s0], s1  }
0x14e: {  	s0 =	simm.s32 @!p0 $0x1  }
0x14f: {  	_ =	swait.ge @!p0 [sflag:s0], s1  }
0x150: {  	s1 =	ssub.s32 @!p0 $0x0, s1;
	[sflag:s0] =	ssyncset.done @!p0 $0x0  }
0x151: {  	[sflag:s0] =	ssyncadd.s32 @!p0 s1  }
0x152: {  	[bflag:$0x3] =	sbarrier.arrive $0xFFFF  }
0x153: {  	_ =	shalt  }

</sc_bundles>
